<compile_context>
chip_gen: v7x
topology: tpu7x:2x2x1
jax: 0.10.2.dev20260603
libtpu: 0.0.44.dev20260713+nightly
codegen_flags: <defaults>
</compile_context>

<pallas_src>
import functools

import jax
import jax.numpy as jnp
from jax import lax
from jax.experimental import pallas as pl
from jax.experimental.pallas import tpu as pltpu
from jax.experimental.pallas import tpu_sc as plsc

T = 2048
H = 16
D = 128
ROPE_DIM = 64
TOPK = 512
EPS = 1e-6

TB = 256
SB = 512

NC = 2
NS = 16
NW = NC * NS
RPW = T // NW


def _scores_body(qq_ref, k_ref, w_ref, out_ref):
    t = pl.program_id(0)
    s = pl.program_id(1)
    fully_masked = (t + 1) * TB - 1 < s * SB

    @pl.when(fully_masked)
    def _():
        out_ref[...] = jnp.full((TB, SB), -1e30, dtype=jnp.float32)

    @pl.when(jnp.logical_not(fully_masked))
    def _():
        w_blk = w_ref[...]
        k_blk = k_ref[...]
        acc = jnp.zeros((TB, SB), jnp.float32)
        for h in range(H):
            logits = jax.lax.dot_general(
                qq_ref[:, h * D:(h + 1) * D], k_blk,
                (((1,), (1,)), ((), ())),
                preferred_element_type=jnp.float32)
            acc = acc + w_blk[:, h:h + 1] * jnp.maximum(logits, 0.0)
        rows = t * TB + jax.lax.broadcasted_iota(jnp.int32, (TB, SB), 0)
        cols = s * SB + jax.lax.broadcasted_iota(jnp.int32, (TB, SB), 1)
        out_ref[...] = jnp.where(rows < cols, -1e30, acc)


def _scores_call(qq, k, w):
    return pl.pallas_call(
        _scores_body,
        grid=(T // TB, T // SB),
        in_specs=[
            pl.BlockSpec((TB, H * D), lambda t, s: (t, 0)),
            pl.BlockSpec((SB, D), lambda t, s: (s, 0)),
            pl.BlockSpec((TB, H), lambda t, s: (t, 0)),
        ],
        out_specs=pl.BlockSpec((TB, SB), lambda t, s: (t, s)),
        out_shape=jax.ShapeDtypeStruct((T, T), jnp.float32),
    )(qq, k, w)


def _bisect_body(s_ref, thr_ref, cnt_ref):
    bits = jax.lax.bitcast_convert_type(s_ref[...], jnp.int32)
    key = jnp.where(bits >= 0, bits, bits ^ jnp.int32(0x7FFFFFFF))

    def it(_, lohi):
        lo, hi = lohi
        mid = (lo | hi) - ((lo ^ hi) >> 1)
        cnt = jnp.sum((key >= mid).astype(jnp.int32), axis=1, keepdims=True)
        ok = cnt >= TOPK
        return jnp.where(ok, mid, lo), jnp.where(ok, hi, mid - 1)

    init = (jnp.full((TB, 1), -2**31, jnp.int32),
            jnp.full((TB, 1), 2**31 - 1, jnp.int32))
    lo, _ = jax.lax.fori_loop(0, 32, it, init)
    cntgt = jnp.sum((key > lo).astype(jnp.int32), axis=1, keepdims=True)
    thr_ref[...] = jnp.broadcast_to(lo, (TB, 128))
    cnt_ref[...] = jnp.broadcast_to(cntgt, (TB, 128))


def _bisect_call(scores):
    return pl.pallas_call(
        _bisect_body,
        grid=(T // TB,),
        in_specs=[pl.BlockSpec((TB, T), lambda t: (t, 0))],
        out_specs=[pl.BlockSpec((TB, 128), lambda t: (t, 0)),
                   pl.BlockSpec((TB, 128), lambda t: (t, 0))],
        out_shape=[jax.ShapeDtypeStruct((T, 128), jnp.int32),
                   jax.ShapeDtypeStruct((T, 128), jnp.int32)],
    )(scores)


def _sc_topk_body(scores_hbm, thr_hbm, cnt_hbm, vals_hbm, idx_hbm,
                  row_v, thr_v, cnt_v, ic, vout):
    wid = lax.axis_index("s") * NC + lax.axis_index("c")
    base = wid * RPW
    pltpu.sync_copy(thr_hbm.at[pl.ds(base, RPW)], thr_v)
    pltpu.sync_copy(cnt_hbm.at[pl.ds(base, RPW)], cnt_v)
    iota = jax.lax.broadcasted_iota(jnp.int32, (16,), 0)
    ones = jnp.ones((16,), jnp.int32)
    zeros = jnp.zeros((16,), jnp.int32)
    magic = jnp.full((16,), 0x7FFFFFFF, jnp.int32)

    def row_body(r, carry):
        row = base + r
        pltpu.sync_copy(scores_hbm.at[row], row_v)
        rsplat = zeros + r
        th = plsc.load_gather(thr_v, [rsplat])
        eq_need = 512 - plsc.load_gather(cnt_v, [rsplat])

        def compact_body(v, st):
            off, eqs = st
            for sub in range(4):
                pos = iota + (v * 4 + sub) * 16
                x = plsc.load_gather(row_v, [pos])
                b = plsc.bitcast(x, jnp.int32)
                key = jnp.where(b >= 0, b, b ^ magic)
                m_gt = key > th
                m_eq = key == th
                meqi = m_eq.astype(jnp.int32)
                eq_before = eqs + (plsc.cumsum(meqi) - meqi)
                keep = jnp.logical_or(
                    m_gt, jnp.logical_and(m_eq, eq_before < eq_need))
                ki = keep.astype(jnp.int32)
                dest = off + (plsc.cumsum(ki) - ki)
                plsc.store_scatter(vout, [dest], x, mask=keep)
                plsc.store_scatter(ic, [dest], pos, mask=keep)
                off = off + plsc.all_reduce_population_count(keep)
                eqs = eqs + plsc.all_reduce_population_count(m_eq)
            return (off, eqs)
        lax.fori_loop(0, 32, compact_body, (zeros, zeros))

        pltpu.sync_copy(vout, vals_hbm.at[row])
        pltpu.sync_copy(ic, idx_hbm.at[row])
        return carry

    lax.fori_loop(0, RPW, row_body, 0)


_sc_topk = functools.partial(
    pl.kernel,
    _sc_topk_body,
    out_type=[jax.ShapeDtypeStruct((T, TOPK), jnp.float32),
              jax.ShapeDtypeStruct((T, TOPK), jnp.int32)],
    mesh=plsc.VectorSubcoreMesh(core_axis_name="c", subcore_axis_name="s"),
    compiler_params=pltpu.CompilerParams(needs_layout_passes=False),
    scratch_types=[
        pltpu.VMEM((T,), jnp.float32),
        pltpu.VMEM((RPW,), jnp.int32),
        pltpu.VMEM((RPW,), jnp.int32),
        pltpu.VMEM((TOPK,), jnp.int32),
        pltpu.VMEM((TOPK,), jnp.float32),
    ],
)()


def _sort_body(v_ref, i_ref, vo_ref, io_ref):
    v = v_ref[...]
    ix = i_ref[...]
    lane = jax.lax.broadcasted_iota(jnp.int32, (TB, TOPK), 1)
    k = 2
    while k <= TOPK:
        dirdesc = (lane & k) == 0 if k < TOPK else lane >= 0
        j = k // 2
        while j >= 1:
            low = (lane & j) == 0
            pv = jnp.where(low, jnp.roll(v, -j, axis=1), jnp.roll(v, j, axis=1))
            pix = jnp.where(low, jnp.roll(ix, -j, axis=1),
                            jnp.roll(ix, j, axis=1))
            beats = jnp.logical_or(
                v > pv, jnp.logical_and(v == pv, ix < pix))
            keep = beats == (low == dirdesc)
            v = jnp.where(keep, v, pv)
            ix = jnp.where(keep, ix, pix)
            j //= 2
        k *= 2
    vo_ref[...] = v
    io_ref[...] = ix


def _sort_call(vals_c, idx_c):
    return pl.pallas_call(
        _sort_body,
        grid=(T // TB,),
        in_specs=[pl.BlockSpec((TB, TOPK), lambda t: (t, 0)),
                  pl.BlockSpec((TB, TOPK), lambda t: (t, 0))],
        out_specs=[pl.BlockSpec((TB, TOPK), lambda t: (t, 0)),
                   pl.BlockSpec((TB, TOPK), lambda t: (t, 0))],
        out_shape=[jax.ShapeDtypeStruct((T, TOPK), jnp.float32),
                   jax.ShapeDtypeStruct((T, TOPK), jnp.int32)],
    )(vals_c, idx_c)


def _rope(x, cos, sin):
    half = x.shape[-1] // 2
    x1 = x[..., :half]
    x2 = x[..., half:]
    return jnp.concatenate([x1 * cos - x2 * sin, x2 * cos + x1 * sin], axis=-1)


def _compute_scores(hidden_states, q_lora, wq_b, wk, k_norm_w, k_norm_b,
                    w_proj, cos_cache, sin_cache, positions):
    q = (q_lora @ wq_b).reshape(T, H, D)
    k = hidden_states @ wk
    mu = jnp.mean(k, axis=-1, keepdims=True)
    var = jnp.var(k, axis=-1, keepdims=True)
    k = (k - mu) / jnp.sqrt(var + EPS) * k_norm_w + k_norm_b
    cos = jnp.take(cos_cache, positions, axis=0)
    sin = jnp.take(sin_cache, positions, axis=0)
    q_rot = _rope(q[..., :ROPE_DIM], cos[:, None, :], sin[:, None, :])
    q = jnp.concatenate([q_rot, q[..., ROPE_DIM:]], axis=-1)
    k_rot = _rope(k[..., :ROPE_DIM], cos, sin)
    k = jnp.concatenate([k_rot, k[..., ROPE_DIM:]], axis=-1)
    q_scale = jnp.max(jnp.abs(q), axis=-1, keepdims=True) / 448.0 + 1e-12
    q_q = q / q_scale
    softmax_scale = D ** (-0.5)
    weights_scale = H ** (-0.5)
    w = hidden_states @ w_proj
    w = w * q_scale[:, :, 0] * (softmax_scale * weights_scale)
    return _scores_call(q_q.reshape(T, H * D), k, w)


def kernel(hidden_states, q_lora, wq_b, wk, k_norm_w, k_norm_b, w_proj,
           cos_cache, sin_cache, positions):
    scores = _compute_scores(hidden_states, q_lora, wq_b, wk, k_norm_w,
                             k_norm_b, w_proj, cos_cache, sin_cache,
                             positions)
    thr2d, cnt2d = _bisect_call(scores)
    vals_c, idx_c = _sc_topk(scores, thr2d[:, 0], cnt2d[:, 0])
    return _sort_call(vals_c, idx_c)

# --- scband reference (transcript-rebuilt; emitter-appended) ---
"""Pipeline reference for scband-indexer-85444079386737 (READ-ONLY COPY).

The authoritative reference and input builder live on the scoring server;
editing this copy changes nothing except your own understanding.
"""

import jax, jax.numpy as jnp
import numpy as np

T = 2048
D_MODEL = 2048
Q_LORA_RANK = 1536
H = 16
D = 128
ROPE_DIM = 64
TOPK = 512
EPS = 1e-6


def setup_inputs(seed: int = 0):
    key = jax.random.key(seed)
    ks = jax.random.split(key, 6)
    hidden_states = jax.random.normal(ks[0], (T, D_MODEL), dtype=jnp.float32)
    q_lora = jax.random.normal(ks[1], (T, Q_LORA_RANK), dtype=jnp.float32)
    positions = jnp.arange(T, dtype=jnp.int32)
    wq_b = jax.random.normal(ks[2], (Q_LORA_RANK, H * D), dtype=jnp.float32) * 0.02
    wk = jax.random.normal(ks[3], (D_MODEL, D), dtype=jnp.float32) * 0.02
    k_norm_w = jnp.ones((D,), dtype=jnp.float32)
    k_norm_b = jnp.zeros((D,), dtype=jnp.float32)
    w_proj = jax.random.normal(ks[4], (D_MODEL, H), dtype=jnp.float32) * 0.02
    inv_freq = 1.0 / (10000.0 ** (jnp.arange(0, ROPE_DIM, 2, dtype=jnp.float32) / ROPE_DIM))
    t = jnp.arange(T, dtype=jnp.float32)
    freqs = jnp.outer(t, inv_freq)
    cos_cache = jnp.cos(freqs)
    sin_cache = jnp.sin(freqs)
    return {"hidden_states": hidden_states, "q_lora": q_lora, "wq_b": wq_b, "wk": wk,
            "k_norm_w": k_norm_w, "k_norm_b": k_norm_b, "w_proj": w_proj,
            "cos_cache": cos_cache, "sin_cache": sin_cache, "positions": positions}


def _rope_neox(x, cos, sin):
    half = x.shape[-1] // 2
    x1 = x[..., :half]
    x2 = x[..., half:]
    return jnp.concatenate([x1 * cos - x2 * sin, x2 * cos + x1 * sin], axis=-1)


def reference(hidden_states, q_lora, wq_b, wk, k_norm_w, k_norm_b, w_proj, cos_cache, sin_cache, positions):
    # q projection from lora: wq_b
    q = (q_lora @ wq_b).reshape(T, H, D)
    # k projection + layernorm (k_norm)
    k = hidden_states @ wk
    mu = jnp.mean(k, axis=-1, keepdims=True)
    var = jnp.var(k, axis=-1, keepdims=True)
    k = (k - mu) / jnp.sqrt(var + EPS) * k_norm_w + k_norm_b
    # rope (neox style) on first ROPE_DIM dims, gathered from cos/sin cache by position
    cos = jnp.take(cos_cache, positions, axis=0)
    sin = jnp.take(sin_cache, positions, axis=0)
    q_rot = _rope_neox(q[..., :ROPE_DIM], cos[:, None, :], sin[:, None, :])
    q = jnp.concatenate([q_rot, q[..., ROPE_DIM:]], axis=-1)
    k_rot = _rope_neox(k[..., :ROPE_DIM], cos, sin)
    k = jnp.concatenate([k_rot, k[..., ROPE_DIM:]], axis=-1)
    # fp8-style per-(token,head) quant scale for q
    q_scale = jnp.max(jnp.abs(q), axis=-1, keepdims=True) / 448.0 + 1e-12
    q_q = q / q_scale
    # logits head gate: weights_proj(hidden) * q_scale * softmax_scale * weights_scale
    softmax_scale = D ** (-0.5)
    weights_scale = H ** (-0.5)
    w = hidden_states @ w_proj
    w = w[:, :, None] * q_scale * (softmax_scale * weights_scale)
    # index scores: sum_h w[t,h] * relu(q[t,h] . k[s])
    logits = jnp.einsum('thd,sd->ths', q_q, k)
    scores = jnp.sum(w * jax.nn.relu(logits), axis=1)
    # causal mask then top-k selection (DSA sparse index)
    causal = positions[:, None] >= positions[None, :]
    scores = jnp.where(causal, scores, -1e30)
    vals, idx = jax.lax.top_k(scores, TOPK)
    return vals, idx

if __name__ == "__main__":
    import jax
    _d = setup_inputs()
    print(jax.jit(kernel)(*tuple(_d.values())))

</pallas_src>

<mosaic_0001>
#map = affine_map<(d0, d1) -> (0, 0)>
#map1 = affine_map<(d0, d1) -> (0)>
module attributes {stable_mosaic.version = 14 : i64} {
  func.func @_sc_topk_body(%arg0: i32, %arg1: i32, %arg2: memref<2048x2048xf32, #tpu.memory_space<hbm>>, %arg3: memref<2048xi32, #tpu.memory_space<hbm>>, %arg4: memref<2048xi32, #tpu.memory_space<hbm>>, %arg5: memref<2048x512xf32, #tpu.memory_space<hbm>>, %arg6: memref<2048x512xi32, #tpu.memory_space<hbm>>, %arg7: memref<2048xf32, #tpu.memory_space<vmem>>, %arg8: memref<64xi32, #tpu.memory_space<vmem>>, %arg9: memref<64xi32, #tpu.memory_space<vmem>>, %arg10: memref<512xi32, #tpu.memory_space<vmem>>, %arg11: memref<512xf32, #tpu.memory_space<vmem>>) attributes {dimension_semantics = [#tpu.dimension_semantics<core_parallel>, #tpu.dimension_semantics<subcore_parallel>], iteration_bounds = array<i64: 2, 16>, scalar_prefetch = 0 : i64, scratch_operands = 5 : i64, tpu.core_type = #tpu.core_type<sc_vector_subcore>, window_params = [{transform_indices = #map}, {transform_indices = #map1}, {transform_indices = #map1}, {transform_indices = #map}, {transform_indices = #map}]} {
    %mul3A = arith.constant 2 : i32
    %mul3A_0 = arith.muli %arg1, %mul3A : i32
    %add3A = arith.addi %mul3A_0, %arg0 : i32
    %mul3A_1 = arith.constant 64 : i32
    %mul3A_2 = arith.muli %add3A, %mul3A_1 : i32
    "tpu.region"() ({
      %run_scoped3A = tpu.sem_alloc : memref<!tpu.dma_semaphore, #tpu.memory_space<semaphore_mem>>
      %dma_start3A = tpu.memref_slice %arg3[%mul3A_2] : memref<2048xi32, #tpu.memory_space<hbm>> -> memref<64xi32, #tpu.memory_space<hbm>>
      %dma_start3A_13 = tpu.memref_slice %arg3[%mul3A_2] : memref<2048xi32, #tpu.memory_space<hbm>> -> memref<64xi32, #tpu.memory_space<hbm>>
      tpu.enqueue_dma source(%dma_start3A_13 : memref<64xi32, #tpu.memory_space<hbm>>) target(%arg8 : memref<64xi32, #tpu.memory_space<vmem>>) target_semaphore(%run_scoped3A : memref<!tpu.dma_semaphore, #tpu.memory_space<semaphore_mem>>)
      %dma_wait3A = tpu.memref_slice %arg3[%mul3A_2] : memref<2048xi32, #tpu.memory_space<hbm>> -> memref<64xi32, #tpu.memory_space<hbm>>
      %dma_wait3A_14 = tpu.memref_slice %arg3[%mul3A_2] : memref<2048xi32, #tpu.memory_space<hbm>> -> memref<64xi32, #tpu.memory_space<hbm>>
      tpu.wait_dma2 semaphore(%run_scoped3A : memref<!tpu.dma_semaphore, #tpu.memory_space<semaphore_mem>>) src(%dma_wait3A_14 : memref<64xi32, #tpu.memory_space<hbm>>) dst(%arg8 : memref<64xi32, #tpu.memory_space<vmem>>)
      tpu.yield
    }) : () -> ()
    "tpu.region"() ({
      %run_scoped3A = tpu.sem_alloc : memref<!tpu.dma_semaphore, #tpu.memory_space<semaphore_mem>>
      %dma_start3A = tpu.memref_slice %arg4[%mul3A_2] : memref<2048xi32, #tpu.memory_space<hbm>> -> memref<64xi32, #tpu.memory_space<hbm>>
      %dma_start3A_13 = tpu.memref_slice %arg4[%mul3A_2] : memref<2048xi32, #tpu.memory_space<hbm>> -> memref<64xi32, #tpu.memory_space<hbm>>
      tpu.enqueue_dma source(%dma_start3A_13 : memref<64xi32, #tpu.memory_space<hbm>>) target(%arg9 : memref<64xi32, #tpu.memory_space<vmem>>) target_semaphore(%run_scoped3A : memref<!tpu.dma_semaphore, #tpu.memory_space<semaphore_mem>>)
      %dma_wait3A = tpu.memref_slice %arg4[%mul3A_2] : memref<2048xi32, #tpu.memory_space<hbm>> -> memref<64xi32, #tpu.memory_space<hbm>>
      %dma_wait3A_14 = tpu.memref_slice %arg4[%mul3A_2] : memref<2048xi32, #tpu.memory_space<hbm>> -> memref<64xi32, #tpu.memory_space<hbm>>
      tpu.wait_dma2 semaphore(%run_scoped3A : memref<!tpu.dma_semaphore, #tpu.memory_space<semaphore_mem>>) src(%dma_wait3A_14 : memref<64xi32, #tpu.memory_space<hbm>>) dst(%arg9 : memref<64xi32, #tpu.memory_space<vmem>>)
      tpu.yield
    }) : () -> ()
    %iota3A = tpu.iota {dimensions = array<i32: 0>} : vector<16xi32>
    %broadcast_in_dim3A = arith.constant 1 : i32
    %broadcast_in_dim3A_3 = vector.broadcast %broadcast_in_dim3A : i32 to vector<16xi32>
    %broadcast_in_dim3A_4 = arith.constant 0 : i32
    %broadcast_in_dim3A_5 = vector.broadcast %broadcast_in_dim3A_4 : i32 to vector<16xi32>
    %broadcast_in_dim3A_6 = arith.constant 2147483647 : i32
    %broadcast_in_dim3A_7 = vector.broadcast %broadcast_in_dim3A_6 : i32 to vector<16xi32>
    %scan3A = arith.constant 0 : i32
    %scan3A_8 = arith.constant 0 : i32
    %scan3A_9 = arith.constant 64 : i32
    %scan3A_10 = arith.addi %scan3A_8, %scan3A_9 : i32
    %scan3A_11 = arith.constant 1 : i32
    scf.for %scan3A_13 = %scan3A_8 to %scan3A_10 step %scan3A_11  : i32 {
      %add3A_14 = arith.addi %mul3A_2, %scan3A_13 : i32
      "tpu.region"() ({
        %run_scoped3A = tpu.sem_alloc : memref<!tpu.dma_semaphore, #tpu.memory_space<semaphore_mem>>
        %dma_start3A = arith.constant 0 : i32
        %dma_start3A_26 = tpu.memref_slice %arg2[%add3A_14, %dma_start3A] : memref<2048x2048xf32, #tpu.memory_space<hbm>> -> memref<1x2048xf32, #tpu.memory_space<hbm>>
        %dma_start3A_27 = tpu.memref_squeeze %dma_start3A_26 : memref<1x2048xf32, #tpu.memory_space<hbm>> -> memref<2048xf32, #tpu.memory_space<hbm>>
        %dma_start3A_28 = arith.constant 0 : i32
        %dma_start3A_29 = tpu.memref_slice %arg2[%add3A_14, %dma_start3A_28] : memref<2048x2048xf32, #tpu.memory_space<hbm>> -> memref<1x2048xf32, #tpu.memory_space<hbm>>
        %dma_start3A_30 = tpu.memref_squeeze %dma_start3A_29 : memref<1x2048xf32, #tpu.memory_space<hbm>> -> memref<2048xf32, #tpu.memory_space<hbm>>
        tpu.enqueue_dma source(%dma_start3A_30 : memref<2048xf32, #tpu.memory_space<hbm>>) target(%arg7 : memref<2048xf32, #tpu.memory_space<vmem>>) target_semaphore(%run_scoped3A : memref<!tpu.dma_semaphore, #tpu.memory_space<semaphore_mem>>)
        %dma_wait3A = arith.constant 0 : i32
        %dma_wait3A_31 = tpu.memref_slice %arg2[%add3A_14, %dma_wait3A] : memref<2048x2048xf32, #tpu.memory_space<hbm>> -> memref<1x2048xf32, #tpu.memory_space<hbm>>
        %dma_wait3A_32 = tpu.memref_squeeze %dma_wait3A_31 : memref<1x2048xf32, #tpu.memory_space<hbm>> -> memref<2048xf32, #tpu.memory_space<hbm>>
        %dma_wait3A_33 = arith.constant 0 : i32
        %dma_wait3A_34 = tpu.memref_slice %arg2[%add3A_14, %dma_wait3A_33] : memref<2048x2048xf32, #tpu.memory_space<hbm>> -> memref<1x2048xf32, #tpu.memory_space<hbm>>
        %dma_wait3A_35 = tpu.memref_squeeze %dma_wait3A_34 : memref<1x2048xf32, #tpu.memory_space<hbm>> -> memref<2048xf32, #tpu.memory_space<hbm>>
        tpu.wait_dma2 semaphore(%run_scoped3A : memref<!tpu.dma_semaphore, #tpu.memory_space<semaphore_mem>>) src(%dma_wait3A_35 : memref<2048xf32, #tpu.memory_space<hbm>>) dst(%arg7 : memref<2048xf32, #tpu.memory_space<vmem>>)
        tpu.yield
      }) : () -> ()
      %add3A_15 = vector.broadcast %scan3A_13 : i32 to vector<16xi32>
      %add3A_16 = arith.addi %broadcast_in_dim3A_5, %add3A_15 : vector<16xi32>
      %gather3A = tpu.vector_load_idx %arg8[%add3A_16] : memref<64xi32, #tpu.memory_space<vmem>>[vector<16xi32>], vector<16xi32>,
      %gather3A_17 = tpu.vector_load_idx %arg9[%add3A_16] : memref<64xi32, #tpu.memory_space<vmem>>[vector<16xi32>], vector<16xi32>,
      %sub3A = arith.constant 512 : i32
      %sub3A_18 = vector.broadcast %sub3A : i32 to vector<16xi32>
      %sub3A_19 = arith.subi %sub3A_18, %gather3A_17 : vector<16xi32>
      %scan3A_20 = arith.constant 0 : i32
      %scan3A_21 = arith.constant 32 : i32
      %scan3A_22 = arith.addi %scan3A_20, %scan3A_21 : i32
      %scan3A_23 = arith.constant 1 : i32
      %scan3A_24:2 = scf.for %scan3A_26 = %scan3A_20 to %scan3A_22 step %scan3A_23 iter_args(%scan3A_27 = %broadcast_in_dim3A_5, %scan3A_28 = %broadcast_in_dim3A_5) -> (vector<16xi32>, vector<16xi32>)  : i32 {
        %mul3A_29 = arith.constant 4 : i32
        %mul3A_30 = arith.muli %scan3A_26, %mul3A_29 : i32
        %add3A_31 = arith.constant 0 : i32
        %add3A_32 = arith.addi %mul3A_30, %add3A_31 : i32
        %mul3A_33 = arith.constant 16 : i32
        %mul3A_34 = arith.muli %add3A_32, %mul3A_33 : i32
        %add3A_35 = vector.broadcast %mul3A_34 : i32 to vector<16xi32>
        %add3A_36 = arith.addi %iota3A, %add3A_35 : vector<16xi32>
        %gather3A_37 = tpu.vector_load_idx %arg7[%add3A_36] : memref<2048xf32, #tpu.memory_space<vmem>>[vector<16xi32>], vector<16xf32>,
        %bitcast3A = vector.bitcast %gather3A_37 : vector<16xf32> to vector<16xi32>
        %ge3A = arith.constant 0 : i32
        %ge3A_38 = vector.broadcast %ge3A : i32 to vector<16xi32>
        %ge3A_39 = arith.cmpi sge, %bitcast3A, %ge3A_38 : vector<16xi32>
        %xor3A = arith.xori %bitcast3A, %broadcast_in_dim3A_7 : vector<16xi32>
        %select_n3A = arith.select %ge3A_39, %bitcast3A, %xor3A : vector<16xi1>, vector<16xi32>
        %gt3A = arith.cmpi sgt, %select_n3A, %gather3A : vector<16xi32>
        %eq3A = arith.cmpi eq, %select_n3A, %gather3A : vector<16xi32>
        %convert_element_type3A = arith.extui %eq3A : vector<16xi1> to vector<16xi32>
        %broadcast_in_dim3A_40 = arith.constant true
        %broadcast_in_dim3A_41 = vector.broadcast %broadcast_in_dim3A_40 : i1 to vector<16xi1>
        %masked_cumsum3A = tpu.scan <sum>, %convert_element_type3A masked %broadcast_in_dim3A_41 : vector<16xi32>, vector<16xi1> -> vector<16xi32>
        %sub3A_42 = arith.subi %masked_cumsum3A, %convert_element_type3A : vector<16xi32>
        %add3A_43 = arith.addi %scan3A_28, %sub3A_42 : vector<16xi32>
        %lt3A = arith.cmpi slt, %add3A_43, %sub3A_19 : vector<16xi32>
        %and3A = arith.andi %eq3A, %lt3A : vector<16xi1>
        %or3A = arith.ori %gt3A, %and3A : vector<16xi1>
        %convert_element_type3A_44 = arith.extui %or3A : vector<16xi1> to vector<16xi32>
        %broadcast_in_dim3A_45 = arith.constant true
        %broadcast_in_dim3A_46 = vector.broadcast %broadcast_in_dim3A_45 : i1 to vector<16xi1>
        %masked_cumsum3A_47 = tpu.scan <sum>, %convert_element_type3A_44 masked %broadcast_in_dim3A_46 : vector<16xi32>, vector<16xi1> -> vector<16xi32>
        %sub3A_48 = arith.subi %masked_cumsum3A_47, %convert_element_type3A_44 : vector<16xi32>
        %add3A_49 = arith.addi %scan3A_27, %sub3A_48 : vector<16xi32>
        tpu.vector_store_idx %arg11[%add3A_49], %gather3A_37 masked %or3A : memref<512xf32, #tpu.memory_space<vmem>>[vector<16xi32>], vector<16xf32>, vector<16xi1>
        tpu.vector_store_idx %arg10[%add3A_49], %add3A_36 masked %or3A : memref<512xi32, #tpu.memory_space<vmem>>[vector<16xi32>], vector<16xi32>, vector<16xi1>
        %all_reduce_population_count3A = tpu.all_reduce %or3A {dim = 0 : i64, kind = #tpu.reduction_kind<sum>} : vector<16xi1> -> vector<16xi32>
        %add3A_50 = arith.addi %scan3A_27, %all_reduce_population_count3A : vector<16xi32>
        %all_reduce_population_count3A_51 = tpu.all_reduce %eq3A {dim = 0 : i64, kind = #tpu.reduction_kind<sum>} : vector<16xi1> -> vector<16xi32>
        %add3A_52 = arith.addi %scan3A_28, %all_reduce_population_count3A_51 : vector<16xi32>
        %mul3A_53 = arith.constant 4 : i32
        %mul3A_54 = arith.muli %scan3A_26, %mul3A_53 : i32
        %add3A_55 = arith.constant 1 : i32
        %add3A_56 = arith.addi %mul3A_54, %add3A_55 : i32
        %mul3A_57 = arith.constant 16 : i32
        %mul3A_58 = arith.muli %add3A_56, %mul3A_57 : i32
        %add3A_59 = vector.broadcast %mul3A_58 : i32 to vector<16xi32>
        %add3A_60 = arith.addi %iota3A, %add3A_59 : vector<16xi32>
        %gather3A_61 = tpu.vector_load_idx %arg7[%add3A_60] : memref<2048xf32, #tpu.memory_space<vmem>>[vector<16xi32>], vector<16xf32>,
        %bitcast3A_62 = vector.bitcast %gather3A_61 : vector<16xf32> to vector<16xi32>
        %ge3A_63 = arith.constant 0 : i32
        %ge3A_64 = vector.broadcast %ge3A_63 : i32 to vector<16xi32>
        %ge3A_65 = arith.cmpi sge, %bitcast3A_62, %ge3A_64 : vector<16xi32>
        %xor3A_66 = arith.xori %bitcast3A_62, %broadcast_in_dim3A_7 : vector<16xi32>
        %select_n3A_67 = arith.select %ge3A_65, %bitcast3A_62, %xor3A_66 : vector<16xi1>, vector<16xi32>
        %gt3A_68 = arith.cmpi sgt, %select_n3A_67, %gather3A : vector<16xi32>
        %eq3A_69 = arith.cmpi eq, %select_n3A_67, %gather3A : vector<16xi32>
        %convert_element_type3A_70 = arith.extui %eq3A_69 : vector<16xi1> to vector<16xi32>
        %broadcast_in_dim3A_71 = arith.constant true
        %broadcast_in_dim3A_72 = vector.broadcast %broadcast_in_dim3A_71 : i1 to vector<16xi1>
        %masked_cumsum3A_73 = tpu.scan <sum>, %convert_element_type3A_70 masked %broadcast_in_dim3A_72 : vector<16xi32>, vector<16xi1> -> vector<16xi32>
        %sub3A_74 = arith.subi %masked_cumsum3A_73, %convert_element_type3A_70 : vector<16xi32>
        %add3A_75 = arith.addi %add3A_52, %sub3A_74 : vector<16xi32>
        %lt3A_76 = arith.cmpi slt, %add3A_75, %sub3A_19 : vector<16xi32>
        %and3A_77 = arith.andi %eq3A_69, %lt3A_76 : vector<16xi1>
        %or3A_78 = arith.ori %gt3A_68, %and3A_77 : vector<16xi1>
        %convert_element_type3A_79 = arith.extui %or3A_78 : vector<16xi1> to vector<16xi32>
        %broadcast_in_dim3A_80 = arith.constant true
        %broadcast_in_dim3A_81 = vector.broadcast %broadcast_in_dim3A_80 : i1 to vector<16xi1>
        %masked_cumsum3A_82 = tpu.scan <sum>, %convert_element_type3A_79 masked %broadcast_in_dim3A_81 : vector<16xi32>, vector<16xi1> -> vector<16xi32>
        %sub3A_83 = arith.subi %masked_cumsum3A_82, %convert_element_type3A_79 : vector<16xi32>
        %add3A_84 = arith.addi %add3A_50, %sub3A_83 : vector<16xi32>
        tpu.vector_store_idx %arg11[%add3A_84], %gather3A_61 masked %or3A_78 : memref<512xf32, #tpu.memory_space<vmem>>[vector<16xi32>], vector<16xf32>, vector<16xi1>
        tpu.vector_store_idx %arg10[%add3A_84], %add3A_60 masked %or3A_78 : memref<512xi32, #tpu.memory_space<vmem>>[vector<16xi32>], vector<16xi32>, vector<16xi1>
        %all_reduce_population_count3A_85 = tpu.all_reduce %or3A_78 {dim = 0 : i64, kind = #tpu.reduction_kind<sum>} : vector<16xi1> -> vector<16xi32>
        %add3A_86 = arith.addi %add3A_50, %all_reduce_population_count3A_85 : vector<16xi32>
        %all_reduce_population_count3A_87 = tpu.all_reduce %eq3A_69 {dim = 0 : i64, kind = #tpu.reduction_kind<sum>} : vector<16xi1> -> vector<16xi32>
        %add3A_88 = arith.addi %add3A_52, %all_reduce_population_count3A_87 : vector<16xi32>
        %mul3A_89 = arith.constant 4 : i32
        %mul3A_90 = arith.muli %scan3A_26, %mul3A_89 : i32
        %add3A_91 = arith.constant 2 : i32
        %add3A_92 = arith.addi %mul3A_90, %add3A_91 : i32
        %mul3A_93 = arith.constant 16 : i32
        %mul3A_94 = arith.muli %add3A_92, %mul3A_93 : i32
        %add3A_95 = vector.broadcast %mul3A_94 : i32 to vector<16xi32>
        %add3A_96 = arith.addi %iota3A, %add3A_95 : vector<16xi32>
        %gather3A_97 = tpu.vector_load_idx %arg7[%add3A_96] : memref<2048xf32, #tpu.memory_space<vmem>>[vector<16xi32>], vector<16xf32>,
        %bitcast3A_98 = vector.bitcast %gather3A_97 : vector<16xf32> to vector<16xi32>
        %ge3A_99 = arith.constant 0 : i32
        %ge3A_100 = vector.broadcast %ge3A_99 : i32 to vector<16xi32>
        %ge3A_101 = arith.cmpi sge, %bitcast3A_98, %ge3A_100 : vector<16xi32>
        %xor3A_102 = arith.xori %bitcast3A_98, %broadcast_in_dim3A_7 : vector<16xi32>
        %select_n3A_103 = arith.select %ge3A_101, %bitcast3A_98, %xor3A_102 : vector<16xi1>, vector<16xi32>
        %gt3A_104 = arith.cmpi sgt, %select_n3A_103, %gather3A : vector<16xi32>
        %eq3A_105 = arith.cmpi eq, %select_n3A_103, %gather3A : vector<16xi32>
        %convert_element_type3A_106 = arith.extui %eq3A_105 : vector<16xi1> to vector<16xi32>
        %broadcast_in_dim3A_107 = arith.constant true
        %broadcast_in_dim3A_108 = vector.broadcast %broadcast_in_dim3A_107 : i1 to vector<16xi1>
        %masked_cumsum3A_109 = tpu.scan <sum>, %convert_element_type3A_106 masked %broadcast_in_dim3A_108 : vector<16xi32>, vector<16xi1> -> vector<16xi32>
        %sub3A_110 = arith.subi %masked_cumsum3A_109, %convert_element_type3A_106 : vector<16xi32>
        %add3A_111 = arith.addi %add3A_88, %sub3A_110 : vector<16xi32>
        %lt3A_112 = arith.cmpi slt, %add3A_111, %sub3A_19 : vector<16xi32>
        %and3A_113 = arith.andi %eq3A_105, %lt3A_112 : vector<16xi1>
        %or3A_114 = arith.ori %gt3A_104, %and3A_113 : vector<16xi1>
        %convert_element_type3A_115 = arith.extui %or3A_114 : vector<16xi1> to vector<16xi32>
        %broadcast_in_dim3A_116 = arith.constant true
        %broadcast_in_dim3A_117 = vector.broadcast %broadcast_in_dim3A_116 : i1 to vector<16xi1>
        %masked_cumsum3A_118 = tpu.scan <sum>, %convert_element_type3A_115 masked %broadcast_in_dim3A_117 : vector<16xi32>, vector<16xi1> -> vector<16xi32>
        %sub3A_119 = arith.subi %masked_cumsum3A_118, %convert_element_type3A_115 : vector<16xi32>
        %add3A_120 = arith.addi %add3A_86, %sub3A_119 : vector<16xi32>
        tpu.vector_store_idx %arg11[%add3A_120], %gather3A_97 masked %or3A_114 : memref<512xf32, #tpu.memory_space<vmem>>[vector<16xi32>], vector<16xf32>, vector<16xi1>
        tpu.vector_store_idx %arg10[%add3A_120], %add3A_96 masked %or3A_114 : memref<512xi32, #tpu.memory_space<vmem>>[vector<16xi32>], vector<16xi32>, vector<16xi1>
        %all_reduce_population_count3A_121 = tpu.all_reduce %or3A_114 {dim = 0 : i64, kind = #tpu.reduction_kind<sum>} : vector<16xi1> -> vector<16xi32>
        %add3A_122 = arith.addi %add3A_86, %all_reduce_population_count3A_121 : vector<16xi32>
        %all_reduce_population_count3A_123 = tpu.all_reduce %eq3A_105 {dim = 0 : i64, kind = #tpu.reduction_kind<sum>} : vector<16xi1> -> vector<16xi32>
        %add3A_124 = arith.addi %add3A_88, %all_reduce_population_count3A_123 : vector<16xi32>
        %mul3A_125 = arith.constant 4 : i32
        %mul3A_126 = arith.muli %scan3A_26, %mul3A_125 : i32
        %add3A_127 = arith.constant 3 : i32
        %add3A_128 = arith.addi %mul3A_126, %add3A_127 : i32
        %mul3A_129 = arith.constant 16 : i32
        %mul3A_130 = arith.muli %add3A_128, %mul3A_129 : i32
        %add3A_131 = vector.broadcast %mul3A_130 : i32 to vector<16xi32>
        %add3A_132 = arith.addi %iota3A, %add3A_131 : vector<16xi32>
        %gather3A_133 = tpu.vector_load_idx %arg7[%add3A_132] : memref<2048xf32, #tpu.memory_space<vmem>>[vector<16xi32>], vector<16xf32>,
        %bitcast3A_134 = vector.bitcast %gather3A_133 : vector<16xf32> to vector<16xi32>
        %ge3A_135 = arith.constant 0 : i32
        %ge3A_136 = vector.broadcast %ge3A_135 : i32 to vector<16xi32>
        %ge3A_137 = arith.cmpi sge, %bitcast3A_134, %ge3A_136 : vector<16xi32>
        %xor3A_138 = arith.xori %bitcast3A_134, %broadcast_in_dim3A_7 : vector<16xi32>
        %select_n3A_139 = arith.select %ge3A_137, %bitcast3A_134, %xor3A_138 : vector<16xi1>, vector<16xi32>
        %gt3A_140 = arith.cmpi sgt, %select_n3A_139, %gather3A : vector<16xi32>
        %eq3A_141 = arith.cmpi eq, %select_n3A_139, %gather3A : vector<16xi32>
        %convert_element_type3A_142 = arith.extui %eq3A_141 : vector<16xi1> to vector<16xi32>
        %broadcast_in_dim3A_143 = arith.constant true
        %broadcast_in_dim3A_144 = vector.broadcast %broadcast_in_dim3A_143 : i1 to vector<16xi1>
        %masked_cumsum3A_145 = tpu.scan <sum>, %convert_element_type3A_142 masked %broadcast_in_dim3A_144 : vector<16xi32>, vector<16xi1> -> vector<16xi32>
        %sub3A_146 = arith.subi %masked_cumsum3A_145, %convert_element_type3A_142 : vector<16xi32>
        %add3A_147 = arith.addi %add3A_124, %sub3A_146 : vector<16xi32>
        %lt3A_148 = arith.cmpi slt, %add3A_147, %sub3A_19 : vector<16xi32>
        %and3A_149 = arith.andi %eq3A_141, %lt3A_148 : vector<16xi1>
        %or3A_150 = arith.ori %gt3A_140, %and3A_149 : vector<16xi1>
        %convert_element_type3A_151 = arith.extui %or3A_150 : vector<16xi1> to vector<16xi32>
        %broadcast_in_dim3A_152 = arith.constant true
        %broadcast_in_dim3A_153 = vector.broadcast %broadcast_in_dim3A_152 : i1 to vector<16xi1>
        %masked_cumsum3A_154 = tpu.scan <sum>, %convert_element_type3A_151 masked %broadcast_in_dim3A_153 : vector<16xi32>, vector<16xi1> -> vector<16xi32>
        %sub3A_155 = arith.subi %masked_cumsum3A_154, %convert_element_type3A_151 : vector<16xi32>
        %add3A_156 = arith.addi %add3A_122, %sub3A_155 : vector<16xi32>
        tpu.vector_store_idx %arg11[%add3A_156], %gather3A_133 masked %or3A_150 : memref<512xf32, #tpu.memory_space<vmem>>[vector<16xi32>], vector<16xf32>, vector<16xi1>
        tpu.vector_store_idx %arg10[%add3A_156], %add3A_132 masked %or3A_150 : memref<512xi32, #tpu.memory_space<vmem>>[vector<16xi32>], vector<16xi32>, vector<16xi1>
        %all_reduce_population_count3A_157 = tpu.all_reduce %or3A_150 {dim = 0 : i64, kind = #tpu.reduction_kind<sum>} : vector<16xi1> -> vector<16xi32>
        %add3A_158 = arith.addi %add3A_122, %all_reduce_population_count3A_157 : vector<16xi32>
        %all_reduce_population_count3A_159 = tpu.all_reduce %eq3A_141 {dim = 0 : i64, kind = #tpu.reduction_kind<sum>} : vector<16xi1> -> vector<16xi32>
        %add3A_160 = arith.addi %add3A_124, %all_reduce_population_count3A_159 : vector<16xi32>
        scf.yield %add3A_158, %add3A_160 : vector<16xi32>, vector<16xi32>
      }
      %scan3A_25 = arith.constant 32 : i32
      "tpu.region"() ({
        %run_scoped3A = tpu.sem_alloc : memref<!tpu.dma_semaphore, #tpu.memory_space<semaphore_mem>>
        %dma_start3A = arith.constant 0 : i32
        %dma_start3A_26 = tpu.memref_slice %arg5[%add3A_14, %dma_start3A] : memref<2048x512xf32, #tpu.memory_space<hbm>> -> memref<1x512xf32, #tpu.memory_space<hbm>>
        %dma_start3A_27 = tpu.memref_squeeze %dma_start3A_26 : memref<1x512xf32, #tpu.memory_space<hbm>> -> memref<512xf32, #tpu.memory_space<hbm>>
        %dma_start3A_28 = arith.constant 0 : i32
        %dma_start3A_29 = tpu.memref_slice %arg5[%add3A_14, %dma_start3A_28] : memref<2048x512xf32, #tpu.memory_space<hbm>> -> memref<1x512xf32, #tpu.memory_space<hbm>>
        %dma_start3A_30 = tpu.memref_squeeze %dma_start3A_29 : memref<1x512xf32, #tpu.memory_space<hbm>> -> memref<512xf32, #tpu.memory_space<hbm>>
        tpu.enqueue_dma source(%arg11 : memref<512xf32, #tpu.memory_space<vmem>>) target(%dma_start3A_30 : memref<512xf32, #tpu.memory_space<hbm>>) target_semaphore(%run_scoped3A : memref<!tpu.dma_semaphore, #tpu.memory_space<semaphore_mem>>)
        %dma_wait3A = arith.constant 0 : i32
        %dma_wait3A_31 = tpu.memref_slice %arg5[%add3A_14, %dma_wait3A] : memref<2048x512xf32, #tpu.memory_space<hbm>> -> memref<1x512xf32, #tpu.memory_space<hbm>>
        %dma_wait3A_32 = tpu.memref_squeeze %dma_wait3A_31 : memref<1x512xf32, #tpu.memory_space<hbm>> -> memref<512xf32, #tpu.memory_space<hbm>>
        %dma_wait3A_33 = arith.constant 0 : i32
        %dma_wait3A_34 = tpu.memref_slice %arg5[%add3A_14, %dma_wait3A_33] : memref<2048x512xf32, #tpu.memory_space<hbm>> -> memref<1x512xf32, #tpu.memory_space<hbm>>
        %dma_wait3A_35 = tpu.memref_squeeze %dma_wait3A_34 : memref<1x512xf32, #tpu.memory_space<hbm>> -> memref<512xf32, #tpu.memory_space<hbm>>
        tpu.wait_dma2 semaphore(%run_scoped3A : memref<!tpu.dma_semaphore, #tpu.memory_space<semaphore_mem>>) src(%arg11 : memref<512xf32, #tpu.memory_space<vmem>>) dst(%dma_wait3A_35 : memref<512xf32, #tpu.memory_space<hbm>>)
        tpu.yield
      }) : () -> ()
      "tpu.region"() ({
        %run_scoped3A = tpu.sem_alloc : memref<!tpu.dma_semaphore, #tpu.memory_space<semaphore_mem>>
        %dma_start3A = arith.constant 0 : i32
        %dma_start3A_26 = tpu.memref_slice %arg6[%add3A_14, %dma_start3A] : memref<2048x512xi32, #tpu.memory_space<hbm>> -> memref<1x512xi32, #tpu.memory_space<hbm>>
        %dma_start3A_27 = tpu.memref_squeeze %dma_start3A_26 : memref<1x512xi32, #tpu.memory_space<hbm>> -> memref<512xi32, #tpu.memory_space<hbm>>
        %dma_start3A_28 = arith.constant 0 : i32
        %dma_start3A_29 = tpu.memref_slice %arg6[%add3A_14, %dma_start3A_28] : memref<2048x512xi32, #tpu.memory_space<hbm>> -> memref<1x512xi32, #tpu.memory_space<hbm>>
        %dma_start3A_30 = tpu.memref_squeeze %dma_start3A_29 : memref<1x512xi32, #tpu.memory_space<hbm>> -> memref<512xi32, #tpu.memory_space<hbm>>
        tpu.enqueue_dma source(%arg10 : memref<512xi32, #tpu.memory_space<vmem>>) target(%dma_start3A_30 : memref<512xi32, #tpu.memory_space<hbm>>) target_semaphore(%run_scoped3A : memref<!tpu.dma_semaphore, #tpu.memory_space<semaphore_mem>>)
        %dma_wait3A = arith.constant 0 : i32
        %dma_wait3A_31 = tpu.memref_slice %arg6[%add3A_14, %dma_wait3A] : memref<2048x512xi32, #tpu.memory_space<hbm>> -> memref<1x512xi32, #tpu.memory_space<hbm>>
        %dma_wait3A_32 = tpu.memref_squeeze %dma_wait3A_31 : memref<1x512xi32, #tpu.memory_space<hbm>> -> memref<512xi32, #tpu.memory_space<hbm>>
        %dma_wait3A_33 = arith.constant 0 : i32
        %dma_wait3A_34 = tpu.memref_slice %arg6[%add3A_14, %dma_wait3A_33] : memref<2048x512xi32, #tpu.memory_space<hbm>> -> memref<1x512xi32, #tpu.memory_space<hbm>>
        %dma_wait3A_35 = tpu.memref_squeeze %dma_wait3A_34 : memref<1x512xi32, #tpu.memory_space<hbm>> -> memref<512xi32, #tpu.memory_space<hbm>>
        tpu.wait_dma2 semaphore(%run_scoped3A : memref<!tpu.dma_semaphore, #tpu.memory_space<semaphore_mem>>) src(%arg10 : memref<512xi32, #tpu.memory_space<vmem>>) dst(%dma_wait3A_35 : memref<512xi32, #tpu.memory_space<hbm>>)
        tpu.yield
      }) : () -> ()
    }
    %scan3A_12 = arith.constant 64 : i32
    return
  }
}

module attributes {stable_mosaic.version = 14 : i64} {
  func.func @_scores_body(%arg0: i32, %arg1: i32, %arg2: memref<256x2048xf32, #tpu.memory_space<vmem>>, %arg3: memref<512x128xf32, #tpu.memory_space<vmem>>, %arg4: memref<256x16xf32, #tpu.memory_space<vmem>>, %arg5: memref<256x512xf32, #tpu.memory_space<vmem>>) attributes {dimension_semantics = [#tpu.dimension_semantics<arbitrary>, #tpu.dimension_semantics<arbitrary>], iteration_bounds = array<i64: 8, 4>, scalar_prefetch = 0 : i64, scratch_operands = 0 : i64, tpu.core_type = #tpu.core_type<tc>, window_params = [{transform_indices = @transform_0, window_bounds = array<i64: 256, 2048>}, {transform_indices = @transform_1, window_bounds = array<i64: 512, 128>}, {transform_indices = @transform_2, window_bounds = array<i64: 256, 16>}, {transform_indices = @transform_3, window_bounds = array<i64: 256, 512>}]} {
    %add3A = arith.constant 1 : i32
    %add3A_0 = arith.addi %arg0, %add3A : i32
    %mul3A = arith.constant 256 : i32
    %mul3A_1 = arith.muli %add3A_0, %mul3A : i32
    %sub3A = arith.constant 1 : i32
    %sub3A_2 = arith.subi %mul3A_1, %sub3A : i32
    %mul3A_3 = arith.constant 512 : i32
    %mul3A_4 = arith.muli %arg1, %mul3A_3 : i32
    %lt3A = arith.cmpi slt, %sub3A_2, %mul3A_4 : i32
    %convert_element_type3A = arith.extui %lt3A : i1 to i32
    %cond3A = arith.constant 0 : i32
    %cond3A_5 = arith.cmpi ne, %convert_element_type3A, %cond3A : i32
    scf.if %cond3A_5 {
      %broadcast_in_dim3A = arith.constant -1.000000e+30 : f32
      %broadcast_in_dim3A_10 = vector.broadcast %broadcast_in_dim3A : f32 to vector<256x512xf32>
      %swap3A = arith.constant 0 : index
      %swap3A_11 = arith.constant 0 : index
      %swap3A_12 = vector.load %arg5[%swap3A, %swap3A_11] : memref<256x512xf32, #tpu.memory_space<vmem>>, vector<256x512xf32>
      tpu.vector_store %arg5[%swap3A, %swap3A_11], %broadcast_in_dim3A_10 {strides = array<i32>} : memref<256x512xf32, #tpu.memory_space<vmem>>, vector<256x512xf32>,
    } else {
    }
    %not3A = arith.constant true
    %not3A_6 = arith.xori %lt3A, %not3A : i1
    %convert_element_type3A_7 = arith.extui %not3A_6 : i1 to i32
    %cond3A_8 = arith.constant 0 : i32
    %cond3A_9 = arith.cmpi ne, %convert_element_type3A_7, %cond3A_8 : i32
    scf.if %cond3A_9 {
      %get3A = arith.constant 0 : index
      %get3A_10 = arith.constant 0 : index
      %get3A_11 = vector.load %arg4[%get3A, %get3A_10] : memref<256x16xf32, #tpu.memory_space<vmem>>, vector<256x16xf32>
      %get3A_12 = arith.constant 0 : index
      %get3A_13 = arith.constant 0 : index
      %get3A_14 = vector.load %arg3[%get3A_12, %get3A_13] : memref<512x128xf32, #tpu.memory_space<vmem>>, vector<512x128xf32>
      %broadcast_in_dim3A = arith.constant 0.000000e+00 : f32
      %broadcast_in_dim3A_15 = vector.broadcast %broadcast_in_dim3A : f32 to vector<256x512xf32>
      %get3A_16 = arith.constant 0 : index
      %get3A_17 = arith.constant 0 : index
      %get3A_18 = vector.load %arg2[%get3A_16, %get3A_17] : memref<256x2048xf32, #tpu.memory_space<vmem>>, vector<256x128xf32>
      %dot_general3A = arith.constant dense<0.000000e+00> : vector<256x512xf32>
      %dot_general3A_19 = tpu.matmul %get3A_18, %get3A_14, %dot_general3A {dimension_numbers = #tpu.dot_dimension_numbers<[1], [1], [0], [0], [0, 0, 1, 0], [], []>, transpose_lhs_hint = false} : vector<256x128xf32>, vector<512x128xf32>, vector<256x512xf32> -> vector<256x512xf32>
      %slice3A = vector.extract_strided_slice %get3A_11 {offsets = [0, 0], sizes = [256, 1], strides = [1, 1]} : vector<256x16xf32> to vector<256x1xf32>
      %max3A = arith.constant 0.000000e+00 : f32
      %max3A_20 = vector.broadcast %max3A : f32 to vector<256x512xf32>
      %max3A_21 = arith.maximumf %dot_general3A_19, %max3A_20 : vector<256x512xf32>
      %mul3A_22 = vector.broadcast %slice3A : vector<256x1xf32> to vector<256x512xf32>
      %mul3A_23 = arith.mulf %mul3A_22, %max3A_21 : vector<256x512xf32>
      %add3A_24 = arith.addf %broadcast_in_dim3A_15, %mul3A_23 : vector<256x512xf32>
      %get3A_25 = arith.constant 0 : index
      %get3A_26 = arith.constant 128 : index
      %get3A_27 = vector.load %arg2[%get3A_25, %get3A_26] : memref<256x2048xf32, #tpu.memory_space<vmem>>, vector<256x128xf32>
      %dot_general3A_28 = arith.constant dense<0.000000e+00> : vector<256x512xf32>
      %dot_general3A_29 = tpu.matmul %get3A_27, %get3A_14, %dot_general3A_28 {dimension_numbers = #tpu.dot_dimension_numbers<[1], [1], [0], [0], [0, 0, 1, 0], [], []>, transpose_lhs_hint = false} : vector<256x128xf32>, vector<512x128xf32>, vector<256x512xf32> -> vector<256x512xf32>
      %slice3A_30 = vector.extract_strided_slice %get3A_11 {offsets = [0, 1], sizes = [256, 1], strides = [1, 1]} : vector<256x16xf32> to vector<256x1xf32>
      %max3A_31 = arith.constant 0.000000e+00 : f32
      %max3A_32 = vector.broadcast %max3A_31 : f32 to vector<256x512xf32>
      %max3A_33 = arith.maximumf %dot_general3A_29, %max3A_32 : vector<256x512xf32>
      %mul3A_34 = vector.broadcast %slice3A_30 : vector<256x1xf32> to vector<256x512xf32>
      %mul3A_35 = arith.mulf %mul3A_34, %max3A_33 : vector<256x512xf32>
      %add3A_36 = arith.addf %add3A_24, %mul3A_35 : vector<256x512xf32>
      %get3A_37 = arith.constant 0 : index
      %get3A_38 = arith.constant 256 : index
      %get3A_39 = vector.load %arg2[%get3A_37, %get3A_38] : memref<256x2048xf32, #tpu.memory_space<vmem>>, vector<256x128xf32>
      %dot_general3A_40 = arith.constant dense<0.000000e+00> : vector<256x512xf32>
      %dot_general3A_41 = tpu.matmul %get3A_39, %get3A_14, %dot_general3A_40 {dimension_numbers = #tpu.dot_dimension_numbers<[1], [1], [0], [0], [0, 0, 1, 0], [], []>, transpose_lhs_hint = false} : vector<256x128xf32>, vector<512x128xf32>, vector<256x512xf32> -> vector<256x512xf32>
      %slice3A_42 = vector.extract_strided_slice %get3A_11 {offsets = [0, 2], sizes = [256, 1], strides = [1, 1]} : vector<256x16xf32> to vector<256x1xf32>
      %max3A_43 = arith.constant 0.000000e+00 : f32
      %max3A_44 = vector.broadcast %max3A_43 : f32 to vector<256x512xf32>
      %max3A_45 = arith.maximumf %dot_general3A_41, %max3A_44 : vector<256x512xf32>
      %mul3A_46 = vector.broadcast %slice3A_42 : vector<256x1xf32> to vector<256x512xf32>
      %mul3A_47 = arith.mulf %mul3A_46, %max3A_45 : vector<256x512xf32>
      %add3A_48 = arith.addf %add3A_36, %mul3A_47 : vector<256x512xf32>
      %get3A_49 = arith.constant 0 : index
      %get3A_50 = arith.constant 384 : index
      %get3A_51 = vector.load %arg2[%get3A_49, %get3A_50] : memref<256x2048xf32, #tpu.memory_space<vmem>>, vector<256x128xf32>
      %dot_general3A_52 = arith.constant dense<0.000000e+00> : vector<256x512xf32>
      %dot_general3A_53 = tpu.matmul %get3A_51, %get3A_14, %dot_general3A_52 {dimension_numbers = #tpu.dot_dimension_numbers<[1], [1], [0], [0], [0, 0, 1, 0], [], []>, transpose_lhs_hint = false} : vector<256x128xf32>, vector<512x128xf32>, vector<256x512xf32> -> vector<256x512xf32>
      %slice3A_54 = vector.extract_strided_slice %get3A_11 {offsets = [0, 3], sizes = [256, 1], strides = [1, 1]} : vector<256x16xf32> to vector<256x1xf32>
      %max3A_55 = arith.constant 0.000000e+00 : f32
      %max3A_56 = vector.broadcast %max3A_55 : f32 to vector<256x512xf32>
      %max3A_57 = arith.maximumf %dot_general3A_53, %max3A_56 : vector<256x512xf32>
      %mul3A_58 = vector.broadcast %slice3A_54 : vector<256x1xf32> to vector<256x512xf32>
      %mul3A_59 = arith.mulf %mul3A_58, %max3A_57 : vector<256x512xf32>
      %add3A_60 = arith.addf %add3A_48, %mul3A_59 : vector<256x512xf32>
      %get3A_61 = arith.constant 0 : index
      %get3A_62 = arith.constant 512 : index
      %get3A_63 = vector.load %arg2[%get3A_61, %get3A_62] : memref<256x2048xf32, #tpu.memory_space<vmem>>, vector<256x128xf32>
      %dot_general3A_64 = arith.constant dense<0.000000e+00> : vector<256x512xf32>
      %dot_general3A_65 = tpu.matmul %get3A_63, %get3A_14, %dot_general3A_64 {dimension_numbers = #tpu.dot_dimension_numbers<[1], [1], [0], [0], [0, 0, 1, 0], [], []>, transpose_lhs_hint = false} : vector<256x128xf32>, vector<512x128xf32>, vector<256x512xf32> -> vector<256x512xf32>
      %slice3A_66 = vector.extract_strided_slice %get3A_11 {offsets = [0, 4], sizes = [256, 1], strides = [1, 1]} : vector<256x16xf32> to vector<256x1xf32>
      %max3A_67 = arith.constant 0.000000e+00 : f32
      %max3A_68 = vector.broadcast %max3A_67 : f32 to vector<256x512xf32>
      %max3A_69 = arith.maximumf %dot_general3A_65, %max3A_68 : vector<256x512xf32>
      %mul3A_70 = vector.broadcast %slice3A_66 : vector<256x1xf32> to vector<256x512xf32>
      %mul3A_71 = arith.mulf %mul3A_70, %max3A_69 : vector<256x512xf32>
      %add3A_72 = arith.addf %add3A_60, %mul3A_71 : vector<256x512xf32>
      %get3A_73 = arith.constant 0 : index
      %get3A_74 = arith.constant 640 : index
      %get3A_75 = vector.load %arg2[%get3A_73, %get3A_74] : memref<256x2048xf32, #tpu.memory_space<vmem>>, vector<256x128xf32>
      %dot_general3A_76 = arith.constant dense<0.000000e+00> : vector<256x512xf32>
      %dot_general3A_77 = tpu.matmul %get3A_75, %get3A_14, %dot_general3A_76 {dimension_numbers = #tpu.dot_dimension_numbers<[1], [1], [0], [0], [0, 0, 1, 0], [], []>, transpose_lhs_hint = false} : vector<256x128xf32>, vector<512x128xf32>, vector<256x512xf32> -> vector<256x512xf32>
      %slice3A_78 = vector.extract_strided_slice %get3A_11 {offsets = [0, 5], sizes = [256, 1], strides = [1, 1]} : vector<256x16xf32> to vector<256x1xf32>
      %max3A_79 = arith.constant 0.000000e+00 : f32
      %max3A_80 = vector.broadcast %max3A_79 : f32 to vector<256x512xf32>
      %max3A_81 = arith.maximumf %dot_general3A_77, %max3A_80 : vector<256x512xf32>
      %mul3A_82 = vector.broadcast %slice3A_78 : vector<256x1xf32> to vector<256x512xf32>
      %mul3A_83 = arith.mulf %mul3A_82, %max3A_81 : vector<256x512xf32>
      %add3A_84 = arith.addf %add3A_72, %mul3A_83 : vector<256x512xf32>
      %get3A_85 = arith.constant 0 : index
      %get3A_86 = arith.constant 768 : index
      %get3A_87 = vector.load %arg2[%get3A_85, %get3A_86] : memref<256x2048xf32, #tpu.memory_space<vmem>>, vector<256x128xf32>
      %dot_general3A_88 = arith.constant dense<0.000000e+00> : vector<256x512xf32>
      %dot_general3A_89 = tpu.matmul %get3A_87, %get3A_14, %dot_general3A_88 {dimension_numbers = #tpu.dot_dimension_numbers<[1], [1], [0], [0], [0, 0, 1, 0], [], []>, transpose_lhs_hint = false} : vector<256x128xf32>, vector<512x128xf32>, vector<256x512xf32> -> vector<256x512xf32>
      %slice3A_90 = vector.extract_strided_slice %get3A_11 {offsets = [0, 6], sizes = [256, 1], strides = [1, 1]} : vector<256x16xf32> to vector<256x1xf32>
      %max3A_91 = arith.constant 0.000000e+00 : f32
      %max3A_92 = vector.broadcast %max3A_91 : f32 to vector<256x512xf32>
      %max3A_93 = arith.maximumf %dot_general3A_89, %max3A_92 : vector<256x512xf32>
      %mul3A_94 = vector.broadcast %slice3A_90 : vector<256x1xf32> to vector<256x512xf32>
      %mul3A_95 = arith.mulf %mul3A_94, %max3A_93 : vector<256x512xf32>
      %add3A_96 = arith.addf %add3A_84, %mul3A_95 : vector<256x512xf32>
      %get3A_97 = arith.constant 0 : index
      %get3A_98 = arith.constant 896 : index
      %get3A_99 = vector.load %arg2[%get3A_97, %get3A_98] : memref<256x2048xf32, #tpu.memory_space<vmem>>, vector<256x128xf32>
      %dot_general3A_100 = arith.constant dense<0.000000e+00> : vector<256x512xf32>
      %dot_general3A_101 = tpu.matmul %get3A_99, %get3A_14, %dot_general3A_100 {dimension_numbers = #tpu.dot_dimension_numbers<[1], [1], [0], [0], [0, 0, 1, 0], [], []>, transpose_lhs_hint = false} : vector<256x128xf32>, vector<512x128xf32>, vector<256x512xf32> -> vector<256x512xf32>
      %slice3A_102 = vector.extract_strided_slice %get3A_11 {offsets = [0, 7], sizes = [256, 1], strides = [1, 1]} : vector<256x16xf32> to vector<256x1xf32>
      %max3A_103 = arith.constant 0.000000e+00 : f32
      %max3A_104 = vector.broadcast %max3A_103 : f32 to vector<256x512xf32>
      %max3A_105 = arith.maximumf %dot_general3A_101, %max3A_104 : vector<256x512xf32>
      %mul3A_106 = vector.broadcast %slice3A_102 : vector<256x1xf32> to vector<256x512xf32>
      %mul3A_107 = arith.mulf %mul3A_106, %max3A_105 : vector<256x512xf32>
      %add3A_108 = arith.addf %add3A_96, %mul3A_107 : vector<256x512xf32>
      %get3A_109 = arith.constant 0 : index
      %get3A_110 = arith.constant 1024 : index
      %get3A_111 = vector.load %arg2[%get3A_109, %get3A_110] : memref<256x2048xf32, #tpu.memory_space<vmem>>, vector<256x128xf32>
      %dot_general3A_112 = arith.constant dense<0.000000e+00> : vector<256x512xf32>
      %dot_general3A_113 = tpu.matmul %get3A_111, %get3A_14, %dot_general3A_112 {dimension_numbers = #tpu.dot_dimension_numbers<[1], [1], [0], [0], [0, 0, 1, 0], [], []>, transpose_lhs_hint = false} : vector<256x128xf32>, vector<512x128xf32>, vector<256x512xf32> -> vector<256x512xf32>
      %slice3A_114 = vector.extract_strided_slice %get3A_11 {offsets = [0, 8], sizes = [256, 1], strides = [1, 1]} : vector<256x16xf32> to vector<256x1xf32>
      %max3A_115 = arith.constant 0.000000e+00 : f32
      %max3A_116 = vector.broadcast %max3A_115 : f32 to vector<256x512xf32>
      %max3A_117 = arith.maximumf %dot_general3A_113, %max3A_116 : vector<256x512xf32>
      %mul3A_118 = vector.broadcast %slice3A_114 : vector<256x1xf32> to vector<256x512xf32>
      %mul3A_119 = arith.mulf %mul3A_118, %max3A_117 : vector<256x512xf32>
      %add3A_120 = arith.addf %add3A_108, %mul3A_119 : vector<256x512xf32>
      %get3A_121 = arith.constant 0 : index
      %get3A_122 = arith.constant 1152 : index
      %get3A_123 = vector.load %arg2[%get3A_121, %get3A_122] : memref<256x2048xf32, #tpu.memory_space<vmem>>, vector<256x128xf32>
      %dot_general3A_124 = arith.constant dense<0.000000e+00> : vector<256x512xf32>
      %dot_general3A_125 = tpu.matmul %get3A_123, %get3A_14, %dot_general3A_124 {dimension_numbers = #tpu.dot_dimension_numbers<[1], [1], [0], [0], [0, 0, 1, 0], [], []>, transpose_lhs_hint = false} : vector<256x128xf32>, vector<512x128xf32>, vector<256x512xf32> -> vector<256x512xf32>
      %slice3A_126 = vector.extract_strided_slice %get3A_11 {offsets = [0, 9], sizes = [256, 1], strides = [1, 1]} : vector<256x16xf32> to vector<256x1xf32>
      %max3A_127 = arith.constant 0.000000e+00 : f32
      %max3A_128 = vector.broadcast %max3A_127 : f32 to vector<256x512xf32>
      %max3A_129 = arith.maximumf %dot_general3A_125, %max3A_128 : vector<256x512xf32>
      %mul3A_130 = vector.broadcast %slice3A_126 : vector<256x1xf32> to vector<256x512xf32>
      %mul3A_131 = arith.mulf %mul3A_130, %max3A_129 : vector<256x512xf32>
      %add3A_132 = arith.addf %add3A_120, %mul3A_131 : vector<256x512xf32>
      %get3A_133 = arith.constant 0 : index
      %get3A_134 = arith.constant 1280 : index
      %get3A_135 = vector.load %arg2[%get3A_133, %get3A_134] : memref<256x2048xf32, #tpu.memory_space<vmem>>, vector<256x128xf32>
      %dot_general3A_136 = arith.constant dense<0.000000e+00> : vector<256x512xf32>
      %dot_general3A_137 = tpu.matmul %get3A_135, %get3A_14, %dot_general3A_136 {dimension_numbers = #tpu.dot_dimension_numbers<[1], [1], [0], [0], [0, 0, 1, 0], [], []>, transpose_lhs_hint = false} : vector<256x128xf32>, vector<512x128xf32>, vector<256x512xf32> -> vector<256x512xf32>
      %slice3A_138 = vector.extract_strided_slice %get3A_11 {offsets = [0, 10], sizes = [256, 1], strides = [1, 1]} : vector<256x16xf32> to vector<256x1xf32>
      %max3A_139 = arith.constant 0.000000e+00 : f32
      %max3A_140 = vector.broadcast %max3A_139 : f32 to vector<256x512xf32>
      %max3A_141 = arith.maximumf %dot_general3A_137, %max3A_140 : vector<256x512xf32>
      %mul3A_142 = vector.broadcast %slice3A_138 : vector<256x1xf32> to vector<256x512xf32>
      %mul3A_143 = arith.mulf %mul3A_142, %max3A_141 : vector<256x512xf32>
      %add3A_144 = arith.addf %add3A_132, %mul3A_143 : vector<256x512xf32>
      %get3A_145 = arith.constant 0 : index
      %get3A_146 = arith.constant 1408 : index
      %get3A_147 = vector.load %arg2[%get3A_145, %get3A_146] : memref<256x2048xf32, #tpu.memory_space<vmem>>, vector<256x128xf32>
      %dot_general3A_148 = arith.constant dense<0.000000e+00> : vector<256x512xf32>
      %dot_general3A_149 = tpu.matmul %get3A_147, %get3A_14, %dot_general3A_148 {dimension_numbers = #tpu.dot_dimension_numbers<[1], [1], [0], [0], [0, 0, 1, 0], [], []>, transpose_lhs_hint = false} : vector<256x128xf32>, vector<512x128xf32>, vector<256x512xf32> -> vector<256x512xf32>
      %slice3A_150 = vector.extract_strided_slice %get3A_11 {offsets = [0, 11], sizes = [256, 1], strides = [1, 1]} : vector<256x16xf32> to vector<256x1xf32>
      %max3A_151 = arith.constant 0.000000e+00 : f32
      %max3A_152 = vector.broadcast %max3A_151 : f32 to vector<256x512xf32>
      %max3A_153 = arith.maximumf %dot_general3A_149, %max3A_152 : vector<256x512xf32>
      %mul3A_154 = vector.broadcast %slice3A_150 : vector<256x1xf32> to vector<256x512xf32>
      %mul3A_155 = arith.mulf %mul3A_154, %max3A_153 : vector<256x512xf32>
      %add3A_156 = arith.addf %add3A_144, %mul3A_155 : vector<256x512xf32>
      %get3A_157 = arith.constant 0 : index
      %get3A_158 = arith.constant 1536 : index
      %get3A_159 = vector.load %arg2[%get3A_157, %get3A_158] : memref<256x2048xf32, #tpu.memory_space<vmem>>, vector<256x128xf32>
      %dot_general3A_160 = arith.constant dense<0.000000e+00> : vector<256x512xf32>
      %dot_general3A_161 = tpu.matmul %get3A_159, %get3A_14, %dot_general3A_160 {dimension_numbers = #tpu.dot_dimension_numbers<[1], [1], [0], [0], [0, 0, 1, 0], [], []>, transpose_lhs_hint = false} : vector<256x128xf32>, vector<512x128xf32>, vector<256x512xf32> -> vector<256x512xf32>
      %slice3A_162 = vector.extract_strided_slice %get3A_11 {offsets = [0, 12], sizes = [256, 1], strides = [1, 1]} : vector<256x16xf32> to vector<256x1xf32>
      %max3A_163 = arith.constant 0.000000e+00 : f32
      %max3A_164 = vector.broadcast %max3A_163 : f32 to vector<256x512xf32>
      %max3A_165 = arith.maximumf %dot_general3A_161, %max3A_164 : vector<256x512xf32>
      %mul3A_166 = vector.broadcast %slice3A_162 : vector<256x1xf32> to vector<256x512xf32>
      %mul3A_167 = arith.mulf %mul3A_166, %max3A_165 : vector<256x512xf32>
      %add3A_168 = arith.addf %add3A_156, %mul3A_167 : vector<256x512xf32>
      %get3A_169 = arith.constant 0 : index
      %get3A_170 = arith.constant 1664 : index
      %get3A_171 = vector.load %arg2[%get3A_169, %get3A_170] : memref<256x2048xf32, #tpu.memory_space<vmem>>, vector<256x128xf32>
      %dot_general3A_172 = arith.constant dense<0.000000e+00> : vector<256x512xf32>
      %dot_general3A_173 = tpu.matmul %get3A_171, %get3A_14, %dot_general3A_172 {dimension_numbers = #tpu.dot_dimension_numbers<[1], [1], [0], [0], [0, 0, 1, 0], [], []>, transpose_lhs_hint = false} : vector<256x128xf32>, vector<512x128xf32>, vector<256x512xf32> -> vector<256x512xf32>
      %slice3A_174 = vector.extract_strided_slice %get3A_11 {offsets = [0, 13], sizes = [256, 1], strides = [1, 1]} : vector<256x16xf32> to vector<256x1xf32>
      %max3A_175 = arith.constant 0.000000e+00 : f32
      %max3A_176 = vector.broadcast %max3A_175 : f32 to vector<256x512xf32>
      %max3A_177 = arith.maximumf %dot_general3A_173, %max3A_176 : vector<256x512xf32>
      %mul3A_178 = vector.broadcast %slice3A_174 : vector<256x1xf32> to vector<256x512xf32>
      %mul3A_179 = arith.mulf %mul3A_178, %max3A_177 : vector<256x512xf32>
      %add3A_180 = arith.addf %add3A_168, %mul3A_179 : vector<256x512xf32>
      %get3A_181 = arith.constant 0 : index
      %get3A_182 = arith.constant 1792 : index
      %get3A_183 = vector.load %arg2[%get3A_181, %get3A_182] : memref<256x2048xf32, #tpu.memory_space<vmem>>, vector<256x128xf32>
      %dot_general3A_184 = arith.constant dense<0.000000e+00> : vector<256x512xf32>
      %dot_general3A_185 = tpu.matmul %get3A_183, %get3A_14, %dot_general3A_184 {dimension_numbers = #tpu.dot_dimension_numbers<[1], [1], [0], [0], [0, 0, 1, 0], [], []>, transpose_lhs_hint = false} : vector<256x128xf32>, vector<512x128xf32>, vector<256x512xf32> -> vector<256x512xf32>
      %slice3A_186 = vector.extract_strided_slice %get3A_11 {offsets = [0, 14], sizes = [256, 1], strides = [1, 1]} : vector<256x16xf32> to vector<256x1xf32>
      %max3A_187 = arith.constant 0.000000e+00 : f32
      %max3A_188 = vector.broadcast %max3A_187 : f32 to vector<256x512xf32>
      %max3A_189 = arith.maximumf %dot_general3A_185, %max3A_188 : vector<256x512xf32>
      %mul3A_190 = vector.broadcast %slice3A_186 : vector<256x1xf32> to vector<256x512xf32>
      %mul3A_191 = arith.mulf %mul3A_190, %max3A_189 : vector<256x512xf32>
      %add3A_192 = arith.addf %add3A_180, %mul3A_191 : vector<256x512xf32>
      %get3A_193 = arith.constant 0 : index
      %get3A_194 = arith.constant 1920 : index
      %get3A_195 = vector.load %arg2[%get3A_193, %get3A_194] : memref<256x2048xf32, #tpu.memory_space<vmem>>, vector<256x128xf32>
      %dot_general3A_196 = arith.constant dense<0.000000e+00> : vector<256x512xf32>
      %dot_general3A_197 = tpu.matmul %get3A_195, %get3A_14, %dot_general3A_196 {dimension_numbers = #tpu.dot_dimension_numbers<[1], [1], [0], [0], [0, 0, 1, 0], [], []>, transpose_lhs_hint = false} : vector<256x128xf32>, vector<512x128xf32>, vector<256x512xf32> -> vector<256x512xf32>
      %slice3A_198 = vector.extract_strided_slice %get3A_11 {offsets = [0, 15], sizes = [256, 1], strides = [1, 1]} : vector<256x16xf32> to vector<256x1xf32>
      %max3A_199 = arith.constant 0.000000e+00 : f32
      %max3A_200 = vector.broadcast %max3A_199 : f32 to vector<256x512xf32>
      %max3A_201 = arith.maximumf %dot_general3A_197, %max3A_200 : vector<256x512xf32>
      %mul3A_202 = vector.broadcast %slice3A_198 : vector<256x1xf32> to vector<256x512xf32>
      %mul3A_203 = arith.mulf %mul3A_202, %max3A_201 : vector<256x512xf32>
      %add3A_204 = arith.addf %add3A_192, %mul3A_203 : vector<256x512xf32>
      %mul3A_205 = arith.constant 256 : i32
      %mul3A_206 = arith.muli %arg0, %mul3A_205 : i32
      %iota3A = tpu.iota {dimensions = array<i32: 0>} : vector<256x512xi32>
      %add3A_207 = vector.broadcast %mul3A_206 : i32 to vector<256x512xi32>
      %add3A_208 = arith.addi %add3A_207, %iota3A : vector<256x512xi32>
      %mul3A_209 = arith.constant 512 : i32
      %mul3A_210 = arith.muli %arg1, %mul3A_209 : i32
      %iota3A_211 = tpu.iota {dimensions = array<i32: 1>} : vector<256x512xi32>
      %add3A_212 = vector.broadcast %mul3A_210 : i32 to vector<256x512xi32>
      %add3A_213 = arith.addi %add3A_212, %iota3A_211 : vector<256x512xi32>
      %lt3A_214 = arith.cmpi slt, %add3A_208, %add3A_213 : vector<256x512xi32>
      %jit3A = arith.constant -1.000000e+30 : f32
      %broadcast_in_dim3A_215 = vector.broadcast %jit3A : f32 to vector<256x512xf32>
      %select_n3A = arith.select %lt3A_214, %broadcast_in_dim3A_215, %add3A_204 : vector<256x512xi1>, vector<256x512xf32>
      %swap3A = arith.constant 0 : index
      %swap3A_216 = arith.constant 0 : index
      %swap3A_217 = vector.load %arg5[%swap3A, %swap3A_216] : memref<256x512xf32, #tpu.memory_space<vmem>>, vector<256x512xf32>
      tpu.vector_store %arg5[%swap3A, %swap3A_216], %select_n3A {strides = array<i32>} : memref<256x512xf32, #tpu.memory_space<vmem>>, vector<256x512xf32>,
    } else {
    }
    return
  }
  func.func @transform_0(%arg0: i32, %arg1: i32) -> (i32, i32) {
    %c0_i32 = arith.constant 0 : i32
    %c0_i32_0 = arith.constant 0 : i32
    return %arg0, %c0_i32 : i32, i32
  }
  func.func @transform_1(%arg0: i32, %arg1: i32) -> (i32, i32) {
    %c0_i32 = arith.constant 0 : i32
    %c0_i32_0 = arith.constant 0 : i32
    return %arg1, %c0_i32 : i32, i32
  }
  func.func @transform_2(%arg0: i32, %arg1: i32) -> (i32, i32) {
    %c0_i32 = arith.constant 0 : i32
    %c0_i32_0 = arith.constant 0 : i32
    return %arg0, %c0_i32 : i32, i32
  }
  func.func @transform_3(%arg0: i32, %arg1: i32) -> (i32, i32) {
    %c0_i32 = arith.constant 0 : i32
    return %arg0, %arg1 : i32, i32
  }
}

module attributes {stable_mosaic.version = 14 : i64} {
  func.func @_bisect_body(%arg0: i32, %arg1: memref<256x2048xf32, #tpu.memory_space<vmem>>, %arg2: memref<256x128xi32, #tpu.memory_space<vmem>>, %arg3: memref<256x128xi32, #tpu.memory_space<vmem>>) attributes {dimension_semantics = [#tpu.dimension_semantics<arbitrary>], iteration_bounds = array<i64: 8>, scalar_prefetch = 0 : i64, scratch_operands = 0 : i64, tpu.core_type = #tpu.core_type<tc>, window_params = [{transform_indices = @transform_0, window_bounds = array<i64: 256, 2048>}, {transform_indices = @transform_1, window_bounds = array<i64: 256, 128>}, {transform_indices = @transform_2, window_bounds = array<i64: 256, 128>}]} {
    %get3A = arith.constant 0 : index
    %get3A_0 = arith.constant 0 : index
    %get3A_1 = vector.load %arg1[%get3A, %get3A_0] : memref<256x2048xf32, #tpu.memory_space<vmem>>, vector<256x2048xf32>
    %bitcast_convert_type3A = tpu.bitcast %get3A_1 : vector<256x2048xf32> -> vector<256x2048xi32>
    %ge3A = arith.constant 0 : i32
    %ge3A_2 = vector.broadcast %ge3A : i32 to vector<256x2048xi32>
    %ge3A_3 = arith.cmpi sge, %bitcast_convert_type3A, %ge3A_2 : vector<256x2048xi32>
    %xor3A = arith.constant 2147483647 : i32
    %xor3A_4 = vector.broadcast %xor3A : i32 to vector<256x2048xi32>
    %xor3A_5 = arith.xori %bitcast_convert_type3A, %xor3A_4 : vector<256x2048xi32>
    %select_n3A = arith.select %ge3A_3, %bitcast_convert_type3A, %xor3A_5 : vector<256x2048xi1>, vector<256x2048xi32>
    %broadcast_in_dim3A = arith.constant -2147483648 : i32
    %broadcast_in_dim3A_6 = vector.broadcast %broadcast_in_dim3A : i32 to vector<256x1xi32>
    %broadcast_in_dim3A_7 = arith.constant 2147483647 : i32
    %broadcast_in_dim3A_8 = vector.broadcast %broadcast_in_dim3A_7 : i32 to vector<256x1xi32>
    %scan3A = arith.constant 0 : i32
    %scan3A_9 = arith.constant 32 : i32
    %scan3A_10 = arith.addi %scan3A, %scan3A_9 : i32
    %scan3A_11 = arith.constant 1 : i32
    %scan3A_12:2 = scf.for %scan3A_25 = %scan3A to %scan3A_10 step %scan3A_11 iter_args(%scan3A_26 = %broadcast_in_dim3A_6, %scan3A_27 = %broadcast_in_dim3A_8) -> (vector<256x1xi32>, vector<256x1xi32>)  : i32 {
      %or3A = arith.ori %scan3A_26, %scan3A_27 : vector<256x1xi32>
      %xor3A_28 = arith.xori %scan3A_26, %scan3A_27 : vector<256x1xi32>
      %shift_right_arithmetic3A = arith.constant 1 : i32
      %shift_right_arithmetic3A_29 = vector.broadcast %shift_right_arithmetic3A : i32 to vector<256x1xi32>
      %shift_right_arithmetic3A_30 = arith.shrsi %xor3A_28, %shift_right_arithmetic3A_29 : vector<256x1xi32>
      %sub3A = arith.subi %or3A, %shift_right_arithmetic3A_30 : vector<256x1xi32>
      %ge3A_31 = vector.broadcast %sub3A : vector<256x1xi32> to vector<256x2048xi32>
      %ge3A_32 = arith.cmpi sge, %select_n3A, %ge3A_31 : vector<256x2048xi32>
      %convert_element_type3A_33 = arith.extui %ge3A_32 : vector<256x2048xi1> to vector<256x2048xi32>
      %reduce_sum3A_34 = arith.constant dense<0> : vector<256xi32>
      %reduce_sum3A_35 = vector.multi_reduction <add>, %convert_element_type3A_33, %reduce_sum3A_34 [1] : vector<256x2048xi32> to vector<256xi32>
      %broadcast_in_dim3A_36 = vector.shape_cast %reduce_sum3A_35 : vector<256xi32> to vector<256x1xi32>
      %ge3A_37 = arith.constant 512 : i32
      %ge3A_38 = vector.broadcast %ge3A_37 : i32 to vector<256x1xi32>
      %ge3A_39 = arith.cmpi sge, %broadcast_in_dim3A_36, %ge3A_38 : vector<256x1xi32>
      %select_n3A_40 = arith.select %ge3A_39, %sub3A, %scan3A_26 : vector<256x1xi1>, vector<256x1xi32>
      %sub3A_41 = arith.constant 1 : i32
      %sub3A_42 = vector.broadcast %sub3A_41 : i32 to vector<256x1xi32>
      %sub3A_43 = arith.subi %sub3A, %sub3A_42 : vector<256x1xi32>
      %select_n3A_44 = arith.select %ge3A_39, %scan3A_27, %sub3A_43 : vector<256x1xi1>, vector<256x1xi32>
      scf.yield %select_n3A_40, %select_n3A_44 : vector<256x1xi32>, vector<256x1xi32>
    }
    %gt3A = vector.broadcast %scan3A_12#0 : vector<256x1xi32> to vector<256x2048xi32>
    %gt3A_13 = arith.cmpi sgt, %select_n3A, %gt3A : vector<256x2048xi32>
    %convert_element_type3A = arith.extui %gt3A_13 : vector<256x2048xi1> to vector<256x2048xi32>
    %reduce_sum3A = arith.constant dense<0> : vector<256xi32>
    %reduce_sum3A_14 = vector.multi_reduction <add>, %convert_element_type3A, %reduce_sum3A [1] : vector<256x2048xi32> to vector<256xi32>
    %broadcast_in_dim3A_15 = vector.shape_cast %reduce_sum3A_14 : vector<256xi32> to vector<256x1xi32>
    %broadcast_in_dim3A_16 = vector.shape_cast %scan3A_12#0 : vector<256x1xi32> to vector<256x1xi32>
    %broadcast_in_dim3A_17 = vector.broadcast %broadcast_in_dim3A_16 : vector<256x1xi32> to vector<256x128xi32>
    %swap3A = arith.constant 0 : index
    %swap3A_18 = arith.constant 0 : index
    %swap3A_19 = vector.load %arg2[%swap3A, %swap3A_18] : memref<256x128xi32, #tpu.memory_space<vmem>>, vector<256x128xi32>
    tpu.vector_store %arg2[%swap3A, %swap3A_18], %broadcast_in_dim3A_17 {strides = array<i32>} : memref<256x128xi32, #tpu.memory_space<vmem>>, vector<256x128xi32>,
    %broadcast_in_dim3A_20 = vector.shape_cast %broadcast_in_dim3A_15 : vector<256x1xi32> to vector<256x1xi32>
    %broadcast_in_dim3A_21 = vector.broadcast %broadcast_in_dim3A_20 : vector<256x1xi32> to vector<256x128xi32>
    %swap3A_22 = arith.constant 0 : index
    %swap3A_23 = arith.constant 0 : index
    %swap3A_24 = vector.load %arg3[%swap3A_22, %swap3A_23] : memref<256x128xi32, #tpu.memory_space<vmem>>, vector<256x128xi32>
    tpu.vector_store %arg3[%swap3A_22, %swap3A_23], %broadcast_in_dim3A_21 {strides = array<i32>} : memref<256x128xi32, #tpu.memory_space<vmem>>, vector<256x128xi32>,
    return
  }
  func.func @transform_0(%arg0: i32) -> (i32, i32) {
    %c0_i32 = arith.constant 0 : i32
    %c0_i32_0 = arith.constant 0 : i32
    return %arg0, %c0_i32 : i32, i32
  }
  func.func @transform_1(%arg0: i32) -> (i32, i32) {
    %c0_i32 = arith.constant 0 : i32
    %c0_i32_0 = arith.constant 0 : i32
    return %arg0, %c0_i32 : i32, i32
  }
  func.func @transform_2(%arg0: i32) -> (i32, i32) {
    %c0_i32 = arith.constant 0 : i32
    %c0_i32_0 = arith.constant 0 : i32
    return %arg0, %c0_i32 : i32, i32
  }
}

module attributes {stable_mosaic.version = 14 : i64} {
  func.func @_sort_body(%arg0: i32, %arg1: memref<256x512xf32, #tpu.memory_space<vmem>>, %arg2: memref<256x512xi32, #tpu.memory_space<vmem>>, %arg3: memref<256x512xf32, #tpu.memory_space<vmem>>, %arg4: memref<256x512xi32, #tpu.memory_space<vmem>>) attributes {dimension_semantics = [#tpu.dimension_semantics<arbitrary>], iteration_bounds = array<i64: 8>, scalar_prefetch = 0 : i64, scratch_operands = 0 : i64, tpu.core_type = #tpu.core_type<tc>, window_params = [{transform_indices = @transform_0, window_bounds = array<i64: 256, 512>}, {transform_indices = @transform_1, window_bounds = array<i64: 256, 512>}, {transform_indices = @transform_2, window_bounds = array<i64: 256, 512>}, {transform_indices = @transform_3, window_bounds = array<i64: 256, 512>}]} {
    %get3A = arith.constant 0 : index
    %get3A_0 = arith.constant 0 : index
    %get3A_1 = vector.load %arg1[%get3A, %get3A_0] : memref<256x512xf32, #tpu.memory_space<vmem>>, vector<256x512xf32>
    %get3A_2 = arith.constant 0 : index
    %get3A_3 = arith.constant 0 : index
    %get3A_4 = vector.load %arg2[%get3A_2, %get3A_3] : memref<256x512xi32, #tpu.memory_space<vmem>>, vector<256x512xi32>
    %iota3A = tpu.iota {dimensions = array<i32: 1>} : vector<256x512xi32>
    %and3A = arith.constant 2 : i32
    %and3A_5 = vector.broadcast %and3A : i32 to vector<256x512xi32>
    %and3A_6 = arith.andi %iota3A, %and3A_5 : vector<256x512xi32>
    %eq3A = arith.constant 0 : i32
    %eq3A_7 = vector.broadcast %eq3A : i32 to vector<256x512xi32>
    %eq3A_8 = arith.cmpi eq, %and3A_6, %eq3A_7 : vector<256x512xi32>
    %and3A_9 = arith.constant 1 : i32
    %and3A_10 = vector.broadcast %and3A_9 : i32 to vector<256x512xi32>
    %and3A_11 = arith.andi %iota3A, %and3A_10 : vector<256x512xi32>
    %eq3A_12 = arith.constant 0 : i32
    %eq3A_13 = vector.broadcast %eq3A_12 : i32 to vector<256x512xi32>
    %eq3A_14 = arith.cmpi eq, %and3A_11, %eq3A_13 : vector<256x512xi32>
    %slice3A = vector.extract_strided_slice %get3A_1 {offsets = [0, 1], sizes = [256, 511], strides = [1, 1]} : vector<256x512xf32> to vector<256x511xf32>
    %slice3A_15 = vector.extract_strided_slice %get3A_1 {offsets = [0, 0], sizes = [256, 1], strides = [1, 1]} : vector<256x512xf32> to vector<256x1xf32>
    %concatenate3A = tpu.concatenate %slice3A, %slice3A_15 in 1 : vector<256x511xf32>, vector<256x1xf32> -> vector<256x512xf32>
    %slice3A_16 = vector.extract_strided_slice %get3A_1 {offsets = [0, 511], sizes = [256, 1], strides = [1, 1]} : vector<256x512xf32> to vector<256x1xf32>
    %slice3A_17 = vector.extract_strided_slice %get3A_1 {offsets = [0, 0], sizes = [256, 511], strides = [1, 1]} : vector<256x512xf32> to vector<256x511xf32>
    %concatenate3A_18 = tpu.concatenate %slice3A_16, %slice3A_17 in 1 : vector<256x1xf32>, vector<256x511xf32> -> vector<256x512xf32>
    %select_n3A = arith.select %eq3A_14, %concatenate3A, %concatenate3A_18 : vector<256x512xi1>, vector<256x512xf32>
    %slice3A_19 = vector.extract_strided_slice %get3A_4 {offsets = [0, 1], sizes = [256, 511], strides = [1, 1]} : vector<256x512xi32> to vector<256x511xi32>
    %slice3A_20 = vector.extract_strided_slice %get3A_4 {offsets = [0, 0], sizes = [256, 1], strides = [1, 1]} : vector<256x512xi32> to vector<256x1xi32>
    %concatenate3A_21 = tpu.concatenate %slice3A_19, %slice3A_20 in 1 : vector<256x511xi32>, vector<256x1xi32> -> vector<256x512xi32>
    %slice3A_22 = vector.extract_strided_slice %get3A_4 {offsets = [0, 511], sizes = [256, 1], strides = [1, 1]} : vector<256x512xi32> to vector<256x1xi32>
    %slice3A_23 = vector.extract_strided_slice %get3A_4 {offsets = [0, 0], sizes = [256, 511], strides = [1, 1]} : vector<256x512xi32> to vector<256x511xi32>
    %concatenate3A_24 = tpu.concatenate %slice3A_22, %slice3A_23 in 1 : vector<256x1xi32>, vector<256x511xi32> -> vector<256x512xi32>
    %select_n3A_25 = arith.select %eq3A_14, %concatenate3A_21, %concatenate3A_24 : vector<256x512xi1>, vector<256x512xi32>
    %gt3A = arith.cmpf ogt, %get3A_1, %select_n3A : vector<256x512xf32>
    %eq3A_26 = arith.cmpf oeq, %get3A_1, %select_n3A : vector<256x512xf32>
    %lt3A = arith.cmpi slt, %get3A_4, %select_n3A_25 : vector<256x512xi32>
    %and3A_27 = arith.andi %eq3A_26, %lt3A : vector<256x512xi1>
    %or3A = arith.ori %gt3A, %and3A_27 : vector<256x512xi1>
    %eq3A_28 = arith.xori %eq3A_14, %eq3A_8 : vector<256x512xi1>
    %eq3A_29 = arith.constant dense<true> : vector<256x512xi1>
    %eq3A_30 = arith.xori %eq3A_28, %eq3A_29 : vector<256x512xi1>
    %eq3A_31 = arith.xori %or3A, %eq3A_30 : vector<256x512xi1>
    %eq3A_32 = arith.constant dense<true> : vector<256x512xi1>
    %eq3A_33 = arith.xori %eq3A_31, %eq3A_32 : vector<256x512xi1>
    %select_n3A_34 = arith.select %eq3A_33, %get3A_1, %select_n3A : vector<256x512xi1>, vector<256x512xf32>
    %select_n3A_35 = arith.select %eq3A_33, %get3A_4, %select_n3A_25 : vector<256x512xi1>, vector<256x512xi32>
    %and3A_36 = arith.constant 4 : i32
    %and3A_37 = vector.broadcast %and3A_36 : i32 to vector<256x512xi32>
    %and3A_38 = arith.andi %iota3A, %and3A_37 : vector<256x512xi32>
    %eq3A_39 = arith.constant 0 : i32
    %eq3A_40 = vector.broadcast %eq3A_39 : i32 to vector<256x512xi32>
    %eq3A_41 = arith.cmpi eq, %and3A_38, %eq3A_40 : vector<256x512xi32>
    %and3A_42 = arith.constant 2 : i32
    %and3A_43 = vector.broadcast %and3A_42 : i32 to vector<256x512xi32>
    %and3A_44 = arith.andi %iota3A, %and3A_43 : vector<256x512xi32>
    %eq3A_45 = arith.constant 0 : i32
    %eq3A_46 = vector.broadcast %eq3A_45 : i32 to vector<256x512xi32>
    %eq3A_47 = arith.cmpi eq, %and3A_44, %eq3A_46 : vector<256x512xi32>
    %slice3A_48 = vector.extract_strided_slice %select_n3A_34 {offsets = [0, 2], sizes = [256, 510], strides = [1, 1]} : vector<256x512xf32> to vector<256x510xf32>
    %slice3A_49 = vector.extract_strided_slice %select_n3A_34 {offsets = [0, 0], sizes = [256, 2], strides = [1, 1]} : vector<256x512xf32> to vector<256x2xf32>
    %concatenate3A_50 = tpu.concatenate %slice3A_48, %slice3A_49 in 1 : vector<256x510xf32>, vector<256x2xf32> -> vector<256x512xf32>
    %slice3A_51 = vector.extract_strided_slice %select_n3A_34 {offsets = [0, 510], sizes = [256, 2], strides = [1, 1]} : vector<256x512xf32> to vector<256x2xf32>
    %slice3A_52 = vector.extract_strided_slice %select_n3A_34 {offsets = [0, 0], sizes = [256, 510], strides = [1, 1]} : vector<256x512xf32> to vector<256x510xf32>
    %concatenate3A_53 = tpu.concatenate %slice3A_51, %slice3A_52 in 1 : vector<256x2xf32>, vector<256x510xf32> -> vector<256x512xf32>
    %select_n3A_54 = arith.select %eq3A_47, %concatenate3A_50, %concatenate3A_53 : vector<256x512xi1>, vector<256x512xf32>
    %slice3A_55 = vector.extract_strided_slice %select_n3A_35 {offsets = [0, 2], sizes = [256, 510], strides = [1, 1]} : vector<256x512xi32> to vector<256x510xi32>
    %slice3A_56 = vector.extract_strided_slice %select_n3A_35 {offsets = [0, 0], sizes = [256, 2], strides = [1, 1]} : vector<256x512xi32> to vector<256x2xi32>
    %concatenate3A_57 = tpu.concatenate %slice3A_55, %slice3A_56 in 1 : vector<256x510xi32>, vector<256x2xi32> -> vector<256x512xi32>
    %slice3A_58 = vector.extract_strided_slice %select_n3A_35 {offsets = [0, 510], sizes = [256, 2], strides = [1, 1]} : vector<256x512xi32> to vector<256x2xi32>
    %slice3A_59 = vector.extract_strided_slice %select_n3A_35 {offsets = [0, 0], sizes = [256, 510], strides = [1, 1]} : vector<256x512xi32> to vector<256x510xi32>
    %concatenate3A_60 = tpu.concatenate %slice3A_58, %slice3A_59 in 1 : vector<256x2xi32>, vector<256x510xi32> -> vector<256x512xi32>
    %select_n3A_61 = arith.select %eq3A_47, %concatenate3A_57, %concatenate3A_60 : vector<256x512xi1>, vector<256x512xi32>
    %gt3A_62 = arith.cmpf ogt, %select_n3A_34, %select_n3A_54 : vector<256x512xf32>
    %eq3A_63 = arith.cmpf oeq, %select_n3A_34, %select_n3A_54 : vector<256x512xf32>
    %lt3A_64 = arith.cmpi slt, %select_n3A_35, %select_n3A_61 : vector<256x512xi32>
    %and3A_65 = arith.andi %eq3A_63, %lt3A_64 : vector<256x512xi1>
    %or3A_66 = arith.ori %gt3A_62, %and3A_65 : vector<256x512xi1>
    %eq3A_67 = arith.xori %eq3A_47, %eq3A_41 : vector<256x512xi1>
    %eq3A_68 = arith.constant dense<true> : vector<256x512xi1>
    %eq3A_69 = arith.xori %eq3A_67, %eq3A_68 : vector<256x512xi1>
    %eq3A_70 = arith.xori %or3A_66, %eq3A_69 : vector<256x512xi1>
    %eq3A_71 = arith.constant dense<true> : vector<256x512xi1>
    %eq3A_72 = arith.xori %eq3A_70, %eq3A_71 : vector<256x512xi1>
    %select_n3A_73 = arith.select %eq3A_72, %select_n3A_34, %select_n3A_54 : vector<256x512xi1>, vector<256x512xf32>
    %select_n3A_74 = arith.select %eq3A_72, %select_n3A_35, %select_n3A_61 : vector<256x512xi1>, vector<256x512xi32>
    %and3A_75 = arith.constant 1 : i32
    %and3A_76 = vector.broadcast %and3A_75 : i32 to vector<256x512xi32>
    %and3A_77 = arith.andi %iota3A, %and3A_76 : vector<256x512xi32>
    %eq3A_78 = arith.constant 0 : i32
    %eq3A_79 = vector.broadcast %eq3A_78 : i32 to vector<256x512xi32>
    %eq3A_80 = arith.cmpi eq, %and3A_77, %eq3A_79 : vector<256x512xi32>
    %slice3A_81 = vector.extract_strided_slice %select_n3A_73 {offsets = [0, 1], sizes = [256, 511], strides = [1, 1]} : vector<256x512xf32> to vector<256x511xf32>
    %slice3A_82 = vector.extract_strided_slice %select_n3A_73 {offsets = [0, 0], sizes = [256, 1], strides = [1, 1]} : vector<256x512xf32> to vector<256x1xf32>
    %concatenate3A_83 = tpu.concatenate %slice3A_81, %slice3A_82 in 1 : vector<256x511xf32>, vector<256x1xf32> -> vector<256x512xf32>
    %slice3A_84 = vector.extract_strided_slice %select_n3A_73 {offsets = [0, 511], sizes = [256, 1], strides = [1, 1]} : vector<256x512xf32> to vector<256x1xf32>
    %slice3A_85 = vector.extract_strided_slice %select_n3A_73 {offsets = [0, 0], sizes = [256, 511], strides = [1, 1]} : vector<256x512xf32> to vector<256x511xf32>
    %concatenate3A_86 = tpu.concatenate %slice3A_84, %slice3A_85 in 1 : vector<256x1xf32>, vector<256x511xf32> -> vector<256x512xf32>
    %select_n3A_87 = arith.select %eq3A_80, %concatenate3A_83, %concatenate3A_86 : vector<256x512xi1>, vector<256x512xf32>
    %slice3A_88 = vector.extract_strided_slice %select_n3A_74 {offsets = [0, 1], sizes = [256, 511], strides = [1, 1]} : vector<256x512xi32> to vector<256x511xi32>
    %slice3A_89 = vector.extract_strided_slice %select_n3A_74 {offsets = [0, 0], sizes = [256, 1], strides = [1, 1]} : vector<256x512xi32> to vector<256x1xi32>
    %concatenate3A_90 = tpu.concatenate %slice3A_88, %slice3A_89 in 1 : vector<256x511xi32>, vector<256x1xi32> -> vector<256x512xi32>
    %slice3A_91 = vector.extract_strided_slice %select_n3A_74 {offsets = [0, 511], sizes = [256, 1], strides = [1, 1]} : vector<256x512xi32> to vector<256x1xi32>
    %slice3A_92 = vector.extract_strided_slice %select_n3A_74 {offsets = [0, 0], sizes = [256, 511], strides = [1, 1]} : vector<256x512xi32> to vector<256x511xi32>
    %concatenate3A_93 = tpu.concatenate %slice3A_91, %slice3A_92 in 1 : vector<256x1xi32>, vector<256x511xi32> -> vector<256x512xi32>
    %select_n3A_94 = arith.select %eq3A_80, %concatenate3A_90, %concatenate3A_93 : vector<256x512xi1>, vector<256x512xi32>
    %gt3A_95 = arith.cmpf ogt, %select_n3A_73, %select_n3A_87 : vector<256x512xf32>
    %eq3A_96 = arith.cmpf oeq, %select_n3A_73, %select_n3A_87 : vector<256x512xf32>
    %lt3A_97 = arith.cmpi slt, %select_n3A_74, %select_n3A_94 : vector<256x512xi32>
    %and3A_98 = arith.andi %eq3A_96, %lt3A_97 : vector<256x512xi1>
    %or3A_99 = arith.ori %gt3A_95, %and3A_98 : vector<256x512xi1>
    %eq3A_100 = arith.xori %eq3A_80, %eq3A_41 : vector<256x512xi1>
    %eq3A_101 = arith.constant dense<true> : vector<256x512xi1>
    %eq3A_102 = arith.xori %eq3A_100, %eq3A_101 : vector<256x512xi1>
    %eq3A_103 = arith.xori %or3A_99, %eq3A_102 : vector<256x512xi1>
    %eq3A_104 = arith.constant dense<true> : vector<256x512xi1>
    %eq3A_105 = arith.xori %eq3A_103, %eq3A_104 : vector<256x512xi1>
    %select_n3A_106 = arith.select %eq3A_105, %select_n3A_73, %select_n3A_87 : vector<256x512xi1>, vector<256x512xf32>
    %select_n3A_107 = arith.select %eq3A_105, %select_n3A_74, %select_n3A_94 : vector<256x512xi1>, vector<256x512xi32>
    %and3A_108 = arith.constant 8 : i32
    %and3A_109 = vector.broadcast %and3A_108 : i32 to vector<256x512xi32>
    %and3A_110 = arith.andi %iota3A, %and3A_109 : vector<256x512xi32>
    %eq3A_111 = arith.constant 0 : i32
    %eq3A_112 = vector.broadcast %eq3A_111 : i32 to vector<256x512xi32>
    %eq3A_113 = arith.cmpi eq, %and3A_110, %eq3A_112 : vector<256x512xi32>
    %and3A_114 = arith.constant 4 : i32
    %and3A_115 = vector.broadcast %and3A_114 : i32 to vector<256x512xi32>
    %and3A_116 = arith.andi %iota3A, %and3A_115 : vector<256x512xi32>
    %eq3A_117 = arith.constant 0 : i32
    %eq3A_118 = vector.broadcast %eq3A_117 : i32 to vector<256x512xi32>
    %eq3A_119 = arith.cmpi eq, %and3A_116, %eq3A_118 : vector<256x512xi32>
    %slice3A_120 = vector.extract_strided_slice %select_n3A_106 {offsets = [0, 4], sizes = [256, 508], strides = [1, 1]} : vector<256x512xf32> to vector<256x508xf32>
    %slice3A_121 = vector.extract_strided_slice %select_n3A_106 {offsets = [0, 0], sizes = [256, 4], strides = [1, 1]} : vector<256x512xf32> to vector<256x4xf32>
    %concatenate3A_122 = tpu.concatenate %slice3A_120, %slice3A_121 in 1 : vector<256x508xf32>, vector<256x4xf32> -> vector<256x512xf32>
    %slice3A_123 = vector.extract_strided_slice %select_n3A_106 {offsets = [0, 508], sizes = [256, 4], strides = [1, 1]} : vector<256x512xf32> to vector<256x4xf32>
    %slice3A_124 = vector.extract_strided_slice %select_n3A_106 {offsets = [0, 0], sizes = [256, 508], strides = [1, 1]} : vector<256x512xf32> to vector<256x508xf32>
    %concatenate3A_125 = tpu.concatenate %slice3A_123, %slice3A_124 in 1 : vector<256x4xf32>, vector<256x508xf32> -> vector<256x512xf32>
    %select_n3A_126 = arith.select %eq3A_119, %concatenate3A_122, %concatenate3A_125 : vector<256x512xi1>, vector<256x512xf32>
    %slice3A_127 = vector.extract_strided_slice %select_n3A_107 {offsets = [0, 4], sizes = [256, 508], strides = [1, 1]} : vector<256x512xi32> to vector<256x508xi32>
    %slice3A_128 = vector.extract_strided_slice %select_n3A_107 {offsets = [0, 0], sizes = [256, 4], strides = [1, 1]} : vector<256x512xi32> to vector<256x4xi32>
    %concatenate3A_129 = tpu.concatenate %slice3A_127, %slice3A_128 in 1 : vector<256x508xi32>, vector<256x4xi32> -> vector<256x512xi32>
    %slice3A_130 = vector.extract_strided_slice %select_n3A_107 {offsets = [0, 508], sizes = [256, 4], strides = [1, 1]} : vector<256x512xi32> to vector<256x4xi32>
    %slice3A_131 = vector.extract_strided_slice %select_n3A_107 {offsets = [0, 0], sizes = [256, 508], strides = [1, 1]} : vector<256x512xi32> to vector<256x508xi32>
    %concatenate3A_132 = tpu.concatenate %slice3A_130, %slice3A_131 in 1 : vector<256x4xi32>, vector<256x508xi32> -> vector<256x512xi32>
    %select_n3A_133 = arith.select %eq3A_119, %concatenate3A_129, %concatenate3A_132 : vector<256x512xi1>, vector<256x512xi32>
    %gt3A_134 = arith.cmpf ogt, %select_n3A_106, %select_n3A_126 : vector<256x512xf32>
    %eq3A_135 = arith.cmpf oeq, %select_n3A_106, %select_n3A_126 : vector<256x512xf32>
    %lt3A_136 = arith.cmpi slt, %select_n3A_107, %select_n3A_133 : vector<256x512xi32>
    %and3A_137 = arith.andi %eq3A_135, %lt3A_136 : vector<256x512xi1>
    %or3A_138 = arith.ori %gt3A_134, %and3A_137 : vector<256x512xi1>
    %eq3A_139 = arith.xori %eq3A_119, %eq3A_113 : vector<256x512xi1>
    %eq3A_140 = arith.constant dense<true> : vector<256x512xi1>
    %eq3A_141 = arith.xori %eq3A_139, %eq3A_140 : vector<256x512xi1>
    %eq3A_142 = arith.xori %or3A_138, %eq3A_141 : vector<256x512xi1>
    %eq3A_143 = arith.constant dense<true> : vector<256x512xi1>
    %eq3A_144 = arith.xori %eq3A_142, %eq3A_143 : vector<256x512xi1>
    %select_n3A_145 = arith.select %eq3A_144, %select_n3A_106, %select_n3A_126 : vector<256x512xi1>, vector<256x512xf32>
    %select_n3A_146 = arith.select %eq3A_144, %select_n3A_107, %select_n3A_133 : vector<256x512xi1>, vector<256x512xi32>
    %and3A_147 = arith.constant 2 : i32
    %and3A_148 = vector.broadcast %and3A_147 : i32 to vector<256x512xi32>
    %and3A_149 = arith.andi %iota3A, %and3A_148 : vector<256x512xi32>
    %eq3A_150 = arith.constant 0 : i32
    %eq3A_151 = vector.broadcast %eq3A_150 : i32 to vector<256x512xi32>
    %eq3A_152 = arith.cmpi eq, %and3A_149, %eq3A_151 : vector<256x512xi32>
    %slice3A_153 = vector.extract_strided_slice %select_n3A_145 {offsets = [0, 2], sizes = [256, 510], strides = [1, 1]} : vector<256x512xf32> to vector<256x510xf32>
    %slice3A_154 = vector.extract_strided_slice %select_n3A_145 {offsets = [0, 0], sizes = [256, 2], strides = [1, 1]} : vector<256x512xf32> to vector<256x2xf32>
    %concatenate3A_155 = tpu.concatenate %slice3A_153, %slice3A_154 in 1 : vector<256x510xf32>, vector<256x2xf32> -> vector<256x512xf32>
    %slice3A_156 = vector.extract_strided_slice %select_n3A_145 {offsets = [0, 510], sizes = [256, 2], strides = [1, 1]} : vector<256x512xf32> to vector<256x2xf32>
    %slice3A_157 = vector.extract_strided_slice %select_n3A_145 {offsets = [0, 0], sizes = [256, 510], strides = [1, 1]} : vector<256x512xf32> to vector<256x510xf32>
    %concatenate3A_158 = tpu.concatenate %slice3A_156, %slice3A_157 in 1 : vector<256x2xf32>, vector<256x510xf32> -> vector<256x512xf32>
    %select_n3A_159 = arith.select %eq3A_152, %concatenate3A_155, %concatenate3A_158 : vector<256x512xi1>, vector<256x512xf32>
    %slice3A_160 = vector.extract_strided_slice %select_n3A_146 {offsets = [0, 2], sizes = [256, 510], strides = [1, 1]} : vector<256x512xi32> to vector<256x510xi32>
    %slice3A_161 = vector.extract_strided_slice %select_n3A_146 {offsets = [0, 0], sizes = [256, 2], strides = [1, 1]} : vector<256x512xi32> to vector<256x2xi32>
    %concatenate3A_162 = tpu.concatenate %slice3A_160, %slice3A_161 in 1 : vector<256x510xi32>, vector<256x2xi32> -> vector<256x512xi32>
    %slice3A_163 = vector.extract_strided_slice %select_n3A_146 {offsets = [0, 510], sizes = [256, 2], strides = [1, 1]} : vector<256x512xi32> to vector<256x2xi32>
    %slice3A_164 = vector.extract_strided_slice %select_n3A_146 {offsets = [0, 0], sizes = [256, 510], strides = [1, 1]} : vector<256x512xi32> to vector<256x510xi32>
    %concatenate3A_165 = tpu.concatenate %slice3A_163, %slice3A_164 in 1 : vector<256x2xi32>, vector<256x510xi32> -> vector<256x512xi32>
    %select_n3A_166 = arith.select %eq3A_152, %concatenate3A_162, %concatenate3A_165 : vector<256x512xi1>, vector<256x512xi32>
    %gt3A_167 = arith.cmpf ogt, %select_n3A_145, %select_n3A_159 : vector<256x512xf32>
    %eq3A_168 = arith.cmpf oeq, %select_n3A_145, %select_n3A_159 : vector<256x512xf32>
    %lt3A_169 = arith.cmpi slt, %select_n3A_146, %select_n3A_166 : vector<256x512xi32>
    %and3A_170 = arith.andi %eq3A_168, %lt3A_169 : vector<256x512xi1>
    %or3A_171 = arith.ori %gt3A_167, %and3A_170 : vector<256x512xi1>
    %eq3A_172 = arith.xori %eq3A_152, %eq3A_113 : vector<256x512xi1>
    %eq3A_173 = arith.constant dense<true> : vector<256x512xi1>
    %eq3A_174 = arith.xori %eq3A_172, %eq3A_173 : vector<256x512xi1>
    %eq3A_175 = arith.xori %or3A_171, %eq3A_174 : vector<256x512xi1>
    %eq3A_176 = arith.constant dense<true> : vector<256x512xi1>
    %eq3A_177 = arith.xori %eq3A_175, %eq3A_176 : vector<256x512xi1>
    %select_n3A_178 = arith.select %eq3A_177, %select_n3A_145, %select_n3A_159 : vector<256x512xi1>, vector<256x512xf32>
    %select_n3A_179 = arith.select %eq3A_177, %select_n3A_146, %select_n3A_166 : vector<256x512xi1>, vector<256x512xi32>
    %and3A_180 = arith.constant 1 : i32
    %and3A_181 = vector.broadcast %and3A_180 : i32 to vector<256x512xi32>
    %and3A_182 = arith.andi %iota3A, %and3A_181 : vector<256x512xi32>
    %eq3A_183 = arith.constant 0 : i32
    %eq3A_184 = vector.broadcast %eq3A_183 : i32 to vector<256x512xi32>
    %eq3A_185 = arith.cmpi eq, %and3A_182, %eq3A_184 : vector<256x512xi32>
    %slice3A_186 = vector.extract_strided_slice %select_n3A_178 {offsets = [0, 1], sizes = [256, 511], strides = [1, 1]} : vector<256x512xf32> to vector<256x511xf32>
    %slice3A_187 = vector.extract_strided_slice %select_n3A_178 {offsets = [0, 0], sizes = [256, 1], strides = [1, 1]} : vector<256x512xf32> to vector<256x1xf32>
    %concatenate3A_188 = tpu.concatenate %slice3A_186, %slice3A_187 in 1 : vector<256x511xf32>, vector<256x1xf32> -> vector<256x512xf32>
    %slice3A_189 = vector.extract_strided_slice %select_n3A_178 {offsets = [0, 511], sizes = [256, 1], strides = [1, 1]} : vector<256x512xf32> to vector<256x1xf32>
    %slice3A_190 = vector.extract_strided_slice %select_n3A_178 {offsets = [0, 0], sizes = [256, 511], strides = [1, 1]} : vector<256x512xf32> to vector<256x511xf32>
    %concatenate3A_191 = tpu.concatenate %slice3A_189, %slice3A_190 in 1 : vector<256x1xf32>, vector<256x511xf32> -> vector<256x512xf32>
    %select_n3A_192 = arith.select %eq3A_185, %concatenate3A_188, %concatenate3A_191 : vector<256x512xi1>, vector<256x512xf32>
    %slice3A_193 = vector.extract_strided_slice %select_n3A_179 {offsets = [0, 1], sizes = [256, 511], strides = [1, 1]} : vector<256x512xi32> to vector<256x511xi32>
    %slice3A_194 = vector.extract_strided_slice %select_n3A_179 {offsets = [0, 0], sizes = [256, 1], strides = [1, 1]} : vector<256x512xi32> to vector<256x1xi32>
    %concatenate3A_195 = tpu.concatenate %slice3A_193, %slice3A_194 in 1 : vector<256x511xi32>, vector<256x1xi32> -> vector<256x512xi32>
    %slice3A_196 = vector.extract_strided_slice %select_n3A_179 {offsets = [0, 511], sizes = [256, 1], strides = [1, 1]} : vector<256x512xi32> to vector<256x1xi32>
    %slice3A_197 = vector.extract_strided_slice %select_n3A_179 {offsets = [0, 0], sizes = [256, 511], strides = [1, 1]} : vector<256x512xi32> to vector<256x511xi32>
    %concatenate3A_198 = tpu.concatenate %slice3A_196, %slice3A_197 in 1 : vector<256x1xi32>, vector<256x511xi32> -> vector<256x512xi32>
    %select_n3A_199 = arith.select %eq3A_185, %concatenate3A_195, %concatenate3A_198 : vector<256x512xi1>, vector<256x512xi32>
    %gt3A_200 = arith.cmpf ogt, %select_n3A_178, %select_n3A_192 : vector<256x512xf32>
    %eq3A_201 = arith.cmpf oeq, %select_n3A_178, %select_n3A_192 : vector<256x512xf32>
    %lt3A_202 = arith.cmpi slt, %select_n3A_179, %select_n3A_199 : vector<256x512xi32>
    %and3A_203 = arith.andi %eq3A_201, %lt3A_202 : vector<256x512xi1>
    %or3A_204 = arith.ori %gt3A_200, %and3A_203 : vector<256x512xi1>
    %eq3A_205 = arith.xori %eq3A_185, %eq3A_113 : vector<256x512xi1>
    %eq3A_206 = arith.constant dense<true> : vector<256x512xi1>
    %eq3A_207 = arith.xori %eq3A_205, %eq3A_206 : vector<256x512xi1>
    %eq3A_208 = arith.xori %or3A_204, %eq3A_207 : vector<256x512xi1>
    %eq3A_209 = arith.constant dense<true> : vector<256x512xi1>
    %eq3A_210 = arith.xori %eq3A_208, %eq3A_209 : vector<256x512xi1>
    %select_n3A_211 = arith.select %eq3A_210, %select_n3A_178, %select_n3A_192 : vector<256x512xi1>, vector<256x512xf32>
    %select_n3A_212 = arith.select %eq3A_210, %select_n3A_179, %select_n3A_199 : vector<256x512xi1>, vector<256x512xi32>
    %and3A_213 = arith.constant 16 : i32
    %and3A_214 = vector.broadcast %and3A_213 : i32 to vector<256x512xi32>
    %and3A_215 = arith.andi %iota3A, %and3A_214 : vector<256x512xi32>
    %eq3A_216 = arith.constant 0 : i32
    %eq3A_217 = vector.broadcast %eq3A_216 : i32 to vector<256x512xi32>
    %eq3A_218 = arith.cmpi eq, %and3A_215, %eq3A_217 : vector<256x512xi32>
    %and3A_219 = arith.constant 8 : i32
    %and3A_220 = vector.broadcast %and3A_219 : i32 to vector<256x512xi32>
    %and3A_221 = arith.andi %iota3A, %and3A_220 : vector<256x512xi32>
    %eq3A_222 = arith.constant 0 : i32
    %eq3A_223 = vector.broadcast %eq3A_222 : i32 to vector<256x512xi32>
    %eq3A_224 = arith.cmpi eq, %and3A_221, %eq3A_223 : vector<256x512xi32>
    %slice3A_225 = vector.extract_strided_slice %select_n3A_211 {offsets = [0, 8], sizes = [256, 504], strides = [1, 1]} : vector<256x512xf32> to vector<256x504xf32>
    %slice3A_226 = vector.extract_strided_slice %select_n3A_211 {offsets = [0, 0], sizes = [256, 8], strides = [1, 1]} : vector<256x512xf32> to vector<256x8xf32>
    %concatenate3A_227 = tpu.concatenate %slice3A_225, %slice3A_226 in 1 : vector<256x504xf32>, vector<256x8xf32> -> vector<256x512xf32>
    %slice3A_228 = vector.extract_strided_slice %select_n3A_211 {offsets = [0, 504], sizes = [256, 8], strides = [1, 1]} : vector<256x512xf32> to vector<256x8xf32>
    %slice3A_229 = vector.extract_strided_slice %select_n3A_211 {offsets = [0, 0], sizes = [256, 504], strides = [1, 1]} : vector<256x512xf32> to vector<256x504xf32>
    %concatenate3A_230 = tpu.concatenate %slice3A_228, %slice3A_229 in 1 : vector<256x8xf32>, vector<256x504xf32> -> vector<256x512xf32>
    %select_n3A_231 = arith.select %eq3A_224, %concatenate3A_227, %concatenate3A_230 : vector<256x512xi1>, vector<256x512xf32>
    %slice3A_232 = vector.extract_strided_slice %select_n3A_212 {offsets = [0, 8], sizes = [256, 504], strides = [1, 1]} : vector<256x512xi32> to vector<256x504xi32>
    %slice3A_233 = vector.extract_strided_slice %select_n3A_212 {offsets = [0, 0], sizes = [256, 8], strides = [1, 1]} : vector<256x512xi32> to vector<256x8xi32>
    %concatenate3A_234 = tpu.concatenate %slice3A_232, %slice3A_233 in 1 : vector<256x504xi32>, vector<256x8xi32> -> vector<256x512xi32>
    %slice3A_235 = vector.extract_strided_slice %select_n3A_212 {offsets = [0, 504], sizes = [256, 8], strides = [1, 1]} : vector<256x512xi32> to vector<256x8xi32>
    %slice3A_236 = vector.extract_strided_slice %select_n3A_212 {offsets = [0, 0], sizes = [256, 504], strides = [1, 1]} : vector<256x512xi32> to vector<256x504xi32>
    %concatenate3A_237 = tpu.concatenate %slice3A_235, %slice3A_236 in 1 : vector<256x8xi32>, vector<256x504xi32> -> vector<256x512xi32>
    %select_n3A_238 = arith.select %eq3A_224, %concatenate3A_234, %concatenate3A_237 : vector<256x512xi1>, vector<256x512xi32>
    %gt3A_239 = arith.cmpf ogt, %select_n3A_211, %select_n3A_231 : vector<256x512xf32>
    %eq3A_240 = arith.cmpf oeq, %select_n3A_211, %select_n3A_231 : vector<256x512xf32>
    %lt3A_241 = arith.cmpi slt, %select_n3A_212, %select_n3A_238 : vector<256x512xi32>
    %and3A_242 = arith.andi %eq3A_240, %lt3A_241 : vector<256x512xi1>
    %or3A_243 = arith.ori %gt3A_239, %and3A_242 : vector<256x512xi1>
    %eq3A_244 = arith.xori %eq3A_224, %eq3A_218 : vector<256x512xi1>
    %eq3A_245 = arith.constant dense<true> : vector<256x512xi1>
    %eq3A_246 = arith.xori %eq3A_244, %eq3A_245 : vector<256x512xi1>
    %eq3A_247 = arith.xori %or3A_243, %eq3A_246 : vector<256x512xi1>
    %eq3A_248 = arith.constant dense<true> : vector<256x512xi1>
    %eq3A_249 = arith.xori %eq3A_247, %eq3A_248 : vector<256x512xi1>
    %select_n3A_250 = arith.select %eq3A_249, %select_n3A_211, %select_n3A_231 : vector<256x512xi1>, vector<256x512xf32>
    %select_n3A_251 = arith.select %eq3A_249, %select_n3A_212, %select_n3A_238 : vector<256x512xi1>, vector<256x512xi32>
    %and3A_252 = arith.constant 4 : i32
    %and3A_253 = vector.broadcast %and3A_252 : i32 to vector<256x512xi32>
    %and3A_254 = arith.andi %iota3A, %and3A_253 : vector<256x512xi32>
    %eq3A_255 = arith.constant 0 : i32
    %eq3A_256 = vector.broadcast %eq3A_255 : i32 to vector<256x512xi32>
    %eq3A_257 = arith.cmpi eq, %and3A_254, %eq3A_256 : vector<256x512xi32>
    %slice3A_258 = vector.extract_strided_slice %select_n3A_250 {offsets = [0, 4], sizes = [256, 508], strides = [1, 1]} : vector<256x512xf32> to vector<256x508xf32>
    %slice3A_259 = vector.extract_strided_slice %select_n3A_250 {offsets = [0, 0], sizes = [256, 4], strides = [1, 1]} : vector<256x512xf32> to vector<256x4xf32>
    %concatenate3A_260 = tpu.concatenate %slice3A_258, %slice3A_259 in 1 : vector<256x508xf32>, vector<256x4xf32> -> vector<256x512xf32>
    %slice3A_261 = vector.extract_strided_slice %select_n3A_250 {offsets = [0, 508], sizes = [256, 4], strides = [1, 1]} : vector<256x512xf32> to vector<256x4xf32>
    %slice3A_262 = vector.extract_strided_slice %select_n3A_250 {offsets = [0, 0], sizes = [256, 508], strides = [1, 1]} : vector<256x512xf32> to vector<256x508xf32>
    %concatenate3A_263 = tpu.concatenate %slice3A_261, %slice3A_262 in 1 : vector<256x4xf32>, vector<256x508xf32> -> vector<256x512xf32>
    %select_n3A_264 = arith.select %eq3A_257, %concatenate3A_260, %concatenate3A_263 : vector<256x512xi1>, vector<256x512xf32>
    %slice3A_265 = vector.extract_strided_slice %select_n3A_251 {offsets = [0, 4], sizes = [256, 508], strides = [1, 1]} : vector<256x512xi32> to vector<256x508xi32>
    %slice3A_266 = vector.extract_strided_slice %select_n3A_251 {offsets = [0, 0], sizes = [256, 4], strides = [1, 1]} : vector<256x512xi32> to vector<256x4xi32>
    %concatenate3A_267 = tpu.concatenate %slice3A_265, %slice3A_266 in 1 : vector<256x508xi32>, vector<256x4xi32> -> vector<256x512xi32>
    %slice3A_268 = vector.extract_strided_slice %select_n3A_251 {offsets = [0, 508], sizes = [256, 4], strides = [1, 1]} : vector<256x512xi32> to vector<256x4xi32>
    %slice3A_269 = vector.extract_strided_slice %select_n3A_251 {offsets = [0, 0], sizes = [256, 508], strides = [1, 1]} : vector<256x512xi32> to vector<256x508xi32>
    %concatenate3A_270 = tpu.concatenate %slice3A_268, %slice3A_269 in 1 : vector<256x4xi32>, vector<256x508xi32> -> vector<256x512xi32>
    %select_n3A_271 = arith.select %eq3A_257, %concatenate3A_267, %concatenate3A_270 : vector<256x512xi1>, vector<256x512xi32>
    %gt3A_272 = arith.cmpf ogt, %select_n3A_250, %select_n3A_264 : vector<256x512xf32>
    %eq3A_273 = arith.cmpf oeq, %select_n3A_250, %select_n3A_264 : vector<256x512xf32>
    %lt3A_274 = arith.cmpi slt, %select_n3A_251, %select_n3A_271 : vector<256x512xi32>
    %and3A_275 = arith.andi %eq3A_273, %lt3A_274 : vector<256x512xi1>
    %or3A_276 = arith.ori %gt3A_272, %and3A_275 : vector<256x512xi1>
    %eq3A_277 = arith.xori %eq3A_257, %eq3A_218 : vector<256x512xi1>
    %eq3A_278 = arith.constant dense<true> : vector<256x512xi1>
    %eq3A_279 = arith.xori %eq3A_277, %eq3A_278 : vector<256x512xi1>
    %eq3A_280 = arith.xori %or3A_276, %eq3A_279 : vector<256x512xi1>
    %eq3A_281 = arith.constant dense<true> : vector<256x512xi1>
    %eq3A_282 = arith.xori %eq3A_280, %eq3A_281 : vector<256x512xi1>
    %select_n3A_283 = arith.select %eq3A_282, %select_n3A_250, %select_n3A_264 : vector<256x512xi1>, vector<256x512xf32>
    %select_n3A_284 = arith.select %eq3A_282, %select_n3A_251, %select_n3A_271 : vector<256x512xi1>, vector<256x512xi32>
    %and3A_285 = arith.constant 2 : i32
    %and3A_286 = vector.broadcast %and3A_285 : i32 to vector<256x512xi32>
    %and3A_287 = arith.andi %iota3A, %and3A_286 : vector<256x512xi32>
    %eq3A_288 = arith.constant 0 : i32
    %eq3A_289 = vector.broadcast %eq3A_288 : i32 to vector<256x512xi32>
    %eq3A_290 = arith.cmpi eq, %and3A_287, %eq3A_289 : vector<256x512xi32>
    %slice3A_291 = vector.extract_strided_slice %select_n3A_283 {offsets = [0, 2], sizes = [256, 510], strides = [1, 1]} : vector<256x512xf32> to vector<256x510xf32>
    %slice3A_292 = vector.extract_strided_slice %select_n3A_283 {offsets = [0, 0], sizes = [256, 2], strides = [1, 1]} : vector<256x512xf32> to vector<256x2xf32>
    %concatenate3A_293 = tpu.concatenate %slice3A_291, %slice3A_292 in 1 : vector<256x510xf32>, vector<256x2xf32> -> vector<256x512xf32>
    %slice3A_294 = vector.extract_strided_slice %select_n3A_283 {offsets = [0, 510], sizes = [256, 2], strides = [1, 1]} : vector<256x512xf32> to vector<256x2xf32>
    %slice3A_295 = vector.extract_strided_slice %select_n3A_283 {offsets = [0, 0], sizes = [256, 510], strides = [1, 1]} : vector<256x512xf32> to vector<256x510xf32>
    %concatenate3A_296 = tpu.concatenate %slice3A_294, %slice3A_295 in 1 : vector<256x2xf32>, vector<256x510xf32> -> vector<256x512xf32>
    %select_n3A_297 = arith.select %eq3A_290, %concatenate3A_293, %concatenate3A_296 : vector<256x512xi1>, vector<256x512xf32>
    %slice3A_298 = vector.extract_strided_slice %select_n3A_284 {offsets = [0, 2], sizes = [256, 510], strides = [1, 1]} : vector<256x512xi32> to vector<256x510xi32>
    %slice3A_299 = vector.extract_strided_slice %select_n3A_284 {offsets = [0, 0], sizes = [256, 2], strides = [1, 1]} : vector<256x512xi32> to vector<256x2xi32>
    %concatenate3A_300 = tpu.concatenate %slice3A_298, %slice3A_299 in 1 : vector<256x510xi32>, vector<256x2xi32> -> vector<256x512xi32>
    %slice3A_301 = vector.extract_strided_slice %select_n3A_284 {offsets = [0, 510], sizes = [256, 2], strides = [1, 1]} : vector<256x512xi32> to vector<256x2xi32>
    %slice3A_302 = vector.extract_strided_slice %select_n3A_284 {offsets = [0, 0], sizes = [256, 510], strides = [1, 1]} : vector<256x512xi32> to vector<256x510xi32>
    %concatenate3A_303 = tpu.concatenate %slice3A_301, %slice3A_302 in 1 : vector<256x2xi32>, vector<256x510xi32> -> vector<256x512xi32>
    %select_n3A_304 = arith.select %eq3A_290, %concatenate3A_300, %concatenate3A_303 : vector<256x512xi1>, vector<256x512xi32>
    %gt3A_305 = arith.cmpf ogt, %select_n3A_283, %select_n3A_297 : vector<256x512xf32>
    %eq3A_306 = arith.cmpf oeq, %select_n3A_283, %select_n3A_297 : vector<256x512xf32>
    %lt3A_307 = arith.cmpi slt, %select_n3A_284, %select_n3A_304 : vector<256x512xi32>
    %and3A_308 = arith.andi %eq3A_306, %lt3A_307 : vector<256x512xi1>
    %or3A_309 = arith.ori %gt3A_305, %and3A_308 : vector<256x512xi1>
    %eq3A_310 = arith.xori %eq3A_290, %eq3A_218 : vector<256x512xi1>
    %eq3A_311 = arith.constant dense<true> : vector<256x512xi1>
    %eq3A_312 = arith.xori %eq3A_310, %eq3A_311 : vector<256x512xi1>
    %eq3A_313 = arith.xori %or3A_309, %eq3A_312 : vector<256x512xi1>
    %eq3A_314 = arith.constant dense<true> : vector<256x512xi1>
    %eq3A_315 = arith.xori %eq3A_313, %eq3A_314 : vector<256x512xi1>
    %select_n3A_316 = arith.select %eq3A_315, %select_n3A_283, %select_n3A_297 : vector<256x512xi1>, vector<256x512xf32>
    %select_n3A_317 = arith.select %eq3A_315, %select_n3A_284, %select_n3A_304 : vector<256x512xi1>, vector<256x512xi32>
    %and3A_318 = arith.constant 1 : i32
    %and3A_319 = vector.broadcast %and3A_318 : i32 to vector<256x512xi32>
    %and3A_320 = arith.andi %iota3A, %and3A_319 : vector<256x512xi32>
    %eq3A_321 = arith.constant 0 : i32
    %eq3A_322 = vector.broadcast %eq3A_321 : i32 to vector<256x512xi32>
    %eq3A_323 = arith.cmpi eq, %and3A_320, %eq3A_322 : vector<256x512xi32>
    %slice3A_324 = vector.extract_strided_slice %select_n3A_316 {offsets = [0, 1], sizes = [256, 511], strides = [1, 1]} : vector<256x512xf32> to vector<256x511xf32>
    %slice3A_325 = vector.extract_strided_slice %select_n3A_316 {offsets = [0, 0], sizes = [256, 1], strides = [1, 1]} : vector<256x512xf32> to vector<256x1xf32>
    %concatenate3A_326 = tpu.concatenate %slice3A_324, %slice3A_325 in 1 : vector<256x511xf32>, vector<256x1xf32> -> vector<256x512xf32>
    %slice3A_327 = vector.extract_strided_slice %select_n3A_316 {offsets = [0, 511], sizes = [256, 1], strides = [1, 1]} : vector<256x512xf32> to vector<256x1xf32>
    %slice3A_328 = vector.extract_strided_slice %select_n3A_316 {offsets = [0, 0], sizes = [256, 511], strides = [1, 1]} : vector<256x512xf32> to vector<256x511xf32>
    %concatenate3A_329 = tpu.concatenate %slice3A_327, %slice3A_328 in 1 : vector<256x1xf32>, vector<256x511xf32> -> vector<256x512xf32>
    %select_n3A_330 = arith.select %eq3A_323, %concatenate3A_326, %concatenate3A_329 : vector<256x512xi1>, vector<256x512xf32>
    %slice3A_331 = vector.extract_strided_slice %select_n3A_317 {offsets = [0, 1], sizes = [256, 511], strides = [1, 1]} : vector<256x512xi32> to vector<256x511xi32>
    %slice3A_332 = vector.extract_strided_slice %select_n3A_317 {offsets = [0, 0], sizes = [256, 1], strides = [1, 1]} : vector<256x512xi32> to vector<256x1xi32>
    %concatenate3A_333 = tpu.concatenate %slice3A_331, %slice3A_332 in 1 : vector<256x511xi32>, vector<256x1xi32> -> vector<256x512xi32>
    %slice3A_334 = vector.extract_strided_slice %select_n3A_317 {offsets = [0, 511], sizes = [256, 1], strides = [1, 1]} : vector<256x512xi32> to vector<256x1xi32>
    %slice3A_335 = vector.extract_strided_slice %select_n3A_317 {offsets = [0, 0], sizes = [256, 511], strides = [1, 1]} : vector<256x512xi32> to vector<256x511xi32>
    %concatenate3A_336 = tpu.concatenate %slice3A_334, %slice3A_335 in 1 : vector<256x1xi32>, vector<256x511xi32> -> vector<256x512xi32>
    %select_n3A_337 = arith.select %eq3A_323, %concatenate3A_333, %concatenate3A_336 : vector<256x512xi1>, vector<256x512xi32>
    %gt3A_338 = arith.cmpf ogt, %select_n3A_316, %select_n3A_330 : vector<256x512xf32>
    %eq3A_339 = arith.cmpf oeq, %select_n3A_316, %select_n3A_330 : vector<256x512xf32>
    %lt3A_340 = arith.cmpi slt, %select_n3A_317, %select_n3A_337 : vector<256x512xi32>
    %and3A_341 = arith.andi %eq3A_339, %lt3A_340 : vector<256x512xi1>
    %or3A_342 = arith.ori %gt3A_338, %and3A_341 : vector<256x512xi1>
    %eq3A_343 = arith.xori %eq3A_323, %eq3A_218 : vector<256x512xi1>
    %eq3A_344 = arith.constant dense<true> : vector<256x512xi1>
    %eq3A_345 = arith.xori %eq3A_343, %eq3A_344 : vector<256x512xi1>
    %eq3A_346 = arith.xori %or3A_342, %eq3A_345 : vector<256x512xi1>
    %eq3A_347 = arith.constant dense<true> : vector<256x512xi1>
    %eq3A_348 = arith.xori %eq3A_346, %eq3A_347 : vector<256x512xi1>
    %select_n3A_349 = arith.select %eq3A_348, %select_n3A_316, %select_n3A_330 : vector<256x512xi1>, vector<256x512xf32>
    %select_n3A_350 = arith.select %eq3A_348, %select_n3A_317, %select_n3A_337 : vector<256x512xi1>, vector<256x512xi32>
    %and3A_351 = arith.constant 32 : i32
    %and3A_352 = vector.broadcast %and3A_351 : i32 to vector<256x512xi32>
    %and3A_353 = arith.andi %iota3A, %and3A_352 : vector<256x512xi32>
    %eq3A_354 = arith.constant 0 : i32
    %eq3A_355 = vector.broadcast %eq3A_354 : i32 to vector<256x512xi32>
    %eq3A_356 = arith.cmpi eq, %and3A_353, %eq3A_355 : vector<256x512xi32>
    %and3A_357 = arith.constant 16 : i32
    %and3A_358 = vector.broadcast %and3A_357 : i32 to vector<256x512xi32>
    %and3A_359 = arith.andi %iota3A, %and3A_358 : vector<256x512xi32>
    %eq3A_360 = arith.constant 0 : i32
    %eq3A_361 = vector.broadcast %eq3A_360 : i32 to vector<256x512xi32>
    %eq3A_362 = arith.cmpi eq, %and3A_359, %eq3A_361 : vector<256x512xi32>
    %slice3A_363 = vector.extract_strided_slice %select_n3A_349 {offsets = [0, 16], sizes = [256, 496], strides = [1, 1]} : vector<256x512xf32> to vector<256x496xf32>
    %slice3A_364 = vector.extract_strided_slice %select_n3A_349 {offsets = [0, 0], sizes = [256, 16], strides = [1, 1]} : vector<256x512xf32> to vector<256x16xf32>
    %concatenate3A_365 = tpu.concatenate %slice3A_363, %slice3A_364 in 1 : vector<256x496xf32>, vector<256x16xf32> -> vector<256x512xf32>
    %slice3A_366 = vector.extract_strided_slice %select_n3A_349 {offsets = [0, 496], sizes = [256, 16], strides = [1, 1]} : vector<256x512xf32> to vector<256x16xf32>
    %slice3A_367 = vector.extract_strided_slice %select_n3A_349 {offsets = [0, 0], sizes = [256, 496], strides = [1, 1]} : vector<256x512xf32> to vector<256x496xf32>
    %concatenate3A_368 = tpu.concatenate %slice3A_366, %slice3A_367 in 1 : vector<256x16xf32>, vector<256x496xf32> -> vector<256x512xf32>
    %select_n3A_369 = arith.select %eq3A_362, %concatenate3A_365, %concatenate3A_368 : vector<256x512xi1>, vector<256x512xf32>
    %slice3A_370 = vector.extract_strided_slice %select_n3A_350 {offsets = [0, 16], sizes = [256, 496], strides = [1, 1]} : vector<256x512xi32> to vector<256x496xi32>
    %slice3A_371 = vector.extract_strided_slice %select_n3A_350 {offsets = [0, 0], sizes = [256, 16], strides = [1, 1]} : vector<256x512xi32> to vector<256x16xi32>
    %concatenate3A_372 = tpu.concatenate %slice3A_370, %slice3A_371 in 1 : vector<256x496xi32>, vector<256x16xi32> -> vector<256x512xi32>
    %slice3A_373 = vector.extract_strided_slice %select_n3A_350 {offsets = [0, 496], sizes = [256, 16], strides = [1, 1]} : vector<256x512xi32> to vector<256x16xi32>
    %slice3A_374 = vector.extract_strided_slice %select_n3A_350 {offsets = [0, 0], sizes = [256, 496], strides = [1, 1]} : vector<256x512xi32> to vector<256x496xi32>
    %concatenate3A_375 = tpu.concatenate %slice3A_373, %slice3A_374 in 1 : vector<256x16xi32>, vector<256x496xi32> -> vector<256x512xi32>
    %select_n3A_376 = arith.select %eq3A_362, %concatenate3A_372, %concatenate3A_375 : vector<256x512xi1>, vector<256x512xi32>
    %gt3A_377 = arith.cmpf ogt, %select_n3A_349, %select_n3A_369 : vector<256x512xf32>
    %eq3A_378 = arith.cmpf oeq, %select_n3A_349, %select_n3A_369 : vector<256x512xf32>
    %lt3A_379 = arith.cmpi slt, %select_n3A_350, %select_n3A_376 : vector<256x512xi32>
    %and3A_380 = arith.andi %eq3A_378, %lt3A_379 : vector<256x512xi1>
    %or3A_381 = arith.ori %gt3A_377, %and3A_380 : vector<256x512xi1>
    %eq3A_382 = arith.xori %eq3A_362, %eq3A_356 : vector<256x512xi1>
    %eq3A_383 = arith.constant dense<true> : vector<256x512xi1>
    %eq3A_384 = arith.xori %eq3A_382, %eq3A_383 : vector<256x512xi1>
    %eq3A_385 = arith.xori %or3A_381, %eq3A_384 : vector<256x512xi1>
    %eq3A_386 = arith.constant dense<true> : vector<256x512xi1>
    %eq3A_387 = arith.xori %eq3A_385, %eq3A_386 : vector<256x512xi1>
    %select_n3A_388 = arith.select %eq3A_387, %select_n3A_349, %select_n3A_369 : vector<256x512xi1>, vector<256x512xf32>
    %select_n3A_389 = arith.select %eq3A_387, %select_n3A_350, %select_n3A_376 : vector<256x512xi1>, vector<256x512xi32>
    %and3A_390 = arith.constant 8 : i32
    %and3A_391 = vector.broadcast %and3A_390 : i32 to vector<256x512xi32>
    %and3A_392 = arith.andi %iota3A, %and3A_391 : vector<256x512xi32>
    %eq3A_393 = arith.constant 0 : i32
    %eq3A_394 = vector.broadcast %eq3A_393 : i32 to vector<256x512xi32>
    %eq3A_395 = arith.cmpi eq, %and3A_392, %eq3A_394 : vector<256x512xi32>
    %slice3A_396 = vector.extract_strided_slice %select_n3A_388 {offsets = [0, 8], sizes = [256, 504], strides = [1, 1]} : vector<256x512xf32> to vector<256x504xf32>
    %slice3A_397 = vector.extract_strided_slice %select_n3A_388 {offsets = [0, 0], sizes = [256, 8], strides = [1, 1]} : vector<256x512xf32> to vector<256x8xf32>
    %concatenate3A_398 = tpu.concatenate %slice3A_396, %slice3A_397 in 1 : vector<256x504xf32>, vector<256x8xf32> -> vector<256x512xf32>
    %slice3A_399 = vector.extract_strided_slice %select_n3A_388 {offsets = [0, 504], sizes = [256, 8], strides = [1, 1]} : vector<256x512xf32> to vector<256x8xf32>
    %slice3A_400 = vector.extract_strided_slice %select_n3A_388 {offsets = [0, 0], sizes = [256, 504], strides = [1, 1]} : vector<256x512xf32> to vector<256x504xf32>
    %concatenate3A_401 = tpu.concatenate %slice3A_399, %slice3A_400 in 1 : vector<256x8xf32>, vector<256x504xf32> -> vector<256x512xf32>
    %select_n3A_402 = arith.select %eq3A_395, %concatenate3A_398, %concatenate3A_401 : vector<256x512xi1>, vector<256x512xf32>
    %slice3A_403 = vector.extract_strided_slice %select_n3A_389 {offsets = [0, 8], sizes = [256, 504], strides = [1, 1]} : vector<256x512xi32> to vector<256x504xi32>
    %slice3A_404 = vector.extract_strided_slice %select_n3A_389 {offsets = [0, 0], sizes = [256, 8], strides = [1, 1]} : vector<256x512xi32> to vector<256x8xi32>
    %concatenate3A_405 = tpu.concatenate %slice3A_403, %slice3A_404 in 1 : vector<256x504xi32>, vector<256x8xi32> -> vector<256x512xi32>
    %slice3A_406 = vector.extract_strided_slice %select_n3A_389 {offsets = [0, 504], sizes = [256, 8], strides = [1, 1]} : vector<256x512xi32> to vector<256x8xi32>
    %slice3A_407 = vector.extract_strided_slice %select_n3A_389 {offsets = [0, 0], sizes = [256, 504], strides = [1, 1]} : vector<256x512xi32> to vector<256x504xi32>
    %concatenate3A_408 = tpu.concatenate %slice3A_406, %slice3A_407 in 1 : vector<256x8xi32>, vector<256x504xi32> -> vector<256x512xi32>
    %select_n3A_409 = arith.select %eq3A_395, %concatenate3A_405, %concatenate3A_408 : vector<256x512xi1>, vector<256x512xi32>
    %gt3A_410 = arith.cmpf ogt, %select_n3A_388, %select_n3A_402 : vector<256x512xf32>
    %eq3A_411 = arith.cmpf oeq, %select_n3A_388, %select_n3A_402 : vector<256x512xf32>
    %lt3A_412 = arith.cmpi slt, %select_n3A_389, %select_n3A_409 : vector<256x512xi32>
    %and3A_413 = arith.andi %eq3A_411, %lt3A_412 : vector<256x512xi1>
    %or3A_414 = arith.ori %gt3A_410, %and3A_413 : vector<256x512xi1>
    %eq3A_415 = arith.xori %eq3A_395, %eq3A_356 : vector<256x512xi1>
    %eq3A_416 = arith.constant dense<true> : vector<256x512xi1>
    %eq3A_417 = arith.xori %eq3A_415, %eq3A_416 : vector<256x512xi1>
    %eq3A_418 = arith.xori %or3A_414, %eq3A_417 : vector<256x512xi1>
    %eq3A_419 = arith.constant dense<true> : vector<256x512xi1>
    %eq3A_420 = arith.xori %eq3A_418, %eq3A_419 : vector<256x512xi1>
    %select_n3A_421 = arith.select %eq3A_420, %select_n3A_388, %select_n3A_402 : vector<256x512xi1>, vector<256x512xf32>
    %select_n3A_422 = arith.select %eq3A_420, %select_n3A_389, %select_n3A_409 : vector<256x512xi1>, vector<256x512xi32>
    %and3A_423 = arith.constant 4 : i32
    %and3A_424 = vector.broadcast %and3A_423 : i32 to vector<256x512xi32>
    %and3A_425 = arith.andi %iota3A, %and3A_424 : vector<256x512xi32>
    %eq3A_426 = arith.constant 0 : i32
    %eq3A_427 = vector.broadcast %eq3A_426 : i32 to vector<256x512xi32>
    %eq3A_428 = arith.cmpi eq, %and3A_425, %eq3A_427 : vector<256x512xi32>
    %slice3A_429 = vector.extract_strided_slice %select_n3A_421 {offsets = [0, 4], sizes = [256, 508], strides = [1, 1]} : vector<256x512xf32> to vector<256x508xf32>
    %slice3A_430 = vector.extract_strided_slice %select_n3A_421 {offsets = [0, 0], sizes = [256, 4], strides = [1, 1]} : vector<256x512xf32> to vector<256x4xf32>
    %concatenate3A_431 = tpu.concatenate %slice3A_429, %slice3A_430 in 1 : vector<256x508xf32>, vector<256x4xf32> -> vector<256x512xf32>
    %slice3A_432 = vector.extract_strided_slice %select_n3A_421 {offsets = [0, 508], sizes = [256, 4], strides = [1, 1]} : vector<256x512xf32> to vector<256x4xf32>
    %slice3A_433 = vector.extract_strided_slice %select_n3A_421 {offsets = [0, 0], sizes = [256, 508], strides = [1, 1]} : vector<256x512xf32> to vector<256x508xf32>
    %concatenate3A_434 = tpu.concatenate %slice3A_432, %slice3A_433 in 1 : vector<256x4xf32>, vector<256x508xf32> -> vector<256x512xf32>
    %select_n3A_435 = arith.select %eq3A_428, %concatenate3A_431, %concatenate3A_434 : vector<256x512xi1>, vector<256x512xf32>
    %slice3A_436 = vector.extract_strided_slice %select_n3A_422 {offsets = [0, 4], sizes = [256, 508], strides = [1, 1]} : vector<256x512xi32> to vector<256x508xi32>
    %slice3A_437 = vector.extract_strided_slice %select_n3A_422 {offsets = [0, 0], sizes = [256, 4], strides = [1, 1]} : vector<256x512xi32> to vector<256x4xi32>
    %concatenate3A_438 = tpu.concatenate %slice3A_436, %slice3A_437 in 1 : vector<256x508xi32>, vector<256x4xi32> -> vector<256x512xi32>
    %slice3A_439 = vector.extract_strided_slice %select_n3A_422 {offsets = [0, 508], sizes = [256, 4], strides = [1, 1]} : vector<256x512xi32> to vector<256x4xi32>
    %slice3A_440 = vector.extract_strided_slice %select_n3A_422 {offsets = [0, 0], sizes = [256, 508], strides = [1, 1]} : vector<256x512xi32> to vector<256x508xi32>
    %concatenate3A_441 = tpu.concatenate %slice3A_439, %slice3A_440 in 1 : vector<256x4xi32>, vector<256x508xi32> -> vector<256x512xi32>
    %select_n3A_442 = arith.select %eq3A_428, %concatenate3A_438, %concatenate3A_441 : vector<256x512xi1>, vector<256x512xi32>
    %gt3A_443 = arith.cmpf ogt, %select_n3A_421, %select_n3A_435 : vector<256x512xf32>
    %eq3A_444 = arith.cmpf oeq, %select_n3A_421, %select_n3A_435 : vector<256x512xf32>
    %lt3A_445 = arith.cmpi slt, %select_n3A_422, %select_n3A_442 : vector<256x512xi32>
    %and3A_446 = arith.andi %eq3A_444, %lt3A_445 : vector<256x512xi1>
    %or3A_447 = arith.ori %gt3A_443, %and3A_446 : vector<256x512xi1>
    %eq3A_448 = arith.xori %eq3A_428, %eq3A_356 : vector<256x512xi1>
    %eq3A_449 = arith.constant dense<true> : vector<256x512xi1>
    %eq3A_450 = arith.xori %eq3A_448, %eq3A_449 : vector<256x512xi1>
    %eq3A_451 = arith.xori %or3A_447, %eq3A_450 : vector<256x512xi1>
    %eq3A_452 = arith.constant dense<true> : vector<256x512xi1>
    %eq3A_453 = arith.xori %eq3A_451, %eq3A_452 : vector<256x512xi1>
    %select_n3A_454 = arith.select %eq3A_453, %select_n3A_421, %select_n3A_435 : vector<256x512xi1>, vector<256x512xf32>
    %select_n3A_455 = arith.select %eq3A_453, %select_n3A_422, %select_n3A_442 : vector<256x512xi1>, vector<256x512xi32>
    %and3A_456 = arith.constant 2 : i32
    %and3A_457 = vector.broadcast %and3A_456 : i32 to vector<256x512xi32>
    %and3A_458 = arith.andi %iota3A, %and3A_457 : vector<256x512xi32>
    %eq3A_459 = arith.constant 0 : i32
    %eq3A_460 = vector.broadcast %eq3A_459 : i32 to vector<256x512xi32>
    %eq3A_461 = arith.cmpi eq, %and3A_458, %eq3A_460 : vector<256x512xi32>
    %slice3A_462 = vector.extract_strided_slice %select_n3A_454 {offsets = [0, 2], sizes = [256, 510], strides = [1, 1]} : vector<256x512xf32> to vector<256x510xf32>
    %slice3A_463 = vector.extract_strided_slice %select_n3A_454 {offsets = [0, 0], sizes = [256, 2], strides = [1, 1]} : vector<256x512xf32> to vector<256x2xf32>
    %concatenate3A_464 = tpu.concatenate %slice3A_462, %slice3A_463 in 1 : vector<256x510xf32>, vector<256x2xf32> -> vector<256x512xf32>
    %slice3A_465 = vector.extract_strided_slice %select_n3A_454 {offsets = [0, 510], sizes = [256, 2], strides = [1, 1]} : vector<256x512xf32> to vector<256x2xf32>
    %slice3A_466 = vector.extract_strided_slice %select_n3A_454 {offsets = [0, 0], sizes = [256, 510], strides = [1, 1]} : vector<256x512xf32> to vector<256x510xf32>
    %concatenate3A_467 = tpu.concatenate %slice3A_465, %slice3A_466 in 1 : vector<256x2xf32>, vector<256x510xf32> -> vector<256x512xf32>
    %select_n3A_468 = arith.select %eq3A_461, %concatenate3A_464, %concatenate3A_467 : vector<256x512xi1>, vector<256x512xf32>
    %slice3A_469 = vector.extract_strided_slice %select_n3A_455 {offsets = [0, 2], sizes = [256, 510], strides = [1, 1]} : vector<256x512xi32> to vector<256x510xi32>
    %slice3A_470 = vector.extract_strided_slice %select_n3A_455 {offsets = [0, 0], sizes = [256, 2], strides = [1, 1]} : vector<256x512xi32> to vector<256x2xi32>
    %concatenate3A_471 = tpu.concatenate %slice3A_469, %slice3A_470 in 1 : vector<256x510xi32>, vector<256x2xi32> -> vector<256x512xi32>
    %slice3A_472 = vector.extract_strided_slice %select_n3A_455 {offsets = [0, 510], sizes = [256, 2], strides = [1, 1]} : vector<256x512xi32> to vector<256x2xi32>
    %slice3A_473 = vector.extract_strided_slice %select_n3A_455 {offsets = [0, 0], sizes = [256, 510], strides = [1, 1]} : vector<256x512xi32> to vector<256x510xi32>
    %concatenate3A_474 = tpu.concatenate %slice3A_472, %slice3A_473 in 1 : vector<256x2xi32>, vector<256x510xi32> -> vector<256x512xi32>
    %select_n3A_475 = arith.select %eq3A_461, %concatenate3A_471, %concatenate3A_474 : vector<256x512xi1>, vector<256x512xi32>
    %gt3A_476 = arith.cmpf ogt, %select_n3A_454, %select_n3A_468 : vector<256x512xf32>
    %eq3A_477 = arith.cmpf oeq, %select_n3A_454, %select_n3A_468 : vector<256x512xf32>
    %lt3A_478 = arith.cmpi slt, %select_n3A_455, %select_n3A_475 : vector<256x512xi32>
    %and3A_479 = arith.andi %eq3A_477, %lt3A_478 : vector<256x512xi1>
    %or3A_480 = arith.ori %gt3A_476, %and3A_479 : vector<256x512xi1>
    %eq3A_481 = arith.xori %eq3A_461, %eq3A_356 : vector<256x512xi1>
    %eq3A_482 = arith.constant dense<true> : vector<256x512xi1>
    %eq3A_483 = arith.xori %eq3A_481, %eq3A_482 : vector<256x512xi1>
    %eq3A_484 = arith.xori %or3A_480, %eq3A_483 : vector<256x512xi1>
    %eq3A_485 = arith.constant dense<true> : vector<256x512xi1>
    %eq3A_486 = arith.xori %eq3A_484, %eq3A_485 : vector<256x512xi1>
    %select_n3A_487 = arith.select %eq3A_486, %select_n3A_454, %select_n3A_468 : vector<256x512xi1>, vector<256x512xf32>
    %select_n3A_488 = arith.select %eq3A_486, %select_n3A_455, %select_n3A_475 : vector<256x512xi1>, vector<256x512xi32>
    %and3A_489 = arith.constant 1 : i32
    %and3A_490 = vector.broadcast %and3A_489 : i32 to vector<256x512xi32>
    %and3A_491 = arith.andi %iota3A, %and3A_490 : vector<256x512xi32>
    %eq3A_492 = arith.constant 0 : i32
    %eq3A_493 = vector.broadcast %eq3A_492 : i32 to vector<256x512xi32>
    %eq3A_494 = arith.cmpi eq, %and3A_491, %eq3A_493 : vector<256x512xi32>
    %slice3A_495 = vector.extract_strided_slice %select_n3A_487 {offsets = [0, 1], sizes = [256, 511], strides = [1, 1]} : vector<256x512xf32> to vector<256x511xf32>
    %slice3A_496 = vector.extract_strided_slice %select_n3A_487 {offsets = [0, 0], sizes = [256, 1], strides = [1, 1]} : vector<256x512xf32> to vector<256x1xf32>
    %concatenate3A_497 = tpu.concatenate %slice3A_495, %slice3A_496 in 1 : vector<256x511xf32>, vector<256x1xf32> -> vector<256x512xf32>
    %slice3A_498 = vector.extract_strided_slice %select_n3A_487 {offsets = [0, 511], sizes = [256, 1], strides = [1, 1]} : vector<256x512xf32> to vector<256x1xf32>
    %slice3A_499 = vector.extract_strided_slice %select_n3A_487 {offsets = [0, 0], sizes = [256, 511], strides = [1, 1]} : vector<256x512xf32> to vector<256x511xf32>
    %concatenate3A_500 = tpu.concatenate %slice3A_498, %slice3A_499 in 1 : vector<256x1xf32>, vector<256x511xf32> -> vector<256x512xf32>
    %select_n3A_501 = arith.select %eq3A_494, %concatenate3A_497, %concatenate3A_500 : vector<256x512xi1>, vector<256x512xf32>
    %slice3A_502 = vector.extract_strided_slice %select_n3A_488 {offsets = [0, 1], sizes = [256, 511], strides = [1, 1]} : vector<256x512xi32> to vector<256x511xi32>
    %slice3A_503 = vector.extract_strided_slice %select_n3A_488 {offsets = [0, 0], sizes = [256, 1], strides = [1, 1]} : vector<256x512xi32> to vector<256x1xi32>
    %concatenate3A_504 = tpu.concatenate %slice3A_502, %slice3A_503 in 1 : vector<256x511xi32>, vector<256x1xi32> -> vector<256x512xi32>
    %slice3A_505 = vector.extract_strided_slice %select_n3A_488 {offsets = [0, 511], sizes = [256, 1], strides = [1, 1]} : vector<256x512xi32> to vector<256x1xi32>
    %slice3A_506 = vector.extract_strided_slice %select_n3A_488 {offsets = [0, 0], sizes = [256, 511], strides = [1, 1]} : vector<256x512xi32> to vector<256x511xi32>
    %concatenate3A_507 = tpu.concatenate %slice3A_505, %slice3A_506 in 1 : vector<256x1xi32>, vector<256x511xi32> -> vector<256x512xi32>
    %select_n3A_508 = arith.select %eq3A_494, %concatenate3A_504, %concatenate3A_507 : vector<256x512xi1>, vector<256x512xi32>
    %gt3A_509 = arith.cmpf ogt, %select_n3A_487, %select_n3A_501 : vector<256x512xf32>
    %eq3A_510 = arith.cmpf oeq, %select_n3A_487, %select_n3A_501 : vector<256x512xf32>
    %lt3A_511 = arith.cmpi slt, %select_n3A_488, %select_n3A_508 : vector<256x512xi32>
    %and3A_512 = arith.andi %eq3A_510, %lt3A_511 : vector<256x512xi1>
    %or3A_513 = arith.ori %gt3A_509, %and3A_512 : vector<256x512xi1>
    %eq3A_514 = arith.xori %eq3A_494, %eq3A_356 : vector<256x512xi1>
    %eq3A_515 = arith.constant dense<true> : vector<256x512xi1>
    %eq3A_516 = arith.xori %eq3A_514, %eq3A_515 : vector<256x512xi1>
    %eq3A_517 = arith.xori %or3A_513, %eq3A_516 : vector<256x512xi1>
    %eq3A_518 = arith.constant dense<true> : vector<256x512xi1>
    %eq3A_519 = arith.xori %eq3A_517, %eq3A_518 : vector<256x512xi1>
    %select_n3A_520 = arith.select %eq3A_519, %select_n3A_487, %select_n3A_501 : vector<256x512xi1>, vector<256x512xf32>
    %select_n3A_521 = arith.select %eq3A_519, %select_n3A_488, %select_n3A_508 : vector<256x512xi1>, vector<256x512xi32>
    %and3A_522 = arith.constant 64 : i32
    %and3A_523 = vector.broadcast %and3A_522 : i32 to vector<256x512xi32>
    %and3A_524 = arith.andi %iota3A, %and3A_523 : vector<256x512xi32>
    %eq3A_525 = arith.constant 0 : i32
    %eq3A_526 = vector.broadcast %eq3A_525 : i32 to vector<256x512xi32>
    %eq3A_527 = arith.cmpi eq, %and3A_524, %eq3A_526 : vector<256x512xi32>
    %and3A_528 = arith.constant 32 : i32
    %and3A_529 = vector.broadcast %and3A_528 : i32 to vector<256x512xi32>
    %and3A_530 = arith.andi %iota3A, %and3A_529 : vector<256x512xi32>
    %eq3A_531 = arith.constant 0 : i32
    %eq3A_532 = vector.broadcast %eq3A_531 : i32 to vector<256x512xi32>
    %eq3A_533 = arith.cmpi eq, %and3A_530, %eq3A_532 : vector<256x512xi32>
    %slice3A_534 = vector.extract_strided_slice %select_n3A_520 {offsets = [0, 32], sizes = [256, 480], strides = [1, 1]} : vector<256x512xf32> to vector<256x480xf32>
    %slice3A_535 = vector.extract_strided_slice %select_n3A_520 {offsets = [0, 0], sizes = [256, 32], strides = [1, 1]} : vector<256x512xf32> to vector<256x32xf32>
    %concatenate3A_536 = tpu.concatenate %slice3A_534, %slice3A_535 in 1 : vector<256x480xf32>, vector<256x32xf32> -> vector<256x512xf32>
    %slice3A_537 = vector.extract_strided_slice %select_n3A_520 {offsets = [0, 480], sizes = [256, 32], strides = [1, 1]} : vector<256x512xf32> to vector<256x32xf32>
    %slice3A_538 = vector.extract_strided_slice %select_n3A_520 {offsets = [0, 0], sizes = [256, 480], strides = [1, 1]} : vector<256x512xf32> to vector<256x480xf32>
    %concatenate3A_539 = tpu.concatenate %slice3A_537, %slice3A_538 in 1 : vector<256x32xf32>, vector<256x480xf32> -> vector<256x512xf32>
    %select_n3A_540 = arith.select %eq3A_533, %concatenate3A_536, %concatenate3A_539 : vector<256x512xi1>, vector<256x512xf32>
    %slice3A_541 = vector.extract_strided_slice %select_n3A_521 {offsets = [0, 32], sizes = [256, 480], strides = [1, 1]} : vector<256x512xi32> to vector<256x480xi32>
    %slice3A_542 = vector.extract_strided_slice %select_n3A_521 {offsets = [0, 0], sizes = [256, 32], strides = [1, 1]} : vector<256x512xi32> to vector<256x32xi32>
    %concatenate3A_543 = tpu.concatenate %slice3A_541, %slice3A_542 in 1 : vector<256x480xi32>, vector<256x32xi32> -> vector<256x512xi32>
    %slice3A_544 = vector.extract_strided_slice %select_n3A_521 {offsets = [0, 480], sizes = [256, 32], strides = [1, 1]} : vector<256x512xi32> to vector<256x32xi32>
    %slice3A_545 = vector.extract_strided_slice %select_n3A_521 {offsets = [0, 0], sizes = [256, 480], strides = [1, 1]} : vector<256x512xi32> to vector<256x480xi32>
    %concatenate3A_546 = tpu.concatenate %slice3A_544, %slice3A_545 in 1 : vector<256x32xi32>, vector<256x480xi32> -> vector<256x512xi32>
    %select_n3A_547 = arith.select %eq3A_533, %concatenate3A_543, %concatenate3A_546 : vector<256x512xi1>, vector<256x512xi32>
    %gt3A_548 = arith.cmpf ogt, %select_n3A_520, %select_n3A_540 : vector<256x512xf32>
    %eq3A_549 = arith.cmpf oeq, %select_n3A_520, %select_n3A_540 : vector<256x512xf32>
    %lt3A_550 = arith.cmpi slt, %select_n3A_521, %select_n3A_547 : vector<256x512xi32>
    %and3A_551 = arith.andi %eq3A_549, %lt3A_550 : vector<256x512xi1>
    %or3A_552 = arith.ori %gt3A_548, %and3A_551 : vector<256x512xi1>
    %eq3A_553 = arith.xori %eq3A_533, %eq3A_527 : vector<256x512xi1>
    %eq3A_554 = arith.constant dense<true> : vector<256x512xi1>
    %eq3A_555 = arith.xori %eq3A_553, %eq3A_554 : vector<256x512xi1>
    %eq3A_556 = arith.xori %or3A_552, %eq3A_555 : vector<256x512xi1>
    %eq3A_557 = arith.constant dense<true> : vector<256x512xi1>
    %eq3A_558 = arith.xori %eq3A_556, %eq3A_557 : vector<256x512xi1>
    %select_n3A_559 = arith.select %eq3A_558, %select_n3A_520, %select_n3A_540 : vector<256x512xi1>, vector<256x512xf32>
    %select_n3A_560 = arith.select %eq3A_558, %select_n3A_521, %select_n3A_547 : vector<256x512xi1>, vector<256x512xi32>
    %and3A_561 = arith.constant 16 : i32
    %and3A_562 = vector.broadcast %and3A_561 : i32 to vector<256x512xi32>
    %and3A_563 = arith.andi %iota3A, %and3A_562 : vector<256x512xi32>
    %eq3A_564 = arith.constant 0 : i32
    %eq3A_565 = vector.broadcast %eq3A_564 : i32 to vector<256x512xi32>
    %eq3A_566 = arith.cmpi eq, %and3A_563, %eq3A_565 : vector<256x512xi32>
    %slice3A_567 = vector.extract_strided_slice %select_n3A_559 {offsets = [0, 16], sizes = [256, 496], strides = [1, 1]} : vector<256x512xf32> to vector<256x496xf32>
    %slice3A_568 = vector.extract_strided_slice %select_n3A_559 {offsets = [0, 0], sizes = [256, 16], strides = [1, 1]} : vector<256x512xf32> to vector<256x16xf32>
    %concatenate3A_569 = tpu.concatenate %slice3A_567, %slice3A_568 in 1 : vector<256x496xf32>, vector<256x16xf32> -> vector<256x512xf32>
    %slice3A_570 = vector.extract_strided_slice %select_n3A_559 {offsets = [0, 496], sizes = [256, 16], strides = [1, 1]} : vector<256x512xf32> to vector<256x16xf32>
    %slice3A_571 = vector.extract_strided_slice %select_n3A_559 {offsets = [0, 0], sizes = [256, 496], strides = [1, 1]} : vector<256x512xf32> to vector<256x496xf32>
    %concatenate3A_572 = tpu.concatenate %slice3A_570, %slice3A_571 in 1 : vector<256x16xf32>, vector<256x496xf32> -> vector<256x512xf32>
    %select_n3A_573 = arith.select %eq3A_566, %concatenate3A_569, %concatenate3A_572 : vector<256x512xi1>, vector<256x512xf32>
    %slice3A_574 = vector.extract_strided_slice %select_n3A_560 {offsets = [0, 16], sizes = [256, 496], strides = [1, 1]} : vector<256x512xi32> to vector<256x496xi32>
    %slice3A_575 = vector.extract_strided_slice %select_n3A_560 {offsets = [0, 0], sizes = [256, 16], strides = [1, 1]} : vector<256x512xi32> to vector<256x16xi32>
    %concatenate3A_576 = tpu.concatenate %slice3A_574, %slice3A_575 in 1 : vector<256x496xi32>, vector<256x16xi32> -> vector<256x512xi32>
    %slice3A_577 = vector.extract_strided_slice %select_n3A_560 {offsets = [0, 496], sizes = [256, 16], strides = [1, 1]} : vector<256x512xi32> to vector<256x16xi32>
    %slice3A_578 = vector.extract_strided_slice %select_n3A_560 {offsets = [0, 0], sizes = [256, 496], strides = [1, 1]} : vector<256x512xi32> to vector<256x496xi32>
    %concatenate3A_579 = tpu.concatenate %slice3A_577, %slice3A_578 in 1 : vector<256x16xi32>, vector<256x496xi32> -> vector<256x512xi32>
    %select_n3A_580 = arith.select %eq3A_566, %concatenate3A_576, %concatenate3A_579 : vector<256x512xi1>, vector<256x512xi32>
    %gt3A_581 = arith.cmpf ogt, %select_n3A_559, %select_n3A_573 : vector<256x512xf32>
    %eq3A_582 = arith.cmpf oeq, %select_n3A_559, %select_n3A_573 : vector<256x512xf32>
    %lt3A_583 = arith.cmpi slt, %select_n3A_560, %select_n3A_580 : vector<256x512xi32>
    %and3A_584 = arith.andi %eq3A_582, %lt3A_583 : vector<256x512xi1>
    %or3A_585 = arith.ori %gt3A_581, %and3A_584 : vector<256x512xi1>
    %eq3A_586 = arith.xori %eq3A_566, %eq3A_527 : vector<256x512xi1>
    %eq3A_587 = arith.constant dense<true> : vector<256x512xi1>
    %eq3A_588 = arith.xori %eq3A_586, %eq3A_587 : vector<256x512xi1>
    %eq3A_589 = arith.xori %or3A_585, %eq3A_588 : vector<256x512xi1>
    %eq3A_590 = arith.constant dense<true> : vector<256x512xi1>
    %eq3A_591 = arith.xori %eq3A_589, %eq3A_590 : vector<256x512xi1>
    %select_n3A_592 = arith.select %eq3A_591, %select_n3A_559, %select_n3A_573 : vector<256x512xi1>, vector<256x512xf32>
    %select_n3A_593 = arith.select %eq3A_591, %select_n3A_560, %select_n3A_580 : vector<256x512xi1>, vector<256x512xi32>
    %and3A_594 = arith.constant 8 : i32
    %and3A_595 = vector.broadcast %and3A_594 : i32 to vector<256x512xi32>
    %and3A_596 = arith.andi %iota3A, %and3A_595 : vector<256x512xi32>
    %eq3A_597 = arith.constant 0 : i32
    %eq3A_598 = vector.broadcast %eq3A_597 : i32 to vector<256x512xi32>
    %eq3A_599 = arith.cmpi eq, %and3A_596, %eq3A_598 : vector<256x512xi32>
    %slice3A_600 = vector.extract_strided_slice %select_n3A_592 {offsets = [0, 8], sizes = [256, 504], strides = [1, 1]} : vector<256x512xf32> to vector<256x504xf32>
    %slice3A_601 = vector.extract_strided_slice %select_n3A_592 {offsets = [0, 0], sizes = [256, 8], strides = [1, 1]} : vector<256x512xf32> to vector<256x8xf32>
    %concatenate3A_602 = tpu.concatenate %slice3A_600, %slice3A_601 in 1 : vector<256x504xf32>, vector<256x8xf32> -> vector<256x512xf32>
    %slice3A_603 = vector.extract_strided_slice %select_n3A_592 {offsets = [0, 504], sizes = [256, 8], strides = [1, 1]} : vector<256x512xf32> to vector<256x8xf32>
    %slice3A_604 = vector.extract_strided_slice %select_n3A_592 {offsets = [0, 0], sizes = [256, 504], strides = [1, 1]} : vector<256x512xf32> to vector<256x504xf32>
    %concatenate3A_605 = tpu.concatenate %slice3A_603, %slice3A_604 in 1 : vector<256x8xf32>, vector<256x504xf32> -> vector<256x512xf32>
    %select_n3A_606 = arith.select %eq3A_599, %concatenate3A_602, %concatenate3A_605 : vector<256x512xi1>, vector<256x512xf32>
    %slice3A_607 = vector.extract_strided_slice %select_n3A_593 {offsets = [0, 8], sizes = [256, 504], strides = [1, 1]} : vector<256x512xi32> to vector<256x504xi32>
    %slice3A_608 = vector.extract_strided_slice %select_n3A_593 {offsets = [0, 0], sizes = [256, 8], strides = [1, 1]} : vector<256x512xi32> to vector<256x8xi32>
    %concatenate3A_609 = tpu.concatenate %slice3A_607, %slice3A_608 in 1 : vector<256x504xi32>, vector<256x8xi32> -> vector<256x512xi32>
    %slice3A_610 = vector.extract_strided_slice %select_n3A_593 {offsets = [0, 504], sizes = [256, 8], strides = [1, 1]} : vector<256x512xi32> to vector<256x8xi32>
    %slice3A_611 = vector.extract_strided_slice %select_n3A_593 {offsets = [0, 0], sizes = [256, 504], strides = [1, 1]} : vector<256x512xi32> to vector<256x504xi32>
    %concatenate3A_612 = tpu.concatenate %slice3A_610, %slice3A_611 in 1 : vector<256x8xi32>, vector<256x504xi32> -> vector<256x512xi32>
    %select_n3A_613 = arith.select %eq3A_599, %concatenate3A_609, %concatenate3A_612 : vector<256x512xi1>, vector<256x512xi32>
    %gt3A_614 = arith.cmpf ogt, %select_n3A_592, %select_n3A_606 : vector<256x512xf32>
    %eq3A_615 = arith.cmpf oeq, %select_n3A_592, %select_n3A_606 : vector<256x512xf32>
    %lt3A_616 = arith.cmpi slt, %select_n3A_593, %select_n3A_613 : vector<256x512xi32>
    %and3A_617 = arith.andi %eq3A_615, %lt3A_616 : vector<256x512xi1>
    %or3A_618 = arith.ori %gt3A_614, %and3A_617 : vector<256x512xi1>
    %eq3A_619 = arith.xori %eq3A_599, %eq3A_527 : vector<256x512xi1>
    %eq3A_620 = arith.constant dense<true> : vector<256x512xi1>
    %eq3A_621 = arith.xori %eq3A_619, %eq3A_620 : vector<256x512xi1>
    %eq3A_622 = arith.xori %or3A_618, %eq3A_621 : vector<256x512xi1>
    %eq3A_623 = arith.constant dense<true> : vector<256x512xi1>
    %eq3A_624 = arith.xori %eq3A_622, %eq3A_623 : vector<256x512xi1>
    %select_n3A_625 = arith.select %eq3A_624, %select_n3A_592, %select_n3A_606 : vector<256x512xi1>, vector<256x512xf32>
    %select_n3A_626 = arith.select %eq3A_624, %select_n3A_593, %select_n3A_613 : vector<256x512xi1>, vector<256x512xi32>
    %and3A_627 = arith.constant 4 : i32
    %and3A_628 = vector.broadcast %and3A_627 : i32 to vector<256x512xi32>
    %and3A_629 = arith.andi %iota3A, %and3A_628 : vector<256x512xi32>
    %eq3A_630 = arith.constant 0 : i32
    %eq3A_631 = vector.broadcast %eq3A_630 : i32 to vector<256x512xi32>
    %eq3A_632 = arith.cmpi eq, %and3A_629, %eq3A_631 : vector<256x512xi32>
    %slice3A_633 = vector.extract_strided_slice %select_n3A_625 {offsets = [0, 4], sizes = [256, 508], strides = [1, 1]} : vector<256x512xf32> to vector<256x508xf32>
    %slice3A_634 = vector.extract_strided_slice %select_n3A_625 {offsets = [0, 0], sizes = [256, 4], strides = [1, 1]} : vector<256x512xf32> to vector<256x4xf32>
    %concatenate3A_635 = tpu.concatenate %slice3A_633, %slice3A_634 in 1 : vector<256x508xf32>, vector<256x4xf32> -> vector<256x512xf32>
    %slice3A_636 = vector.extract_strided_slice %select_n3A_625 {offsets = [0, 508], sizes = [256, 4], strides = [1, 1]} : vector<256x512xf32> to vector<256x4xf32>
    %slice3A_637 = vector.extract_strided_slice %select_n3A_625 {offsets = [0, 0], sizes = [256, 508], strides = [1, 1]} : vector<256x512xf32> to vector<256x508xf32>
    %concatenate3A_638 = tpu.concatenate %slice3A_636, %slice3A_637 in 1 : vector<256x4xf32>, vector<256x508xf32> -> vector<256x512xf32>
    %select_n3A_639 = arith.select %eq3A_632, %concatenate3A_635, %concatenate3A_638 : vector<256x512xi1>, vector<256x512xf32>
    %slice3A_640 = vector.extract_strided_slice %select_n3A_626 {offsets = [0, 4], sizes = [256, 508], strides = [1, 1]} : vector<256x512xi32> to vector<256x508xi32>
    %slice3A_641 = vector.extract_strided_slice %select_n3A_626 {offsets = [0, 0], sizes = [256, 4], strides = [1, 1]} : vector<256x512xi32> to vector<256x4xi32>
    %concatenate3A_642 = tpu.concatenate %slice3A_640, %slice3A_641 in 1 : vector<256x508xi32>, vector<256x4xi32> -> vector<256x512xi32>
    %slice3A_643 = vector.extract_strided_slice %select_n3A_626 {offsets = [0, 508], sizes = [256, 4], strides = [1, 1]} : vector<256x512xi32> to vector<256x4xi32>
    %slice3A_644 = vector.extract_strided_slice %select_n3A_626 {offsets = [0, 0], sizes = [256, 508], strides = [1, 1]} : vector<256x512xi32> to vector<256x508xi32>
    %concatenate3A_645 = tpu.concatenate %slice3A_643, %slice3A_644 in 1 : vector<256x4xi32>, vector<256x508xi32> -> vector<256x512xi32>
    %select_n3A_646 = arith.select %eq3A_632, %concatenate3A_642, %concatenate3A_645 : vector<256x512xi1>, vector<256x512xi32>
    %gt3A_647 = arith.cmpf ogt, %select_n3A_625, %select_n3A_639 : vector<256x512xf32>
    %eq3A_648 = arith.cmpf oeq, %select_n3A_625, %select_n3A_639 : vector<256x512xf32>
    %lt3A_649 = arith.cmpi slt, %select_n3A_626, %select_n3A_646 : vector<256x512xi32>
    %and3A_650 = arith.andi %eq3A_648, %lt3A_649 : vector<256x512xi1>
    %or3A_651 = arith.ori %gt3A_647, %and3A_650 : vector<256x512xi1>
    %eq3A_652 = arith.xori %eq3A_632, %eq3A_527 : vector<256x512xi1>
    %eq3A_653 = arith.constant dense<true> : vector<256x512xi1>
    %eq3A_654 = arith.xori %eq3A_652, %eq3A_653 : vector<256x512xi1>
    %eq3A_655 = arith.xori %or3A_651, %eq3A_654 : vector<256x512xi1>
    %eq3A_656 = arith.constant dense<true> : vector<256x512xi1>
    %eq3A_657 = arith.xori %eq3A_655, %eq3A_656 : vector<256x512xi1>
    %select_n3A_658 = arith.select %eq3A_657, %select_n3A_625, %select_n3A_639 : vector<256x512xi1>, vector<256x512xf32>
    %select_n3A_659 = arith.select %eq3A_657, %select_n3A_626, %select_n3A_646 : vector<256x512xi1>, vector<256x512xi32>
    %and3A_660 = arith.constant 2 : i32
    %and3A_661 = vector.broadcast %and3A_660 : i32 to vector<256x512xi32>
    %and3A_662 = arith.andi %iota3A, %and3A_661 : vector<256x512xi32>
    %eq3A_663 = arith.constant 0 : i32
    %eq3A_664 = vector.broadcast %eq3A_663 : i32 to vector<256x512xi32>
    %eq3A_665 = arith.cmpi eq, %and3A_662, %eq3A_664 : vector<256x512xi32>
    %slice3A_666 = vector.extract_strided_slice %select_n3A_658 {offsets = [0, 2], sizes = [256, 510], strides = [1, 1]} : vector<256x512xf32> to vector<256x510xf32>
    %slice3A_667 = vector.extract_strided_slice %select_n3A_658 {offsets = [0, 0], sizes = [256, 2], strides = [1, 1]} : vector<256x512xf32> to vector<256x2xf32>
    %concatenate3A_668 = tpu.concatenate %slice3A_666, %slice3A_667 in 1 : vector<256x510xf32>, vector<256x2xf32> -> vector<256x512xf32>
    %slice3A_669 = vector.extract_strided_slice %select_n3A_658 {offsets = [0, 510], sizes = [256, 2], strides = [1, 1]} : vector<256x512xf32> to vector<256x2xf32>
    %slice3A_670 = vector.extract_strided_slice %select_n3A_658 {offsets = [0, 0], sizes = [256, 510], strides = [1, 1]} : vector<256x512xf32> to vector<256x510xf32>
    %concatenate3A_671 = tpu.concatenate %slice3A_669, %slice3A_670 in 1 : vector<256x2xf32>, vector<256x510xf32> -> vector<256x512xf32>
    %select_n3A_672 = arith.select %eq3A_665, %concatenate3A_668, %concatenate3A_671 : vector<256x512xi1>, vector<256x512xf32>
    %slice3A_673 = vector.extract_strided_slice %select_n3A_659 {offsets = [0, 2], sizes = [256, 510], strides = [1, 1]} : vector<256x512xi32> to vector<256x510xi32>
    %slice3A_674 = vector.extract_strided_slice %select_n3A_659 {offsets = [0, 0], sizes = [256, 2], strides = [1, 1]} : vector<256x512xi32> to vector<256x2xi32>
    %concatenate3A_675 = tpu.concatenate %slice3A_673, %slice3A_674 in 1 : vector<256x510xi32>, vector<256x2xi32> -> vector<256x512xi32>
    %slice3A_676 = vector.extract_strided_slice %select_n3A_659 {offsets = [0, 510], sizes = [256, 2], strides = [1, 1]} : vector<256x512xi32> to vector<256x2xi32>
    %slice3A_677 = vector.extract_strided_slice %select_n3A_659 {offsets = [0, 0], sizes = [256, 510], strides = [1, 1]} : vector<256x512xi32> to vector<256x510xi32>
    %concatenate3A_678 = tpu.concatenate %slice3A_676, %slice3A_677 in 1 : vector<256x2xi32>, vector<256x510xi32> -> vector<256x512xi32>
    %select_n3A_679 = arith.select %eq3A_665, %concatenate3A_675, %concatenate3A_678 : vector<256x512xi1>, vector<256x512xi32>
    %gt3A_680 = arith.cmpf ogt, %select_n3A_658, %select_n3A_672 : vector<256x512xf32>
    %eq3A_681 = arith.cmpf oeq, %select_n3A_658, %select_n3A_672 : vector<256x512xf32>
    %lt3A_682 = arith.cmpi slt, %select_n3A_659, %select_n3A_679 : vector<256x512xi32>
    %and3A_683 = arith.andi %eq3A_681, %lt3A_682 : vector<256x512xi1>
    %or3A_684 = arith.ori %gt3A_680, %and3A_683 : vector<256x512xi1>
    %eq3A_685 = arith.xori %eq3A_665, %eq3A_527 : vector<256x512xi1>
    %eq3A_686 = arith.constant dense<true> : vector<256x512xi1>
    %eq3A_687 = arith.xori %eq3A_685, %eq3A_686 : vector<256x512xi1>
    %eq3A_688 = arith.xori %or3A_684, %eq3A_687 : vector<256x512xi1>
    %eq3A_689 = arith.constant dense<true> : vector<256x512xi1>
    %eq3A_690 = arith.xori %eq3A_688, %eq3A_689 : vector<256x512xi1>
    %select_n3A_691 = arith.select %eq3A_690, %select_n3A_658, %select_n3A_672 : vector<256x512xi1>, vector<256x512xf32>
    %select_n3A_692 = arith.select %eq3A_690, %select_n3A_659, %select_n3A_679 : vector<256x512xi1>, vector<256x512xi32>
    %and3A_693 = arith.constant 1 : i32
    %and3A_694 = vector.broadcast %and3A_693 : i32 to vector<256x512xi32>
    %and3A_695 = arith.andi %iota3A, %and3A_694 : vector<256x512xi32>
    %eq3A_696 = arith.constant 0 : i32
    %eq3A_697 = vector.broadcast %eq3A_696 : i32 to vector<256x512xi32>
    %eq3A_698 = arith.cmpi eq, %and3A_695, %eq3A_697 : vector<256x512xi32>
    %slice3A_699 = vector.extract_strided_slice %select_n3A_691 {offsets = [0, 1], sizes = [256, 511], strides = [1, 1]} : vector<256x512xf32> to vector<256x511xf32>
    %slice3A_700 = vector.extract_strided_slice %select_n3A_691 {offsets = [0, 0], sizes = [256, 1], strides = [1, 1]} : vector<256x512xf32> to vector<256x1xf32>
    %concatenate3A_701 = tpu.concatenate %slice3A_699, %slice3A_700 in 1 : vector<256x511xf32>, vector<256x1xf32> -> vector<256x512xf32>
    %slice3A_702 = vector.extract_strided_slice %select_n3A_691 {offsets = [0, 511], sizes = [256, 1], strides = [1, 1]} : vector<256x512xf32> to vector<256x1xf32>
    %slice3A_703 = vector.extract_strided_slice %select_n3A_691 {offsets = [0, 0], sizes = [256, 511], strides = [1, 1]} : vector<256x512xf32> to vector<256x511xf32>
    %concatenate3A_704 = tpu.concatenate %slice3A_702, %slice3A_703 in 1 : vector<256x1xf32>, vector<256x511xf32> -> vector<256x512xf32>
    %select_n3A_705 = arith.select %eq3A_698, %concatenate3A_701, %concatenate3A_704 : vector<256x512xi1>, vector<256x512xf32>
    %slice3A_706 = vector.extract_strided_slice %select_n3A_692 {offsets = [0, 1], sizes = [256, 511], strides = [1, 1]} : vector<256x512xi32> to vector<256x511xi32>
    %slice3A_707 = vector.extract_strided_slice %select_n3A_692 {offsets = [0, 0], sizes = [256, 1], strides = [1, 1]} : vector<256x512xi32> to vector<256x1xi32>
    %concatenate3A_708 = tpu.concatenate %slice3A_706, %slice3A_707 in 1 : vector<256x511xi32>, vector<256x1xi32> -> vector<256x512xi32>
    %slice3A_709 = vector.extract_strided_slice %select_n3A_692 {offsets = [0, 511], sizes = [256, 1], strides = [1, 1]} : vector<256x512xi32> to vector<256x1xi32>
    %slice3A_710 = vector.extract_strided_slice %select_n3A_692 {offsets = [0, 0], sizes = [256, 511], strides = [1, 1]} : vector<256x512xi32> to vector<256x511xi32>
    %concatenate3A_711 = tpu.concatenate %slice3A_709, %slice3A_710 in 1 : vector<256x1xi32>, vector<256x511xi32> -> vector<256x512xi32>
    %select_n3A_712 = arith.select %eq3A_698, %concatenate3A_708, %concatenate3A_711 : vector<256x512xi1>, vector<256x512xi32>
    %gt3A_713 = arith.cmpf ogt, %select_n3A_691, %select_n3A_705 : vector<256x512xf32>
    %eq3A_714 = arith.cmpf oeq, %select_n3A_691, %select_n3A_705 : vector<256x512xf32>
    %lt3A_715 = arith.cmpi slt, %select_n3A_692, %select_n3A_712 : vector<256x512xi32>
    %and3A_716 = arith.andi %eq3A_714, %lt3A_715 : vector<256x512xi1>
    %or3A_717 = arith.ori %gt3A_713, %and3A_716 : vector<256x512xi1>
    %eq3A_718 = arith.xori %eq3A_698, %eq3A_527 : vector<256x512xi1>
    %eq3A_719 = arith.constant dense<true> : vector<256x512xi1>
    %eq3A_720 = arith.xori %eq3A_718, %eq3A_719 : vector<256x512xi1>
    %eq3A_721 = arith.xori %or3A_717, %eq3A_720 : vector<256x512xi1>
    %eq3A_722 = arith.constant dense<true> : vector<256x512xi1>
    %eq3A_723 = arith.xori %eq3A_721, %eq3A_722 : vector<256x512xi1>
    %select_n3A_724 = arith.select %eq3A_723, %select_n3A_691, %select_n3A_705 : vector<256x512xi1>, vector<256x512xf32>
    %select_n3A_725 = arith.select %eq3A_723, %select_n3A_692, %select_n3A_712 : vector<256x512xi1>, vector<256x512xi32>
    %and3A_726 = arith.constant 128 : i32
    %and3A_727 = vector.broadcast %and3A_726 : i32 to vector<256x512xi32>
    %and3A_728 = arith.andi %iota3A, %and3A_727 : vector<256x512xi32>
    %eq3A_729 = arith.constant 0 : i32
    %eq3A_730 = vector.broadcast %eq3A_729 : i32 to vector<256x512xi32>
    %eq3A_731 = arith.cmpi eq, %and3A_728, %eq3A_730 : vector<256x512xi32>
    %and3A_732 = arith.constant 64 : i32
    %and3A_733 = vector.broadcast %and3A_732 : i32 to vector<256x512xi32>
    %and3A_734 = arith.andi %iota3A, %and3A_733 : vector<256x512xi32>
    %eq3A_735 = arith.constant 0 : i32
    %eq3A_736 = vector.broadcast %eq3A_735 : i32 to vector<256x512xi32>
    %eq3A_737 = arith.cmpi eq, %and3A_734, %eq3A_736 : vector<256x512xi32>
    %slice3A_738 = vector.extract_strided_slice %select_n3A_724 {offsets = [0, 64], sizes = [256, 448], strides = [1, 1]} : vector<256x512xf32> to vector<256x448xf32>
    %slice3A_739 = vector.extract_strided_slice %select_n3A_724 {offsets = [0, 0], sizes = [256, 64], strides = [1, 1]} : vector<256x512xf32> to vector<256x64xf32>
    %concatenate3A_740 = tpu.concatenate %slice3A_738, %slice3A_739 in 1 : vector<256x448xf32>, vector<256x64xf32> -> vector<256x512xf32>
    %slice3A_741 = vector.extract_strided_slice %select_n3A_724 {offsets = [0, 448], sizes = [256, 64], strides = [1, 1]} : vector<256x512xf32> to vector<256x64xf32>
    %slice3A_742 = vector.extract_strided_slice %select_n3A_724 {offsets = [0, 0], sizes = [256, 448], strides = [1, 1]} : vector<256x512xf32> to vector<256x448xf32>
    %concatenate3A_743 = tpu.concatenate %slice3A_741, %slice3A_742 in 1 : vector<256x64xf32>, vector<256x448xf32> -> vector<256x512xf32>
    %select_n3A_744 = arith.select %eq3A_737, %concatenate3A_740, %concatenate3A_743 : vector<256x512xi1>, vector<256x512xf32>
    %slice3A_745 = vector.extract_strided_slice %select_n3A_725 {offsets = [0, 64], sizes = [256, 448], strides = [1, 1]} : vector<256x512xi32> to vector<256x448xi32>
    %slice3A_746 = vector.extract_strided_slice %select_n3A_725 {offsets = [0, 0], sizes = [256, 64], strides = [1, 1]} : vector<256x512xi32> to vector<256x64xi32>
    %concatenate3A_747 = tpu.concatenate %slice3A_745, %slice3A_746 in 1 : vector<256x448xi32>, vector<256x64xi32> -> vector<256x512xi32>
    %slice3A_748 = vector.extract_strided_slice %select_n3A_725 {offsets = [0, 448], sizes = [256, 64], strides = [1, 1]} : vector<256x512xi32> to vector<256x64xi32>
    %slice3A_749 = vector.extract_strided_slice %select_n3A_725 {offsets = [0, 0], sizes = [256, 448], strides = [1, 1]} : vector<256x512xi32> to vector<256x448xi32>
    %concatenate3A_750 = tpu.concatenate %slice3A_748, %slice3A_749 in 1 : vector<256x64xi32>, vector<256x448xi32> -> vector<256x512xi32>
    %select_n3A_751 = arith.select %eq3A_737, %concatenate3A_747, %concatenate3A_750 : vector<256x512xi1>, vector<256x512xi32>
    %gt3A_752 = arith.cmpf ogt, %select_n3A_724, %select_n3A_744 : vector<256x512xf32>
    %eq3A_753 = arith.cmpf oeq, %select_n3A_724, %select_n3A_744 : vector<256x512xf32>
    %lt3A_754 = arith.cmpi slt, %select_n3A_725, %select_n3A_751 : vector<256x512xi32>
    %and3A_755 = arith.andi %eq3A_753, %lt3A_754 : vector<256x512xi1>
    %or3A_756 = arith.ori %gt3A_752, %and3A_755 : vector<256x512xi1>
    %eq3A_757 = arith.xori %eq3A_737, %eq3A_731 : vector<256x512xi1>
    %eq3A_758 = arith.constant dense<true> : vector<256x512xi1>
    %eq3A_759 = arith.xori %eq3A_757, %eq3A_758 : vector<256x512xi1>
    %eq3A_760 = arith.xori %or3A_756, %eq3A_759 : vector<256x512xi1>
    %eq3A_761 = arith.constant dense<true> : vector<256x512xi1>
    %eq3A_762 = arith.xori %eq3A_760, %eq3A_761 : vector<256x512xi1>
    %select_n3A_763 = arith.select %eq3A_762, %select_n3A_724, %select_n3A_744 : vector<256x512xi1>, vector<256x512xf32>
    %select_n3A_764 = arith.select %eq3A_762, %select_n3A_725, %select_n3A_751 : vector<256x512xi1>, vector<256x512xi32>
    %and3A_765 = arith.constant 32 : i32
    %and3A_766 = vector.broadcast %and3A_765 : i32 to vector<256x512xi32>
    %and3A_767 = arith.andi %iota3A, %and3A_766 : vector<256x512xi32>
    %eq3A_768 = arith.constant 0 : i32
    %eq3A_769 = vector.broadcast %eq3A_768 : i32 to vector<256x512xi32>
    %eq3A_770 = arith.cmpi eq, %and3A_767, %eq3A_769 : vector<256x512xi32>
    %slice3A_771 = vector.extract_strided_slice %select_n3A_763 {offsets = [0, 32], sizes = [256, 480], strides = [1, 1]} : vector<256x512xf32> to vector<256x480xf32>
    %slice3A_772 = vector.extract_strided_slice %select_n3A_763 {offsets = [0, 0], sizes = [256, 32], strides = [1, 1]} : vector<256x512xf32> to vector<256x32xf32>
    %concatenate3A_773 = tpu.concatenate %slice3A_771, %slice3A_772 in 1 : vector<256x480xf32>, vector<256x32xf32> -> vector<256x512xf32>
    %slice3A_774 = vector.extract_strided_slice %select_n3A_763 {offsets = [0, 480], sizes = [256, 32], strides = [1, 1]} : vector<256x512xf32> to vector<256x32xf32>
    %slice3A_775 = vector.extract_strided_slice %select_n3A_763 {offsets = [0, 0], sizes = [256, 480], strides = [1, 1]} : vector<256x512xf32> to vector<256x480xf32>
    %concatenate3A_776 = tpu.concatenate %slice3A_774, %slice3A_775 in 1 : vector<256x32xf32>, vector<256x480xf32> -> vector<256x512xf32>
    %select_n3A_777 = arith.select %eq3A_770, %concatenate3A_773, %concatenate3A_776 : vector<256x512xi1>, vector<256x512xf32>
    %slice3A_778 = vector.extract_strided_slice %select_n3A_764 {offsets = [0, 32], sizes = [256, 480], strides = [1, 1]} : vector<256x512xi32> to vector<256x480xi32>
    %slice3A_779 = vector.extract_strided_slice %select_n3A_764 {offsets = [0, 0], sizes = [256, 32], strides = [1, 1]} : vector<256x512xi32> to vector<256x32xi32>
    %concatenate3A_780 = tpu.concatenate %slice3A_778, %slice3A_779 in 1 : vector<256x480xi32>, vector<256x32xi32> -> vector<256x512xi32>
    %slice3A_781 = vector.extract_strided_slice %select_n3A_764 {offsets = [0, 480], sizes = [256, 32], strides = [1, 1]} : vector<256x512xi32> to vector<256x32xi32>
    %slice3A_782 = vector.extract_strided_slice %select_n3A_764 {offsets = [0, 0], sizes = [256, 480], strides = [1, 1]} : vector<256x512xi32> to vector<256x480xi32>
    %concatenate3A_783 = tpu.concatenate %slice3A_781, %slice3A_782 in 1 : vector<256x32xi32>, vector<256x480xi32> -> vector<256x512xi32>
    %select_n3A_784 = arith.select %eq3A_770, %concatenate3A_780, %concatenate3A_783 : vector<256x512xi1>, vector<256x512xi32>
    %gt3A_785 = arith.cmpf ogt, %select_n3A_763, %select_n3A_777 : vector<256x512xf32>
    %eq3A_786 = arith.cmpf oeq, %select_n3A_763, %select_n3A_777 : vector<256x512xf32>
    %lt3A_787 = arith.cmpi slt, %select_n3A_764, %select_n3A_784 : vector<256x512xi32>
    %and3A_788 = arith.andi %eq3A_786, %lt3A_787 : vector<256x512xi1>
    %or3A_789 = arith.ori %gt3A_785, %and3A_788 : vector<256x512xi1>
    %eq3A_790 = arith.xori %eq3A_770, %eq3A_731 : vector<256x512xi1>
    %eq3A_791 = arith.constant dense<true> : vector<256x512xi1>
    %eq3A_792 = arith.xori %eq3A_790, %eq3A_791 : vector<256x512xi1>
    %eq3A_793 = arith.xori %or3A_789, %eq3A_792 : vector<256x512xi1>
    %eq3A_794 = arith.constant dense<true> : vector<256x512xi1>
    %eq3A_795 = arith.xori %eq3A_793, %eq3A_794 : vector<256x512xi1>
    %select_n3A_796 = arith.select %eq3A_795, %select_n3A_763, %select_n3A_777 : vector<256x512xi1>, vector<256x512xf32>
    %select_n3A_797 = arith.select %eq3A_795, %select_n3A_764, %select_n3A_784 : vector<256x512xi1>, vector<256x512xi32>
    %and3A_798 = arith.constant 16 : i32
    %and3A_799 = vector.broadcast %and3A_798 : i32 to vector<256x512xi32>
    %and3A_800 = arith.andi %iota3A, %and3A_799 : vector<256x512xi32>
    %eq3A_801 = arith.constant 0 : i32
    %eq3A_802 = vector.broadcast %eq3A_801 : i32 to vector<256x512xi32>
    %eq3A_803 = arith.cmpi eq, %and3A_800, %eq3A_802 : vector<256x512xi32>
    %slice3A_804 = vector.extract_strided_slice %select_n3A_796 {offsets = [0, 16], sizes = [256, 496], strides = [1, 1]} : vector<256x512xf32> to vector<256x496xf32>
    %slice3A_805 = vector.extract_strided_slice %select_n3A_796 {offsets = [0, 0], sizes = [256, 16], strides = [1, 1]} : vector<256x512xf32> to vector<256x16xf32>
    %concatenate3A_806 = tpu.concatenate %slice3A_804, %slice3A_805 in 1 : vector<256x496xf32>, vector<256x16xf32> -> vector<256x512xf32>
    %slice3A_807 = vector.extract_strided_slice %select_n3A_796 {offsets = [0, 496], sizes = [256, 16], strides = [1, 1]} : vector<256x512xf32> to vector<256x16xf32>
    %slice3A_808 = vector.extract_strided_slice %select_n3A_796 {offsets = [0, 0], sizes = [256, 496], strides = [1, 1]} : vector<256x512xf32> to vector<256x496xf32>
    %concatenate3A_809 = tpu.concatenate %slice3A_807, %slice3A_808 in 1 : vector<256x16xf32>, vector<256x496xf32> -> vector<256x512xf32>
    %select_n3A_810 = arith.select %eq3A_803, %concatenate3A_806, %concatenate3A_809 : vector<256x512xi1>, vector<256x512xf32>
    %slice3A_811 = vector.extract_strided_slice %select_n3A_797 {offsets = [0, 16], sizes = [256, 496], strides = [1, 1]} : vector<256x512xi32> to vector<256x496xi32>
    %slice3A_812 = vector.extract_strided_slice %select_n3A_797 {offsets = [0, 0], sizes = [256, 16], strides = [1, 1]} : vector<256x512xi32> to vector<256x16xi32>
    %concatenate3A_813 = tpu.concatenate %slice3A_811, %slice3A_812 in 1 : vector<256x496xi32>, vector<256x16xi32> -> vector<256x512xi32>
    %slice3A_814 = vector.extract_strided_slice %select_n3A_797 {offsets = [0, 496], sizes = [256, 16], strides = [1, 1]} : vector<256x512xi32> to vector<256x16xi32>
    %slice3A_815 = vector.extract_strided_slice %select_n3A_797 {offsets = [0, 0], sizes = [256, 496], strides = [1, 1]} : vector<256x512xi32> to vector<256x496xi32>
    %concatenate3A_816 = tpu.concatenate %slice3A_814, %slice3A_815 in 1 : vector<256x16xi32>, vector<256x496xi32> -> vector<256x512xi32>
    %select_n3A_817 = arith.select %eq3A_803, %concatenate3A_813, %concatenate3A_816 : vector<256x512xi1>, vector<256x512xi32>
    %gt3A_818 = arith.cmpf ogt, %select_n3A_796, %select_n3A_810 : vector<256x512xf32>
    %eq3A_819 = arith.cmpf oeq, %select_n3A_796, %select_n3A_810 : vector<256x512xf32>
    %lt3A_820 = arith.cmpi slt, %select_n3A_797, %select_n3A_817 : vector<256x512xi32>
    %and3A_821 = arith.andi %eq3A_819, %lt3A_820 : vector<256x512xi1>
    %or3A_822 = arith.ori %gt3A_818, %and3A_821 : vector<256x512xi1>
    %eq3A_823 = arith.xori %eq3A_803, %eq3A_731 : vector<256x512xi1>
    %eq3A_824 = arith.constant dense<true> : vector<256x512xi1>
    %eq3A_825 = arith.xori %eq3A_823, %eq3A_824 : vector<256x512xi1>
    %eq3A_826 = arith.xori %or3A_822, %eq3A_825 : vector<256x512xi1>
    %eq3A_827 = arith.constant dense<true> : vector<256x512xi1>
    %eq3A_828 = arith.xori %eq3A_826, %eq3A_827 : vector<256x512xi1>
    %select_n3A_829 = arith.select %eq3A_828, %select_n3A_796, %select_n3A_810 : vector<256x512xi1>, vector<256x512xf32>
    %select_n3A_830 = arith.select %eq3A_828, %select_n3A_797, %select_n3A_817 : vector<256x512xi1>, vector<256x512xi32>
    %and3A_831 = arith.constant 8 : i32
    %and3A_832 = vector.broadcast %and3A_831 : i32 to vector<256x512xi32>
    %and3A_833 = arith.andi %iota3A, %and3A_832 : vector<256x512xi32>
    %eq3A_834 = arith.constant 0 : i32
    %eq3A_835 = vector.broadcast %eq3A_834 : i32 to vector<256x512xi32>
    %eq3A_836 = arith.cmpi eq, %and3A_833, %eq3A_835 : vector<256x512xi32>
    %slice3A_837 = vector.extract_strided_slice %select_n3A_829 {offsets = [0, 8], sizes = [256, 504], strides = [1, 1]} : vector<256x512xf32> to vector<256x504xf32>
    %slice3A_838 = vector.extract_strided_slice %select_n3A_829 {offsets = [0, 0], sizes = [256, 8], strides = [1, 1]} : vector<256x512xf32> to vector<256x8xf32>
    %concatenate3A_839 = tpu.concatenate %slice3A_837, %slice3A_838 in 1 : vector<256x504xf32>, vector<256x8xf32> -> vector<256x512xf32>
    %slice3A_840 = vector.extract_strided_slice %select_n3A_829 {offsets = [0, 504], sizes = [256, 8], strides = [1, 1]} : vector<256x512xf32> to vector<256x8xf32>
    %slice3A_841 = vector.extract_strided_slice %select_n3A_829 {offsets = [0, 0], sizes = [256, 504], strides = [1, 1]} : vector<256x512xf32> to vector<256x504xf32>
    %concatenate3A_842 = tpu.concatenate %slice3A_840, %slice3A_841 in 1 : vector<256x8xf32>, vector<256x504xf32> -> vector<256x512xf32>
    %select_n3A_843 = arith.select %eq3A_836, %concatenate3A_839, %concatenate3A_842 : vector<256x512xi1>, vector<256x512xf32>
    %slice3A_844 = vector.extract_strided_slice %select_n3A_830 {offsets = [0, 8], sizes = [256, 504], strides = [1, 1]} : vector<256x512xi32> to vector<256x504xi32>
    %slice3A_845 = vector.extract_strided_slice %select_n3A_830 {offsets = [0, 0], sizes = [256, 8], strides = [1, 1]} : vector<256x512xi32> to vector<256x8xi32>
    %concatenate3A_846 = tpu.concatenate %slice3A_844, %slice3A_845 in 1 : vector<256x504xi32>, vector<256x8xi32> -> vector<256x512xi32>
    %slice3A_847 = vector.extract_strided_slice %select_n3A_830 {offsets = [0, 504], sizes = [256, 8], strides = [1, 1]} : vector<256x512xi32> to vector<256x8xi32>
    %slice3A_848 = vector.extract_strided_slice %select_n3A_830 {offsets = [0, 0], sizes = [256, 504], strides = [1, 1]} : vector<256x512xi32> to vector<256x504xi32>
    %concatenate3A_849 = tpu.concatenate %slice3A_847, %slice3A_848 in 1 : vector<256x8xi32>, vector<256x504xi32> -> vector<256x512xi32>
    %select_n3A_850 = arith.select %eq3A_836, %concatenate3A_846, %concatenate3A_849 : vector<256x512xi1>, vector<256x512xi32>
    %gt3A_851 = arith.cmpf ogt, %select_n3A_829, %select_n3A_843 : vector<256x512xf32>
    %eq3A_852 = arith.cmpf oeq, %select_n3A_829, %select_n3A_843 : vector<256x512xf32>
    %lt3A_853 = arith.cmpi slt, %select_n3A_830, %select_n3A_850 : vector<256x512xi32>
    %and3A_854 = arith.andi %eq3A_852, %lt3A_853 : vector<256x512xi1>
    %or3A_855 = arith.ori %gt3A_851, %and3A_854 : vector<256x512xi1>
    %eq3A_856 = arith.xori %eq3A_836, %eq3A_731 : vector<256x512xi1>
    %eq3A_857 = arith.constant dense<true> : vector<256x512xi1>
    %eq3A_858 = arith.xori %eq3A_856, %eq3A_857 : vector<256x512xi1>
    %eq3A_859 = arith.xori %or3A_855, %eq3A_858 : vector<256x512xi1>
    %eq3A_860 = arith.constant dense<true> : vector<256x512xi1>
    %eq3A_861 = arith.xori %eq3A_859, %eq3A_860 : vector<256x512xi1>
    %select_n3A_862 = arith.select %eq3A_861, %select_n3A_829, %select_n3A_843 : vector<256x512xi1>, vector<256x512xf32>
    %select_n3A_863 = arith.select %eq3A_861, %select_n3A_830, %select_n3A_850 : vector<256x512xi1>, vector<256x512xi32>
    %and3A_864 = arith.constant 4 : i32
    %and3A_865 = vector.broadcast %and3A_864 : i32 to vector<256x512xi32>
    %and3A_866 = arith.andi %iota3A, %and3A_865 : vector<256x512xi32>
    %eq3A_867 = arith.constant 0 : i32
    %eq3A_868 = vector.broadcast %eq3A_867 : i32 to vector<256x512xi32>
    %eq3A_869 = arith.cmpi eq, %and3A_866, %eq3A_868 : vector<256x512xi32>
    %slice3A_870 = vector.extract_strided_slice %select_n3A_862 {offsets = [0, 4], sizes = [256, 508], strides = [1, 1]} : vector<256x512xf32> to vector<256x508xf32>
    %slice3A_871 = vector.extract_strided_slice %select_n3A_862 {offsets = [0, 0], sizes = [256, 4], strides = [1, 1]} : vector<256x512xf32> to vector<256x4xf32>
    %concatenate3A_872 = tpu.concatenate %slice3A_870, %slice3A_871 in 1 : vector<256x508xf32>, vector<256x4xf32> -> vector<256x512xf32>
    %slice3A_873 = vector.extract_strided_slice %select_n3A_862 {offsets = [0, 508], sizes = [256, 4], strides = [1, 1]} : vector<256x512xf32> to vector<256x4xf32>
    %slice3A_874 = vector.extract_strided_slice %select_n3A_862 {offsets = [0, 0], sizes = [256, 508], strides = [1, 1]} : vector<256x512xf32> to vector<256x508xf32>
    %concatenate3A_875 = tpu.concatenate %slice3A_873, %slice3A_874 in 1 : vector<256x4xf32>, vector<256x508xf32> -> vector<256x512xf32>
    %select_n3A_876 = arith.select %eq3A_869, %concatenate3A_872, %concatenate3A_875 : vector<256x512xi1>, vector<256x512xf32>
    %slice3A_877 = vector.extract_strided_slice %select_n3A_863 {offsets = [0, 4], sizes = [256, 508], strides = [1, 1]} : vector<256x512xi32> to vector<256x508xi32>
    %slice3A_878 = vector.extract_strided_slice %select_n3A_863 {offsets = [0, 0], sizes = [256, 4], strides = [1, 1]} : vector<256x512xi32> to vector<256x4xi32>
    %concatenate3A_879 = tpu.concatenate %slice3A_877, %slice3A_878 in 1 : vector<256x508xi32>, vector<256x4xi32> -> vector<256x512xi32>
    %slice3A_880 = vector.extract_strided_slice %select_n3A_863 {offsets = [0, 508], sizes = [256, 4], strides = [1, 1]} : vector<256x512xi32> to vector<256x4xi32>
    %slice3A_881 = vector.extract_strided_slice %select_n3A_863 {offsets = [0, 0], sizes = [256, 508], strides = [1, 1]} : vector<256x512xi32> to vector<256x508xi32>
    %concatenate3A_882 = tpu.concatenate %slice3A_880, %slice3A_881 in 1 : vector<256x4xi32>, vector<256x508xi32> -> vector<256x512xi32>
    %select_n3A_883 = arith.select %eq3A_869, %concatenate3A_879, %concatenate3A_882 : vector<256x512xi1>, vector<256x512xi32>
    %gt3A_884 = arith.cmpf ogt, %select_n3A_862, %select_n3A_876 : vector<256x512xf32>
    %eq3A_885 = arith.cmpf oeq, %select_n3A_862, %select_n3A_876 : vector<256x512xf32>
    %lt3A_886 = arith.cmpi slt, %select_n3A_863, %select_n3A_883 : vector<256x512xi32>
    %and3A_887 = arith.andi %eq3A_885, %lt3A_886 : vector<256x512xi1>
    %or3A_888 = arith.ori %gt3A_884, %and3A_887 : vector<256x512xi1>
    %eq3A_889 = arith.xori %eq3A_869, %eq3A_731 : vector<256x512xi1>
    %eq3A_890 = arith.constant dense<true> : vector<256x512xi1>
    %eq3A_891 = arith.xori %eq3A_889, %eq3A_890 : vector<256x512xi1>
    %eq3A_892 = arith.xori %or3A_888, %eq3A_891 : vector<256x512xi1>
    %eq3A_893 = arith.constant dense<true> : vector<256x512xi1>
    %eq3A_894 = arith.xori %eq3A_892, %eq3A_893 : vector<256x512xi1>
    %select_n3A_895 = arith.select %eq3A_894, %select_n3A_862, %select_n3A_876 : vector<256x512xi1>, vector<256x512xf32>
    %select_n3A_896 = arith.select %eq3A_894, %select_n3A_863, %select_n3A_883 : vector<256x512xi1>, vector<256x512xi32>
    %and3A_897 = arith.constant 2 : i32
    %and3A_898 = vector.broadcast %and3A_897 : i32 to vector<256x512xi32>
    %and3A_899 = arith.andi %iota3A, %and3A_898 : vector<256x512xi32>
    %eq3A_900 = arith.constant 0 : i32
    %eq3A_901 = vector.broadcast %eq3A_900 : i32 to vector<256x512xi32>
    %eq3A_902 = arith.cmpi eq, %and3A_899, %eq3A_901 : vector<256x512xi32>
    %slice3A_903 = vector.extract_strided_slice %select_n3A_895 {offsets = [0, 2], sizes = [256, 510], strides = [1, 1]} : vector<256x512xf32> to vector<256x510xf32>
    %slice3A_904 = vector.extract_strided_slice %select_n3A_895 {offsets = [0, 0], sizes = [256, 2], strides = [1, 1]} : vector<256x512xf32> to vector<256x2xf32>
    %concatenate3A_905 = tpu.concatenate %slice3A_903, %slice3A_904 in 1 : vector<256x510xf32>, vector<256x2xf32> -> vector<256x512xf32>
    %slice3A_906 = vector.extract_strided_slice %select_n3A_895 {offsets = [0, 510], sizes = [256, 2], strides = [1, 1]} : vector<256x512xf32> to vector<256x2xf32>
    %slice3A_907 = vector.extract_strided_slice %select_n3A_895 {offsets = [0, 0], sizes = [256, 510], strides = [1, 1]} : vector<256x512xf32> to vector<256x510xf32>
    %concatenate3A_908 = tpu.concatenate %slice3A_906, %slice3A_907 in 1 : vector<256x2xf32>, vector<256x510xf32> -> vector<256x512xf32>
    %select_n3A_909 = arith.select %eq3A_902, %concatenate3A_905, %concatenate3A_908 : vector<256x512xi1>, vector<256x512xf32>
    %slice3A_910 = vector.extract_strided_slice %select_n3A_896 {offsets = [0, 2], sizes = [256, 510], strides = [1, 1]} : vector<256x512xi32> to vector<256x510xi32>
    %slice3A_911 = vector.extract_strided_slice %select_n3A_896 {offsets = [0, 0], sizes = [256, 2], strides = [1, 1]} : vector<256x512xi32> to vector<256x2xi32>
    %concatenate3A_912 = tpu.concatenate %slice3A_910, %slice3A_911 in 1 : vector<256x510xi32>, vector<256x2xi32> -> vector<256x512xi32>
    %slice3A_913 = vector.extract_strided_slice %select_n3A_896 {offsets = [0, 510], sizes = [256, 2], strides = [1, 1]} : vector<256x512xi32> to vector<256x2xi32>
    %slice3A_914 = vector.extract_strided_slice %select_n3A_896 {offsets = [0, 0], sizes = [256, 510], strides = [1, 1]} : vector<256x512xi32> to vector<256x510xi32>
    %concatenate3A_915 = tpu.concatenate %slice3A_913, %slice3A_914 in 1 : vector<256x2xi32>, vector<256x510xi32> -> vector<256x512xi32>
    %select_n3A_916 = arith.select %eq3A_902, %concatenate3A_912, %concatenate3A_915 : vector<256x512xi1>, vector<256x512xi32>
    %gt3A_917 = arith.cmpf ogt, %select_n3A_895, %select_n3A_909 : vector<256x512xf32>
    %eq3A_918 = arith.cmpf oeq, %select_n3A_895, %select_n3A_909 : vector<256x512xf32>
    %lt3A_919 = arith.cmpi slt, %select_n3A_896, %select_n3A_916 : vector<256x512xi32>
    %and3A_920 = arith.andi %eq3A_918, %lt3A_919 : vector<256x512xi1>
    %or3A_921 = arith.ori %gt3A_917, %and3A_920 : vector<256x512xi1>
    %eq3A_922 = arith.xori %eq3A_902, %eq3A_731 : vector<256x512xi1>
    %eq3A_923 = arith.constant dense<true> : vector<256x512xi1>
    %eq3A_924 = arith.xori %eq3A_922, %eq3A_923 : vector<256x512xi1>
    %eq3A_925 = arith.xori %or3A_921, %eq3A_924 : vector<256x512xi1>
    %eq3A_926 = arith.constant dense<true> : vector<256x512xi1>
    %eq3A_927 = arith.xori %eq3A_925, %eq3A_926 : vector<256x512xi1>
    %select_n3A_928 = arith.select %eq3A_927, %select_n3A_895, %select_n3A_909 : vector<256x512xi1>, vector<256x512xf32>
    %select_n3A_929 = arith.select %eq3A_927, %select_n3A_896, %select_n3A_916 : vector<256x512xi1>, vector<256x512xi32>
    %and3A_930 = arith.constant 1 : i32
    %and3A_931 = vector.broadcast %and3A_930 : i32 to vector<256x512xi32>
    %and3A_932 = arith.andi %iota3A, %and3A_931 : vector<256x512xi32>
    %eq3A_933 = arith.constant 0 : i32
    %eq3A_934 = vector.broadcast %eq3A_933 : i32 to vector<256x512xi32>
    %eq3A_935 = arith.cmpi eq, %and3A_932, %eq3A_934 : vector<256x512xi32>
    %slice3A_936 = vector.extract_strided_slice %select_n3A_928 {offsets = [0, 1], sizes = [256, 511], strides = [1, 1]} : vector<256x512xf32> to vector<256x511xf32>
    %slice3A_937 = vector.extract_strided_slice %select_n3A_928 {offsets = [0, 0], sizes = [256, 1], strides = [1, 1]} : vector<256x512xf32> to vector<256x1xf32>
    %concatenate3A_938 = tpu.concatenate %slice3A_936, %slice3A_937 in 1 : vector<256x511xf32>, vector<256x1xf32> -> vector<256x512xf32>
    %slice3A_939 = vector.extract_strided_slice %select_n3A_928 {offsets = [0, 511], sizes = [256, 1], strides = [1, 1]} : vector<256x512xf32> to vector<256x1xf32>
    %slice3A_940 = vector.extract_strided_slice %select_n3A_928 {offsets = [0, 0], sizes = [256, 511], strides = [1, 1]} : vector<256x512xf32> to vector<256x511xf32>
    %concatenate3A_941 = tpu.concatenate %slice3A_939, %slice3A_940 in 1 : vector<256x1xf32>, vector<256x511xf32> -> vector<256x512xf32>
    %select_n3A_942 = arith.select %eq3A_935, %concatenate3A_938, %concatenate3A_941 : vector<256x512xi1>, vector<256x512xf32>
    %slice3A_943 = vector.extract_strided_slice %select_n3A_929 {offsets = [0, 1], sizes = [256, 511], strides = [1, 1]} : vector<256x512xi32> to vector<256x511xi32>
    %slice3A_944 = vector.extract_strided_slice %select_n3A_929 {offsets = [0, 0], sizes = [256, 1], strides = [1, 1]} : vector<256x512xi32> to vector<256x1xi32>
    %concatenate3A_945 = tpu.concatenate %slice3A_943, %slice3A_944 in 1 : vector<256x511xi32>, vector<256x1xi32> -> vector<256x512xi32>
    %slice3A_946 = vector.extract_strided_slice %select_n3A_929 {offsets = [0, 511], sizes = [256, 1], strides = [1, 1]} : vector<256x512xi32> to vector<256x1xi32>
    %slice3A_947 = vector.extract_strided_slice %select_n3A_929 {offsets = [0, 0], sizes = [256, 511], strides = [1, 1]} : vector<256x512xi32> to vector<256x511xi32>
    %concatenate3A_948 = tpu.concatenate %slice3A_946, %slice3A_947 in 1 : vector<256x1xi32>, vector<256x511xi32> -> vector<256x512xi32>
    %select_n3A_949 = arith.select %eq3A_935, %concatenate3A_945, %concatenate3A_948 : vector<256x512xi1>, vector<256x512xi32>
    %gt3A_950 = arith.cmpf ogt, %select_n3A_928, %select_n3A_942 : vector<256x512xf32>
    %eq3A_951 = arith.cmpf oeq, %select_n3A_928, %select_n3A_942 : vector<256x512xf32>
    %lt3A_952 = arith.cmpi slt, %select_n3A_929, %select_n3A_949 : vector<256x512xi32>
    %and3A_953 = arith.andi %eq3A_951, %lt3A_952 : vector<256x512xi1>
    %or3A_954 = arith.ori %gt3A_950, %and3A_953 : vector<256x512xi1>
    %eq3A_955 = arith.xori %eq3A_935, %eq3A_731 : vector<256x512xi1>
    %eq3A_956 = arith.constant dense<true> : vector<256x512xi1>
    %eq3A_957 = arith.xori %eq3A_955, %eq3A_956 : vector<256x512xi1>
    %eq3A_958 = arith.xori %or3A_954, %eq3A_957 : vector<256x512xi1>
    %eq3A_959 = arith.constant dense<true> : vector<256x512xi1>
    %eq3A_960 = arith.xori %eq3A_958, %eq3A_959 : vector<256x512xi1>
    %select_n3A_961 = arith.select %eq3A_960, %select_n3A_928, %select_n3A_942 : vector<256x512xi1>, vector<256x512xf32>
    %select_n3A_962 = arith.select %eq3A_960, %select_n3A_929, %select_n3A_949 : vector<256x512xi1>, vector<256x512xi32>
    %and3A_963 = arith.constant 256 : i32
    %and3A_964 = vector.broadcast %and3A_963 : i32 to vector<256x512xi32>
    %and3A_965 = arith.andi %iota3A, %and3A_964 : vector<256x512xi32>
    %eq3A_966 = arith.constant 0 : i32
    %eq3A_967 = vector.broadcast %eq3A_966 : i32 to vector<256x512xi32>
    %eq3A_968 = arith.cmpi eq, %and3A_965, %eq3A_967 : vector<256x512xi32>
    %and3A_969 = arith.constant 128 : i32
    %and3A_970 = vector.broadcast %and3A_969 : i32 to vector<256x512xi32>
    %and3A_971 = arith.andi %iota3A, %and3A_970 : vector<256x512xi32>
    %eq3A_972 = arith.constant 0 : i32
    %eq3A_973 = vector.broadcast %eq3A_972 : i32 to vector<256x512xi32>
    %eq3A_974 = arith.cmpi eq, %and3A_971, %eq3A_973 : vector<256x512xi32>
    %slice3A_975 = vector.extract_strided_slice %select_n3A_961 {offsets = [0, 128], sizes = [256, 384], strides = [1, 1]} : vector<256x512xf32> to vector<256x384xf32>
    %slice3A_976 = vector.extract_strided_slice %select_n3A_961 {offsets = [0, 0], sizes = [256, 128], strides = [1, 1]} : vector<256x512xf32> to vector<256x128xf32>
    %concatenate3A_977 = tpu.concatenate %slice3A_975, %slice3A_976 in 1 : vector<256x384xf32>, vector<256x128xf32> -> vector<256x512xf32>
    %slice3A_978 = vector.extract_strided_slice %select_n3A_961 {offsets = [0, 384], sizes = [256, 128], strides = [1, 1]} : vector<256x512xf32> to vector<256x128xf32>
    %slice3A_979 = vector.extract_strided_slice %select_n3A_961 {offsets = [0, 0], sizes = [256, 384], strides = [1, 1]} : vector<256x512xf32> to vector<256x384xf32>
    %concatenate3A_980 = tpu.concatenate %slice3A_978, %slice3A_979 in 1 : vector<256x128xf32>, vector<256x384xf32> -> vector<256x512xf32>
    %select_n3A_981 = arith.select %eq3A_974, %concatenate3A_977, %concatenate3A_980 : vector<256x512xi1>, vector<256x512xf32>
    %slice3A_982 = vector.extract_strided_slice %select_n3A_962 {offsets = [0, 128], sizes = [256, 384], strides = [1, 1]} : vector<256x512xi32> to vector<256x384xi32>
    %slice3A_983 = vector.extract_strided_slice %select_n3A_962 {offsets = [0, 0], sizes = [256, 128], strides = [1, 1]} : vector<256x512xi32> to vector<256x128xi32>
    %concatenate3A_984 = tpu.concatenate %slice3A_982, %slice3A_983 in 1 : vector<256x384xi32>, vector<256x128xi32> -> vector<256x512xi32>
    %slice3A_985 = vector.extract_strided_slice %select_n3A_962 {offsets = [0, 384], sizes = [256, 128], strides = [1, 1]} : vector<256x512xi32> to vector<256x128xi32>
    %slice3A_986 = vector.extract_strided_slice %select_n3A_962 {offsets = [0, 0], sizes = [256, 384], strides = [1, 1]} : vector<256x512xi32> to vector<256x384xi32>
    %concatenate3A_987 = tpu.concatenate %slice3A_985, %slice3A_986 in 1 : vector<256x128xi32>, vector<256x384xi32> -> vector<256x512xi32>
    %select_n3A_988 = arith.select %eq3A_974, %concatenate3A_984, %concatenate3A_987 : vector<256x512xi1>, vector<256x512xi32>
    %gt3A_989 = arith.cmpf ogt, %select_n3A_961, %select_n3A_981 : vector<256x512xf32>
    %eq3A_990 = arith.cmpf oeq, %select_n3A_961, %select_n3A_981 : vector<256x512xf32>
    %lt3A_991 = arith.cmpi slt, %select_n3A_962, %select_n3A_988 : vector<256x512xi32>
    %and3A_992 = arith.andi %eq3A_990, %lt3A_991 : vector<256x512xi1>
    %or3A_993 = arith.ori %gt3A_989, %and3A_992 : vector<256x512xi1>
    %eq3A_994 = arith.xori %eq3A_974, %eq3A_968 : vector<256x512xi1>
    %eq3A_995 = arith.constant dense<true> : vector<256x512xi1>
    %eq3A_996 = arith.xori %eq3A_994, %eq3A_995 : vector<256x512xi1>
    %eq3A_997 = arith.xori %or3A_993, %eq3A_996 : vector<256x512xi1>
    %eq3A_998 = arith.constant dense<true> : vector<256x512xi1>
    %eq3A_999 = arith.xori %eq3A_997, %eq3A_998 : vector<256x512xi1>
    %select_n3A_1000 = arith.select %eq3A_999, %select_n3A_961, %select_n3A_981 : vector<256x512xi1>, vector<256x512xf32>
    %select_n3A_1001 = arith.select %eq3A_999, %select_n3A_962, %select_n3A_988 : vector<256x512xi1>, vector<256x512xi32>
    %and3A_1002 = arith.constant 64 : i32
    %and3A_1003 = vector.broadcast %and3A_1002 : i32 to vector<256x512xi32>
    %and3A_1004 = arith.andi %iota3A, %and3A_1003 : vector<256x512xi32>
    %eq3A_1005 = arith.constant 0 : i32
    %eq3A_1006 = vector.broadcast %eq3A_1005 : i32 to vector<256x512xi32>
    %eq3A_1007 = arith.cmpi eq, %and3A_1004, %eq3A_1006 : vector<256x512xi32>
    %slice3A_1008 = vector.extract_strided_slice %select_n3A_1000 {offsets = [0, 64], sizes = [256, 448], strides = [1, 1]} : vector<256x512xf32> to vector<256x448xf32>
    %slice3A_1009 = vector.extract_strided_slice %select_n3A_1000 {offsets = [0, 0], sizes = [256, 64], strides = [1, 1]} : vector<256x512xf32> to vector<256x64xf32>
    %concatenate3A_1010 = tpu.concatenate %slice3A_1008, %slice3A_1009 in 1 : vector<256x448xf32>, vector<256x64xf32> -> vector<256x512xf32>
    %slice3A_1011 = vector.extract_strided_slice %select_n3A_1000 {offsets = [0, 448], sizes = [256, 64], strides = [1, 1]} : vector<256x512xf32> to vector<256x64xf32>
    %slice3A_1012 = vector.extract_strided_slice %select_n3A_1000 {offsets = [0, 0], sizes = [256, 448], strides = [1, 1]} : vector<256x512xf32> to vector<256x448xf32>
    %concatenate3A_1013 = tpu.concatenate %slice3A_1011, %slice3A_1012 in 1 : vector<256x64xf32>, vector<256x448xf32> -> vector<256x512xf32>
    %select_n3A_1014 = arith.select %eq3A_1007, %concatenate3A_1010, %concatenate3A_1013 : vector<256x512xi1>, vector<256x512xf32>
    %slice3A_1015 = vector.extract_strided_slice %select_n3A_1001 {offsets = [0, 64], sizes = [256, 448], strides = [1, 1]} : vector<256x512xi32> to vector<256x448xi32>
    %slice3A_1016 = vector.extract_strided_slice %select_n3A_1001 {offsets = [0, 0], sizes = [256, 64], strides = [1, 1]} : vector<256x512xi32> to vector<256x64xi32>
    %concatenate3A_1017 = tpu.concatenate %slice3A_1015, %slice3A_1016 in 1 : vector<256x448xi32>, vector<256x64xi32> -> vector<256x512xi32>
    %slice3A_1018 = vector.extract_strided_slice %select_n3A_1001 {offsets = [0, 448], sizes = [256, 64], strides = [1, 1]} : vector<256x512xi32> to vector<256x64xi32>
    %slice3A_1019 = vector.extract_strided_slice %select_n3A_1001 {offsets = [0, 0], sizes = [256, 448], strides = [1, 1]} : vector<256x512xi32> to vector<256x448xi32>
    %concatenate3A_1020 = tpu.concatenate %slice3A_1018, %slice3A_1019 in 1 : vector<256x64xi32>, vector<256x448xi32> -> vector<256x512xi32>
    %select_n3A_1021 = arith.select %eq3A_1007, %concatenate3A_1017, %concatenate3A_1020 : vector<256x512xi1>, vector<256x512xi32>
    %gt3A_1022 = arith.cmpf ogt, %select_n3A_1000, %select_n3A_1014 : vector<256x512xf32>
    %eq3A_1023 = arith.cmpf oeq, %select_n3A_1000, %select_n3A_1014 : vector<256x512xf32>
    %lt3A_1024 = arith.cmpi slt, %select_n3A_1001, %select_n3A_1021 : vector<256x512xi32>
    %and3A_1025 = arith.andi %eq3A_1023, %lt3A_1024 : vector<256x512xi1>
    %or3A_1026 = arith.ori %gt3A_1022, %and3A_1025 : vector<256x512xi1>
    %eq3A_1027 = arith.xori %eq3A_1007, %eq3A_968 : vector<256x512xi1>
    %eq3A_1028 = arith.constant dense<true> : vector<256x512xi1>
    %eq3A_1029 = arith.xori %eq3A_1027, %eq3A_1028 : vector<256x512xi1>
    %eq3A_1030 = arith.xori %or3A_1026, %eq3A_1029 : vector<256x512xi1>
    %eq3A_1031 = arith.constant dense<true> : vector<256x512xi1>
    %eq3A_1032 = arith.xori %eq3A_1030, %eq3A_1031 : vector<256x512xi1>
    %select_n3A_1033 = arith.select %eq3A_1032, %select_n3A_1000, %select_n3A_1014 : vector<256x512xi1>, vector<256x512xf32>
    %select_n3A_1034 = arith.select %eq3A_1032, %select_n3A_1001, %select_n3A_1021 : vector<256x512xi1>, vector<256x512xi32>
    %and3A_1035 = arith.constant 32 : i32
    %and3A_1036 = vector.broadcast %and3A_1035 : i32 to vector<256x512xi32>
    %and3A_1037 = arith.andi %iota3A, %and3A_1036 : vector<256x512xi32>
    %eq3A_1038 = arith.constant 0 : i32
    %eq3A_1039 = vector.broadcast %eq3A_1038 : i32 to vector<256x512xi32>
    %eq3A_1040 = arith.cmpi eq, %and3A_1037, %eq3A_1039 : vector<256x512xi32>
    %slice3A_1041 = vector.extract_strided_slice %select_n3A_1033 {offsets = [0, 32], sizes = [256, 480], strides = [1, 1]} : vector<256x512xf32> to vector<256x480xf32>
    %slice3A_1042 = vector.extract_strided_slice %select_n3A_1033 {offsets = [0, 0], sizes = [256, 32], strides = [1, 1]} : vector<256x512xf32> to vector<256x32xf32>
    %concatenate3A_1043 = tpu.concatenate %slice3A_1041, %slice3A_1042 in 1 : vector<256x480xf32>, vector<256x32xf32> -> vector<256x512xf32>
    %slice3A_1044 = vector.extract_strided_slice %select_n3A_1033 {offsets = [0, 480], sizes = [256, 32], strides = [1, 1]} : vector<256x512xf32> to vector<256x32xf32>
    %slice3A_1045 = vector.extract_strided_slice %select_n3A_1033 {offsets = [0, 0], sizes = [256, 480], strides = [1, 1]} : vector<256x512xf32> to vector<256x480xf32>
    %concatenate3A_1046 = tpu.concatenate %slice3A_1044, %slice3A_1045 in 1 : vector<256x32xf32>, vector<256x480xf32> -> vector<256x512xf32>
    %select_n3A_1047 = arith.select %eq3A_1040, %concatenate3A_1043, %concatenate3A_1046 : vector<256x512xi1>, vector<256x512xf32>
    %slice3A_1048 = vector.extract_strided_slice %select_n3A_1034 {offsets = [0, 32], sizes = [256, 480], strides = [1, 1]} : vector<256x512xi32> to vector<256x480xi32>
    %slice3A_1049 = vector.extract_strided_slice %select_n3A_1034 {offsets = [0, 0], sizes = [256, 32], strides = [1, 1]} : vector<256x512xi32> to vector<256x32xi32>
    %concatenate3A_1050 = tpu.concatenate %slice3A_1048, %slice3A_1049 in 1 : vector<256x480xi32>, vector<256x32xi32> -> vector<256x512xi32>
    %slice3A_1051 = vector.extract_strided_slice %select_n3A_1034 {offsets = [0, 480], sizes = [256, 32], strides = [1, 1]} : vector<256x512xi32> to vector<256x32xi32>
    %slice3A_1052 = vector.extract_strided_slice %select_n3A_1034 {offsets = [0, 0], sizes = [256, 480], strides = [1, 1]} : vector<256x512xi32> to vector<256x480xi32>
    %concatenate3A_1053 = tpu.concatenate %slice3A_1051, %slice3A_1052 in 1 : vector<256x32xi32>, vector<256x480xi32> -> vector<256x512xi32>
    %select_n3A_1054 = arith.select %eq3A_1040, %concatenate3A_1050, %concatenate3A_1053 : vector<256x512xi1>, vector<256x512xi32>
    %gt3A_1055 = arith.cmpf ogt, %select_n3A_1033, %select_n3A_1047 : vector<256x512xf32>
    %eq3A_1056 = arith.cmpf oeq, %select_n3A_1033, %select_n3A_1047 : vector<256x512xf32>
    %lt3A_1057 = arith.cmpi slt, %select_n3A_1034, %select_n3A_1054 : vector<256x512xi32>
    %and3A_1058 = arith.andi %eq3A_1056, %lt3A_1057 : vector<256x512xi1>
    %or3A_1059 = arith.ori %gt3A_1055, %and3A_1058 : vector<256x512xi1>
    %eq3A_1060 = arith.xori %eq3A_1040, %eq3A_968 : vector<256x512xi1>
    %eq3A_1061 = arith.constant dense<true> : vector<256x512xi1>
    %eq3A_1062 = arith.xori %eq3A_1060, %eq3A_1061 : vector<256x512xi1>
    %eq3A_1063 = arith.xori %or3A_1059, %eq3A_1062 : vector<256x512xi1>
    %eq3A_1064 = arith.constant dense<true> : vector<256x512xi1>
    %eq3A_1065 = arith.xori %eq3A_1063, %eq3A_1064 : vector<256x512xi1>
    %select_n3A_1066 = arith.select %eq3A_1065, %select_n3A_1033, %select_n3A_1047 : vector<256x512xi1>, vector<256x512xf32>
    %select_n3A_1067 = arith.select %eq3A_1065, %select_n3A_1034, %select_n3A_1054 : vector<256x512xi1>, vector<256x512xi32>
    %and3A_1068 = arith.constant 16 : i32
    %and3A_1069 = vector.broadcast %and3A_1068 : i32 to vector<256x512xi32>
    %and3A_1070 = arith.andi %iota3A, %and3A_1069 : vector<256x512xi32>
    %eq3A_1071 = arith.constant 0 : i32
    %eq3A_1072 = vector.broadcast %eq3A_1071 : i32 to vector<256x512xi32>
    %eq3A_1073 = arith.cmpi eq, %and3A_1070, %eq3A_1072 : vector<256x512xi32>
    %slice3A_1074 = vector.extract_strided_slice %select_n3A_1066 {offsets = [0, 16], sizes = [256, 496], strides = [1, 1]} : vector<256x512xf32> to vector<256x496xf32>
    %slice3A_1075 = vector.extract_strided_slice %select_n3A_1066 {offsets = [0, 0], sizes = [256, 16], strides = [1, 1]} : vector<256x512xf32> to vector<256x16xf32>
    %concatenate3A_1076 = tpu.concatenate %slice3A_1074, %slice3A_1075 in 1 : vector<256x496xf32>, vector<256x16xf32> -> vector<256x512xf32>
    %slice3A_1077 = vector.extract_strided_slice %select_n3A_1066 {offsets = [0, 496], sizes = [256, 16], strides = [1, 1]} : vector<256x512xf32> to vector<256x16xf32>
    %slice3A_1078 = vector.extract_strided_slice %select_n3A_1066 {offsets = [0, 0], sizes = [256, 496], strides = [1, 1]} : vector<256x512xf32> to vector<256x496xf32>
    %concatenate3A_1079 = tpu.concatenate %slice3A_1077, %slice3A_1078 in 1 : vector<256x16xf32>, vector<256x496xf32> -> vector<256x512xf32>
    %select_n3A_1080 = arith.select %eq3A_1073, %concatenate3A_1076, %concatenate3A_1079 : vector<256x512xi1>, vector<256x512xf32>
    %slice3A_1081 = vector.extract_strided_slice %select_n3A_1067 {offsets = [0, 16], sizes = [256, 496], strides = [1, 1]} : vector<256x512xi32> to vector<256x496xi32>
    %slice3A_1082 = vector.extract_strided_slice %select_n3A_1067 {offsets = [0, 0], sizes = [256, 16], strides = [1, 1]} : vector<256x512xi32> to vector<256x16xi32>
    %concatenate3A_1083 = tpu.concatenate %slice3A_1081, %slice3A_1082 in 1 : vector<256x496xi32>, vector<256x16xi32> -> vector<256x512xi32>
    %slice3A_1084 = vector.extract_strided_slice %select_n3A_1067 {offsets = [0, 496], sizes = [256, 16], strides = [1, 1]} : vector<256x512xi32> to vector<256x16xi32>
    %slice3A_1085 = vector.extract_strided_slice %select_n3A_1067 {offsets = [0, 0], sizes = [256, 496], strides = [1, 1]} : vector<256x512xi32> to vector<256x496xi32>
    %concatenate3A_1086 = tpu.concatenate %slice3A_1084, %slice3A_1085 in 1 : vector<256x16xi32>, vector<256x496xi32> -> vector<256x512xi32>
    %select_n3A_1087 = arith.select %eq3A_1073, %concatenate3A_1083, %concatenate3A_1086 : vector<256x512xi1>, vector<256x512xi32>
    %gt3A_1088 = arith.cmpf ogt, %select_n3A_1066, %select_n3A_1080 : vector<256x512xf32>
    %eq3A_1089 = arith.cmpf oeq, %select_n3A_1066, %select_n3A_1080 : vector<256x512xf32>
    %lt3A_1090 = arith.cmpi slt, %select_n3A_1067, %select_n3A_1087 : vector<256x512xi32>
    %and3A_1091 = arith.andi %eq3A_1089, %lt3A_1090 : vector<256x512xi1>
    %or3A_1092 = arith.ori %gt3A_1088, %and3A_1091 : vector<256x512xi1>
    %eq3A_1093 = arith.xori %eq3A_1073, %eq3A_968 : vector<256x512xi1>
    %eq3A_1094 = arith.constant dense<true> : vector<256x512xi1>
    %eq3A_1095 = arith.xori %eq3A_1093, %eq3A_1094 : vector<256x512xi1>
    %eq3A_1096 = arith.xori %or3A_1092, %eq3A_1095 : vector<256x512xi1>
    %eq3A_1097 = arith.constant dense<true> : vector<256x512xi1>
    %eq3A_1098 = arith.xori %eq3A_1096, %eq3A_1097 : vector<256x512xi1>
    %select_n3A_1099 = arith.select %eq3A_1098, %select_n3A_1066, %select_n3A_1080 : vector<256x512xi1>, vector<256x512xf32>
    %select_n3A_1100 = arith.select %eq3A_1098, %select_n3A_1067, %select_n3A_1087 : vector<256x512xi1>, vector<256x512xi32>
    %and3A_1101 = arith.constant 8 : i32
    %and3A_1102 = vector.broadcast %and3A_1101 : i32 to vector<256x512xi32>
    %and3A_1103 = arith.andi %iota3A, %and3A_1102 : vector<256x512xi32>
    %eq3A_1104 = arith.constant 0 : i32
    %eq3A_1105 = vector.broadcast %eq3A_1104 : i32 to vector<256x512xi32>
    %eq3A_1106 = arith.cmpi eq, %and3A_1103, %eq3A_1105 : vector<256x512xi32>
    %slice3A_1107 = vector.extract_strided_slice %select_n3A_1099 {offsets = [0, 8], sizes = [256, 504], strides = [1, 1]} : vector<256x512xf32> to vector<256x504xf32>
    %slice3A_1108 = vector.extract_strided_slice %select_n3A_1099 {offsets = [0, 0], sizes = [256, 8], strides = [1, 1]} : vector<256x512xf32> to vector<256x8xf32>
    %concatenate3A_1109 = tpu.concatenate %slice3A_1107, %slice3A_1108 in 1 : vector<256x504xf32>, vector<256x8xf32> -> vector<256x512xf32>
    %slice3A_1110 = vector.extract_strided_slice %select_n3A_1099 {offsets = [0, 504], sizes = [256, 8], strides = [1, 1]} : vector<256x512xf32> to vector<256x8xf32>
    %slice3A_1111 = vector.extract_strided_slice %select_n3A_1099 {offsets = [0, 0], sizes = [256, 504], strides = [1, 1]} : vector<256x512xf32> to vector<256x504xf32>
    %concatenate3A_1112 = tpu.concatenate %slice3A_1110, %slice3A_1111 in 1 : vector<256x8xf32>, vector<256x504xf32> -> vector<256x512xf32>
    %select_n3A_1113 = arith.select %eq3A_1106, %concatenate3A_1109, %concatenate3A_1112 : vector<256x512xi1>, vector<256x512xf32>
    %slice3A_1114 = vector.extract_strided_slice %select_n3A_1100 {offsets = [0, 8], sizes = [256, 504], strides = [1, 1]} : vector<256x512xi32> to vector<256x504xi32>
    %slice3A_1115 = vector.extract_strided_slice %select_n3A_1100 {offsets = [0, 0], sizes = [256, 8], strides = [1, 1]} : vector<256x512xi32> to vector<256x8xi32>
    %concatenate3A_1116 = tpu.concatenate %slice3A_1114, %slice3A_1115 in 1 : vector<256x504xi32>, vector<256x8xi32> -> vector<256x512xi32>
    %slice3A_1117 = vector.extract_strided_slice %select_n3A_1100 {offsets = [0, 504], sizes = [256, 8], strides = [1, 1]} : vector<256x512xi32> to vector<256x8xi32>
    %slice3A_1118 = vector.extract_strided_slice %select_n3A_1100 {offsets = [0, 0], sizes = [256, 504], strides = [1, 1]} : vector<256x512xi32> to vector<256x504xi32>
    %concatenate3A_1119 = tpu.concatenate %slice3A_1117, %slice3A_1118 in 1 : vector<256x8xi32>, vector<256x504xi32> -> vector<256x512xi32>
    %select_n3A_1120 = arith.select %eq3A_1106, %concatenate3A_1116, %concatenate3A_1119 : vector<256x512xi1>, vector<256x512xi32>
    %gt3A_1121 = arith.cmpf ogt, %select_n3A_1099, %select_n3A_1113 : vector<256x512xf32>
    %eq3A_1122 = arith.cmpf oeq, %select_n3A_1099, %select_n3A_1113 : vector<256x512xf32>
    %lt3A_1123 = arith.cmpi slt, %select_n3A_1100, %select_n3A_1120 : vector<256x512xi32>
    %and3A_1124 = arith.andi %eq3A_1122, %lt3A_1123 : vector<256x512xi1>
    %or3A_1125 = arith.ori %gt3A_1121, %and3A_1124 : vector<256x512xi1>
    %eq3A_1126 = arith.xori %eq3A_1106, %eq3A_968 : vector<256x512xi1>
    %eq3A_1127 = arith.constant dense<true> : vector<256x512xi1>
    %eq3A_1128 = arith.xori %eq3A_1126, %eq3A_1127 : vector<256x512xi1>
    %eq3A_1129 = arith.xori %or3A_1125, %eq3A_1128 : vector<256x512xi1>
    %eq3A_1130 = arith.constant dense<true> : vector<256x512xi1>
    %eq3A_1131 = arith.xori %eq3A_1129, %eq3A_1130 : vector<256x512xi1>
    %select_n3A_1132 = arith.select %eq3A_1131, %select_n3A_1099, %select_n3A_1113 : vector<256x512xi1>, vector<256x512xf32>
    %select_n3A_1133 = arith.select %eq3A_1131, %select_n3A_1100, %select_n3A_1120 : vector<256x512xi1>, vector<256x512xi32>
    %and3A_1134 = arith.constant 4 : i32
    %and3A_1135 = vector.broadcast %and3A_1134 : i32 to vector<256x512xi32>
    %and3A_1136 = arith.andi %iota3A, %and3A_1135 : vector<256x512xi32>
    %eq3A_1137 = arith.constant 0 : i32
    %eq3A_1138 = vector.broadcast %eq3A_1137 : i32 to vector<256x512xi32>
    %eq3A_1139 = arith.cmpi eq, %and3A_1136, %eq3A_1138 : vector<256x512xi32>
    %slice3A_1140 = vector.extract_strided_slice %select_n3A_1132 {offsets = [0, 4], sizes = [256, 508], strides = [1, 1]} : vector<256x512xf32> to vector<256x508xf32>
    %slice3A_1141 = vector.extract_strided_slice %select_n3A_1132 {offsets = [0, 0], sizes = [256, 4], strides = [1, 1]} : vector<256x512xf32> to vector<256x4xf32>
    %concatenate3A_1142 = tpu.concatenate %slice3A_1140, %slice3A_1141 in 1 : vector<256x508xf32>, vector<256x4xf32> -> vector<256x512xf32>
    %slice3A_1143 = vector.extract_strided_slice %select_n3A_1132 {offsets = [0, 508], sizes = [256, 4], strides = [1, 1]} : vector<256x512xf32> to vector<256x4xf32>
    %slice3A_1144 = vector.extract_strided_slice %select_n3A_1132 {offsets = [0, 0], sizes = [256, 508], strides = [1, 1]} : vector<256x512xf32> to vector<256x508xf32>
    %concatenate3A_1145 = tpu.concatenate %slice3A_1143, %slice3A_1144 in 1 : vector<256x4xf32>, vector<256x508xf32> -> vector<256x512xf32>
    %select_n3A_1146 = arith.select %eq3A_1139, %concatenate3A_1142, %concatenate3A_1145 : vector<256x512xi1>, vector<256x512xf32>
    %slice3A_1147 = vector.extract_strided_slice %select_n3A_1133 {offsets = [0, 4], sizes = [256, 508], strides = [1, 1]} : vector<256x512xi32> to vector<256x508xi32>
    %slice3A_1148 = vector.extract_strided_slice %select_n3A_1133 {offsets = [0, 0], sizes = [256, 4], strides = [1, 1]} : vector<256x512xi32> to vector<256x4xi32>
    %concatenate3A_1149 = tpu.concatenate %slice3A_1147, %slice3A_1148 in 1 : vector<256x508xi32>, vector<256x4xi32> -> vector<256x512xi32>
    %slice3A_1150 = vector.extract_strided_slice %select_n3A_1133 {offsets = [0, 508], sizes = [256, 4], strides = [1, 1]} : vector<256x512xi32> to vector<256x4xi32>
    %slice3A_1151 = vector.extract_strided_slice %select_n3A_1133 {offsets = [0, 0], sizes = [256, 508], strides = [1, 1]} : vector<256x512xi32> to vector<256x508xi32>
    %concatenate3A_1152 = tpu.concatenate %slice3A_1150, %slice3A_1151 in 1 : vector<256x4xi32>, vector<256x508xi32> -> vector<256x512xi32>
    %select_n3A_1153 = arith.select %eq3A_1139, %concatenate3A_1149, %concatenate3A_1152 : vector<256x512xi1>, vector<256x512xi32>
    %gt3A_1154 = arith.cmpf ogt, %select_n3A_1132, %select_n3A_1146 : vector<256x512xf32>
    %eq3A_1155 = arith.cmpf oeq, %select_n3A_1132, %select_n3A_1146 : vector<256x512xf32>
    %lt3A_1156 = arith.cmpi slt, %select_n3A_1133, %select_n3A_1153 : vector<256x512xi32>
    %and3A_1157 = arith.andi %eq3A_1155, %lt3A_1156 : vector<256x512xi1>
    %or3A_1158 = arith.ori %gt3A_1154, %and3A_1157 : vector<256x512xi1>
    %eq3A_1159 = arith.xori %eq3A_1139, %eq3A_968 : vector<256x512xi1>
    %eq3A_1160 = arith.constant dense<true> : vector<256x512xi1>
    %eq3A_1161 = arith.xori %eq3A_1159, %eq3A_1160 : vector<256x512xi1>
    %eq3A_1162 = arith.xori %or3A_1158, %eq3A_1161 : vector<256x512xi1>
    %eq3A_1163 = arith.constant dense<true> : vector<256x512xi1>
    %eq3A_1164 = arith.xori %eq3A_1162, %eq3A_1163 : vector<256x512xi1>
    %select_n3A_1165 = arith.select %eq3A_1164, %select_n3A_1132, %select_n3A_1146 : vector<256x512xi1>, vector<256x512xf32>
    %select_n3A_1166 = arith.select %eq3A_1164, %select_n3A_1133, %select_n3A_1153 : vector<256x512xi1>, vector<256x512xi32>
    %and3A_1167 = arith.constant 2 : i32
    %and3A_1168 = vector.broadcast %and3A_1167 : i32 to vector<256x512xi32>
    %and3A_1169 = arith.andi %iota3A, %and3A_1168 : vector<256x512xi32>
    %eq3A_1170 = arith.constant 0 : i32
    %eq3A_1171 = vector.broadcast %eq3A_1170 : i32 to vector<256x512xi32>
    %eq3A_1172 = arith.cmpi eq, %and3A_1169, %eq3A_1171 : vector<256x512xi32>
    %slice3A_1173 = vector.extract_strided_slice %select_n3A_1165 {offsets = [0, 2], sizes = [256, 510], strides = [1, 1]} : vector<256x512xf32> to vector<256x510xf32>
    %slice3A_1174 = vector.extract_strided_slice %select_n3A_1165 {offsets = [0, 0], sizes = [256, 2], strides = [1, 1]} : vector<256x512xf32> to vector<256x2xf32>
    %concatenate3A_1175 = tpu.concatenate %slice3A_1173, %slice3A_1174 in 1 : vector<256x510xf32>, vector<256x2xf32> -> vector<256x512xf32>
    %slice3A_1176 = vector.extract_strided_slice %select_n3A_1165 {offsets = [0, 510], sizes = [256, 2], strides = [1, 1]} : vector<256x512xf32> to vector<256x2xf32>
    %slice3A_1177 = vector.extract_strided_slice %select_n3A_1165 {offsets = [0, 0], sizes = [256, 510], strides = [1, 1]} : vector<256x512xf32> to vector<256x510xf32>
    %concatenate3A_1178 = tpu.concatenate %slice3A_1176, %slice3A_1177 in 1 : vector<256x2xf32>, vector<256x510xf32> -> vector<256x512xf32>
    %select_n3A_1179 = arith.select %eq3A_1172, %concatenate3A_1175, %concatenate3A_1178 : vector<256x512xi1>, vector<256x512xf32>
    %slice3A_1180 = vector.extract_strided_slice %select_n3A_1166 {offsets = [0, 2], sizes = [256, 510], strides = [1, 1]} : vector<256x512xi32> to vector<256x510xi32>
    %slice3A_1181 = vector.extract_strided_slice %select_n3A_1166 {offsets = [0, 0], sizes = [256, 2], strides = [1, 1]} : vector<256x512xi32> to vector<256x2xi32>
    %concatenate3A_1182 = tpu.concatenate %slice3A_1180, %slice3A_1181 in 1 : vector<256x510xi32>, vector<256x2xi32> -> vector<256x512xi32>
    %slice3A_1183 = vector.extract_strided_slice %select_n3A_1166 {offsets = [0, 510], sizes = [256, 2], strides = [1, 1]} : vector<256x512xi32> to vector<256x2xi32>
    %slice3A_1184 = vector.extract_strided_slice %select_n3A_1166 {offsets = [0, 0], sizes = [256, 510], strides = [1, 1]} : vector<256x512xi32> to vector<256x510xi32>
    %concatenate3A_1185 = tpu.concatenate %slice3A_1183, %slice3A_1184 in 1 : vector<256x2xi32>, vector<256x510xi32> -> vector<256x512xi32>
    %select_n3A_1186 = arith.select %eq3A_1172, %concatenate3A_1182, %concatenate3A_1185 : vector<256x512xi1>, vector<256x512xi32>
    %gt3A_1187 = arith.cmpf ogt, %select_n3A_1165, %select_n3A_1179 : vector<256x512xf32>
    %eq3A_1188 = arith.cmpf oeq, %select_n3A_1165, %select_n3A_1179 : vector<256x512xf32>
    %lt3A_1189 = arith.cmpi slt, %select_n3A_1166, %select_n3A_1186 : vector<256x512xi32>
    %and3A_1190 = arith.andi %eq3A_1188, %lt3A_1189 : vector<256x512xi1>
    %or3A_1191 = arith.ori %gt3A_1187, %and3A_1190 : vector<256x512xi1>
    %eq3A_1192 = arith.xori %eq3A_1172, %eq3A_968 : vector<256x512xi1>
    %eq3A_1193 = arith.constant dense<true> : vector<256x512xi1>
    %eq3A_1194 = arith.xori %eq3A_1192, %eq3A_1193 : vector<256x512xi1>
    %eq3A_1195 = arith.xori %or3A_1191, %eq3A_1194 : vector<256x512xi1>
    %eq3A_1196 = arith.constant dense<true> : vector<256x512xi1>
    %eq3A_1197 = arith.xori %eq3A_1195, %eq3A_1196 : vector<256x512xi1>
    %select_n3A_1198 = arith.select %eq3A_1197, %select_n3A_1165, %select_n3A_1179 : vector<256x512xi1>, vector<256x512xf32>
    %select_n3A_1199 = arith.select %eq3A_1197, %select_n3A_1166, %select_n3A_1186 : vector<256x512xi1>, vector<256x512xi32>
    %and3A_1200 = arith.constant 1 : i32
    %and3A_1201 = vector.broadcast %and3A_1200 : i32 to vector<256x512xi32>
    %and3A_1202 = arith.andi %iota3A, %and3A_1201 : vector<256x512xi32>
    %eq3A_1203 = arith.constant 0 : i32
    %eq3A_1204 = vector.broadcast %eq3A_1203 : i32 to vector<256x512xi32>
    %eq3A_1205 = arith.cmpi eq, %and3A_1202, %eq3A_1204 : vector<256x512xi32>
    %slice3A_1206 = vector.extract_strided_slice %select_n3A_1198 {offsets = [0, 1], sizes = [256, 511], strides = [1, 1]} : vector<256x512xf32> to vector<256x511xf32>
    %slice3A_1207 = vector.extract_strided_slice %select_n3A_1198 {offsets = [0, 0], sizes = [256, 1], strides = [1, 1]} : vector<256x512xf32> to vector<256x1xf32>
    %concatenate3A_1208 = tpu.concatenate %slice3A_1206, %slice3A_1207 in 1 : vector<256x511xf32>, vector<256x1xf32> -> vector<256x512xf32>
    %slice3A_1209 = vector.extract_strided_slice %select_n3A_1198 {offsets = [0, 511], sizes = [256, 1], strides = [1, 1]} : vector<256x512xf32> to vector<256x1xf32>
    %slice3A_1210 = vector.extract_strided_slice %select_n3A_1198 {offsets = [0, 0], sizes = [256, 511], strides = [1, 1]} : vector<256x512xf32> to vector<256x511xf32>
    %concatenate3A_1211 = tpu.concatenate %slice3A_1209, %slice3A_1210 in 1 : vector<256x1xf32>, vector<256x511xf32> -> vector<256x512xf32>
    %select_n3A_1212 = arith.select %eq3A_1205, %concatenate3A_1208, %concatenate3A_1211 : vector<256x512xi1>, vector<256x512xf32>
    %slice3A_1213 = vector.extract_strided_slice %select_n3A_1199 {offsets = [0, 1], sizes = [256, 511], strides = [1, 1]} : vector<256x512xi32> to vector<256x511xi32>
    %slice3A_1214 = vector.extract_strided_slice %select_n3A_1199 {offsets = [0, 0], sizes = [256, 1], strides = [1, 1]} : vector<256x512xi32> to vector<256x1xi32>
    %concatenate3A_1215 = tpu.concatenate %slice3A_1213, %slice3A_1214 in 1 : vector<256x511xi32>, vector<256x1xi32> -> vector<256x512xi32>
    %slice3A_1216 = vector.extract_strided_slice %select_n3A_1199 {offsets = [0, 511], sizes = [256, 1], strides = [1, 1]} : vector<256x512xi32> to vector<256x1xi32>
    %slice3A_1217 = vector.extract_strided_slice %select_n3A_1199 {offsets = [0, 0], sizes = [256, 511], strides = [1, 1]} : vector<256x512xi32> to vector<256x511xi32>
    %concatenate3A_1218 = tpu.concatenate %slice3A_1216, %slice3A_1217 in 1 : vector<256x1xi32>, vector<256x511xi32> -> vector<256x512xi32>
    %select_n3A_1219 = arith.select %eq3A_1205, %concatenate3A_1215, %concatenate3A_1218 : vector<256x512xi1>, vector<256x512xi32>
    %gt3A_1220 = arith.cmpf ogt, %select_n3A_1198, %select_n3A_1212 : vector<256x512xf32>
    %eq3A_1221 = arith.cmpf oeq, %select_n3A_1198, %select_n3A_1212 : vector<256x512xf32>
    %lt3A_1222 = arith.cmpi slt, %select_n3A_1199, %select_n3A_1219 : vector<256x512xi32>
    %and3A_1223 = arith.andi %eq3A_1221, %lt3A_1222 : vector<256x512xi1>
    %or3A_1224 = arith.ori %gt3A_1220, %and3A_1223 : vector<256x512xi1>
    %eq3A_1225 = arith.xori %eq3A_1205, %eq3A_968 : vector<256x512xi1>
    %eq3A_1226 = arith.constant dense<true> : vector<256x512xi1>
    %eq3A_1227 = arith.xori %eq3A_1225, %eq3A_1226 : vector<256x512xi1>
    %eq3A_1228 = arith.xori %or3A_1224, %eq3A_1227 : vector<256x512xi1>
    %eq3A_1229 = arith.constant dense<true> : vector<256x512xi1>
    %eq3A_1230 = arith.xori %eq3A_1228, %eq3A_1229 : vector<256x512xi1>
    %select_n3A_1231 = arith.select %eq3A_1230, %select_n3A_1198, %select_n3A_1212 : vector<256x512xi1>, vector<256x512xf32>
    %select_n3A_1232 = arith.select %eq3A_1230, %select_n3A_1199, %select_n3A_1219 : vector<256x512xi1>, vector<256x512xi32>
    %ge3A = arith.constant 0 : i32
    %ge3A_1233 = vector.broadcast %ge3A : i32 to vector<256x512xi32>
    %ge3A_1234 = arith.cmpi sge, %iota3A, %ge3A_1233 : vector<256x512xi32>
    %and3A_1235 = arith.constant 256 : i32
    %and3A_1236 = vector.broadcast %and3A_1235 : i32 to vector<256x512xi32>
    %and3A_1237 = arith.andi %iota3A, %and3A_1236 : vector<256x512xi32>
    %eq3A_1238 = arith.constant 0 : i32
    %eq3A_1239 = vector.broadcast %eq3A_1238 : i32 to vector<256x512xi32>
    %eq3A_1240 = arith.cmpi eq, %and3A_1237, %eq3A_1239 : vector<256x512xi32>
    %slice3A_1241 = vector.extract_strided_slice %select_n3A_1231 {offsets = [0, 256], sizes = [256, 256], strides = [1, 1]} : vector<256x512xf32> to vector<256x256xf32>
    %slice3A_1242 = vector.extract_strided_slice %select_n3A_1231 {offsets = [0, 0], sizes = [256, 256], strides = [1, 1]} : vector<256x512xf32> to vector<256x256xf32>
    %concatenate3A_1243 = tpu.concatenate %slice3A_1241, %slice3A_1242 in 1 : vector<256x256xf32>, vector<256x256xf32> -> vector<256x512xf32>
    %slice3A_1244 = vector.extract_strided_slice %select_n3A_1231 {offsets = [0, 256], sizes = [256, 256], strides = [1, 1]} : vector<256x512xf32> to vector<256x256xf32>
    %slice3A_1245 = vector.extract_strided_slice %select_n3A_1231 {offsets = [0, 0], sizes = [256, 256], strides = [1, 1]} : vector<256x512xf32> to vector<256x256xf32>
    %concatenate3A_1246 = tpu.concatenate %slice3A_1244, %slice3A_1245 in 1 : vector<256x256xf32>, vector<256x256xf32> -> vector<256x512xf32>
    %select_n3A_1247 = arith.select %eq3A_1240, %concatenate3A_1243, %concatenate3A_1246 : vector<256x512xi1>, vector<256x512xf32>
    %slice3A_1248 = vector.extract_strided_slice %select_n3A_1232 {offsets = [0, 256], sizes = [256, 256], strides = [1, 1]} : vector<256x512xi32> to vector<256x256xi32>
    %slice3A_1249 = vector.extract_strided_slice %select_n3A_1232 {offsets = [0, 0], sizes = [256, 256], strides = [1, 1]} : vector<256x512xi32> to vector<256x256xi32>
    %concatenate3A_1250 = tpu.concatenate %slice3A_1248, %slice3A_1249 in 1 : vector<256x256xi32>, vector<256x256xi32> -> vector<256x512xi32>
    %slice3A_1251 = vector.extract_strided_slice %select_n3A_1232 {offsets = [0, 256], sizes = [256, 256], strides = [1, 1]} : vector<256x512xi32> to vector<256x256xi32>
    %slice3A_1252 = vector.extract_strided_slice %select_n3A_1232 {offsets = [0, 0], sizes = [256, 256], strides = [1, 1]} : vector<256x512xi32> to vector<256x256xi32>
    %concatenate3A_1253 = tpu.concatenate %slice3A_1251, %slice3A_1252 in 1 : vector<256x256xi32>, vector<256x256xi32> -> vector<256x512xi32>
    %select_n3A_1254 = arith.select %eq3A_1240, %concatenate3A_1250, %concatenate3A_1253 : vector<256x512xi1>, vector<256x512xi32>
    %gt3A_1255 = arith.cmpf ogt, %select_n3A_1231, %select_n3A_1247 : vector<256x512xf32>
    %eq3A_1256 = arith.cmpf oeq, %select_n3A_1231, %select_n3A_1247 : vector<256x512xf32>
    %lt3A_1257 = arith.cmpi slt, %select_n3A_1232, %select_n3A_1254 : vector<256x512xi32>
    %and3A_1258 = arith.andi %eq3A_1256, %lt3A_1257 : vector<256x512xi1>
    %or3A_1259 = arith.ori %gt3A_1255, %and3A_1258 : vector<256x512xi1>
    %eq3A_1260 = arith.xori %eq3A_1240, %ge3A_1234 : vector<256x512xi1>
    %eq3A_1261 = arith.constant dense<true> : vector<256x512xi1>
    %eq3A_1262 = arith.xori %eq3A_1260, %eq3A_1261 : vector<256x512xi1>
    %eq3A_1263 = arith.xori %or3A_1259, %eq3A_1262 : vector<256x512xi1>
    %eq3A_1264 = arith.constant dense<true> : vector<256x512xi1>
    %eq3A_1265 = arith.xori %eq3A_1263, %eq3A_1264 : vector<256x512xi1>
    %select_n3A_1266 = arith.select %eq3A_1265, %select_n3A_1231, %select_n3A_1247 : vector<256x512xi1>, vector<256x512xf32>
    %select_n3A_1267 = arith.select %eq3A_1265, %select_n3A_1232, %select_n3A_1254 : vector<256x512xi1>, vector<256x512xi32>
    %and3A_1268 = arith.constant 128 : i32
    %and3A_1269 = vector.broadcast %and3A_1268 : i32 to vector<256x512xi32>
    %and3A_1270 = arith.andi %iota3A, %and3A_1269 : vector<256x512xi32>
    %eq3A_1271 = arith.constant 0 : i32
    %eq3A_1272 = vector.broadcast %eq3A_1271 : i32 to vector<256x512xi32>
    %eq3A_1273 = arith.cmpi eq, %and3A_1270, %eq3A_1272 : vector<256x512xi32>
    %slice3A_1274 = vector.extract_strided_slice %select_n3A_1266 {offsets = [0, 128], sizes = [256, 384], strides = [1, 1]} : vector<256x512xf32> to vector<256x384xf32>
    %slice3A_1275 = vector.extract_strided_slice %select_n3A_1266 {offsets = [0, 0], sizes = [256, 128], strides = [1, 1]} : vector<256x512xf32> to vector<256x128xf32>
    %concatenate3A_1276 = tpu.concatenate %slice3A_1274, %slice3A_1275 in 1 : vector<256x384xf32>, vector<256x128xf32> -> vector<256x512xf32>
    %slice3A_1277 = vector.extract_strided_slice %select_n3A_1266 {offsets = [0, 384], sizes = [256, 128], strides = [1, 1]} : vector<256x512xf32> to vector<256x128xf32>
    %slice3A_1278 = vector.extract_strided_slice %select_n3A_1266 {offsets = [0, 0], sizes = [256, 384], strides = [1, 1]} : vector<256x512xf32> to vector<256x384xf32>
    %concatenate3A_1279 = tpu.concatenate %slice3A_1277, %slice3A_1278 in 1 : vector<256x128xf32>, vector<256x384xf32> -> vector<256x512xf32>
    %select_n3A_1280 = arith.select %eq3A_1273, %concatenate3A_1276, %concatenate3A_1279 : vector<256x512xi1>, vector<256x512xf32>
    %slice3A_1281 = vector.extract_strided_slice %select_n3A_1267 {offsets = [0, 128], sizes = [256, 384], strides = [1, 1]} : vector<256x512xi32> to vector<256x384xi32>
    %slice3A_1282 = vector.extract_strided_slice %select_n3A_1267 {offsets = [0, 0], sizes = [256, 128], strides = [1, 1]} : vector<256x512xi32> to vector<256x128xi32>
    %concatenate3A_1283 = tpu.concatenate %slice3A_1281, %slice3A_1282 in 1 : vector<256x384xi32>, vector<256x128xi32> -> vector<256x512xi32>
    %slice3A_1284 = vector.extract_strided_slice %select_n3A_1267 {offsets = [0, 384], sizes = [256, 128], strides = [1, 1]} : vector<256x512xi32> to vector<256x128xi32>
    %slice3A_1285 = vector.extract_strided_slice %select_n3A_1267 {offsets = [0, 0], sizes = [256, 384], strides = [1, 1]} : vector<256x512xi32> to vector<256x384xi32>
    %concatenate3A_1286 = tpu.concatenate %slice3A_1284, %slice3A_1285 in 1 : vector<256x128xi32>, vector<256x384xi32> -> vector<256x512xi32>
    %select_n3A_1287 = arith.select %eq3A_1273, %concatenate3A_1283, %concatenate3A_1286 : vector<256x512xi1>, vector<256x512xi32>
    %gt3A_1288 = arith.cmpf ogt, %select_n3A_1266, %select_n3A_1280 : vector<256x512xf32>
    %eq3A_1289 = arith.cmpf oeq, %select_n3A_1266, %select_n3A_1280 : vector<256x512xf32>
    %lt3A_1290 = arith.cmpi slt, %select_n3A_1267, %select_n3A_1287 : vector<256x512xi32>
    %and3A_1291 = arith.andi %eq3A_1289, %lt3A_1290 : vector<256x512xi1>
    %or3A_1292 = arith.ori %gt3A_1288, %and3A_1291 : vector<256x512xi1>
    %eq3A_1293 = arith.xori %eq3A_1273, %ge3A_1234 : vector<256x512xi1>
    %eq3A_1294 = arith.constant dense<true> : vector<256x512xi1>
    %eq3A_1295 = arith.xori %eq3A_1293, %eq3A_1294 : vector<256x512xi1>
    %eq3A_1296 = arith.xori %or3A_1292, %eq3A_1295 : vector<256x512xi1>
    %eq3A_1297 = arith.constant dense<true> : vector<256x512xi1>
    %eq3A_1298 = arith.xori %eq3A_1296, %eq3A_1297 : vector<256x512xi1>
    %select_n3A_1299 = arith.select %eq3A_1298, %select_n3A_1266, %select_n3A_1280 : vector<256x512xi1>, vector<256x512xf32>
    %select_n3A_1300 = arith.select %eq3A_1298, %select_n3A_1267, %select_n3A_1287 : vector<256x512xi1>, vector<256x512xi32>
    %and3A_1301 = arith.constant 64 : i32
    %and3A_1302 = vector.broadcast %and3A_1301 : i32 to vector<256x512xi32>
    %and3A_1303 = arith.andi %iota3A, %and3A_1302 : vector<256x512xi32>
    %eq3A_1304 = arith.constant 0 : i32
    %eq3A_1305 = vector.broadcast %eq3A_1304 : i32 to vector<256x512xi32>
    %eq3A_1306 = arith.cmpi eq, %and3A_1303, %eq3A_1305 : vector<256x512xi32>
    %slice3A_1307 = vector.extract_strided_slice %select_n3A_1299 {offsets = [0, 64], sizes = [256, 448], strides = [1, 1]} : vector<256x512xf32> to vector<256x448xf32>
    %slice3A_1308 = vector.extract_strided_slice %select_n3A_1299 {offsets = [0, 0], sizes = [256, 64], strides = [1, 1]} : vector<256x512xf32> to vector<256x64xf32>
    %concatenate3A_1309 = tpu.concatenate %slice3A_1307, %slice3A_1308 in 1 : vector<256x448xf32>, vector<256x64xf32> -> vector<256x512xf32>
    %slice3A_1310 = vector.extract_strided_slice %select_n3A_1299 {offsets = [0, 448], sizes = [256, 64], strides = [1, 1]} : vector<256x512xf32> to vector<256x64xf32>
    %slice3A_1311 = vector.extract_strided_slice %select_n3A_1299 {offsets = [0, 0], sizes = [256, 448], strides = [1, 1]} : vector<256x512xf32> to vector<256x448xf32>
    %concatenate3A_1312 = tpu.concatenate %slice3A_1310, %slice3A_1311 in 1 : vector<256x64xf32>, vector<256x448xf32> -> vector<256x512xf32>
    %select_n3A_1313 = arith.select %eq3A_1306, %concatenate3A_1309, %concatenate3A_1312 : vector<256x512xi1>, vector<256x512xf32>
    %slice3A_1314 = vector.extract_strided_slice %select_n3A_1300 {offsets = [0, 64], sizes = [256, 448], strides = [1, 1]} : vector<256x512xi32> to vector<256x448xi32>
    %slice3A_1315 = vector.extract_strided_slice %select_n3A_1300 {offsets = [0, 0], sizes = [256, 64], strides = [1, 1]} : vector<256x512xi32> to vector<256x64xi32>
    %concatenate3A_1316 = tpu.concatenate %slice3A_1314, %slice3A_1315 in 1 : vector<256x448xi32>, vector<256x64xi32> -> vector<256x512xi32>
    %slice3A_1317 = vector.extract_strided_slice %select_n3A_1300 {offsets = [0, 448], sizes = [256, 64], strides = [1, 1]} : vector<256x512xi32> to vector<256x64xi32>
    %slice3A_1318 = vector.extract_strided_slice %select_n3A_1300 {offsets = [0, 0], sizes = [256, 448], strides = [1, 1]} : vector<256x512xi32> to vector<256x448xi32>
    %concatenate3A_1319 = tpu.concatenate %slice3A_1317, %slice3A_1318 in 1 : vector<256x64xi32>, vector<256x448xi32> -> vector<256x512xi32>
    %select_n3A_1320 = arith.select %eq3A_1306, %concatenate3A_1316, %concatenate3A_1319 : vector<256x512xi1>, vector<256x512xi32>
    %gt3A_1321 = arith.cmpf ogt, %select_n3A_1299, %select_n3A_1313 : vector<256x512xf32>
    %eq3A_1322 = arith.cmpf oeq, %select_n3A_1299, %select_n3A_1313 : vector<256x512xf32>
    %lt3A_1323 = arith.cmpi slt, %select_n3A_1300, %select_n3A_1320 : vector<256x512xi32>
    %and3A_1324 = arith.andi %eq3A_1322, %lt3A_1323 : vector<256x512xi1>
    %or3A_1325 = arith.ori %gt3A_1321, %and3A_1324 : vector<256x512xi1>
    %eq3A_1326 = arith.xori %eq3A_1306, %ge3A_1234 : vector<256x512xi1>
    %eq3A_1327 = arith.constant dense<true> : vector<256x512xi1>
    %eq3A_1328 = arith.xori %eq3A_1326, %eq3A_1327 : vector<256x512xi1>
    %eq3A_1329 = arith.xori %or3A_1325, %eq3A_1328 : vector<256x512xi1>
    %eq3A_1330 = arith.constant dense<true> : vector<256x512xi1>
    %eq3A_1331 = arith.xori %eq3A_1329, %eq3A_1330 : vector<256x512xi1>
    %select_n3A_1332 = arith.select %eq3A_1331, %select_n3A_1299, %select_n3A_1313 : vector<256x512xi1>, vector<256x512xf32>
    %select_n3A_1333 = arith.select %eq3A_1331, %select_n3A_1300, %select_n3A_1320 : vector<256x512xi1>, vector<256x512xi32>
    %and3A_1334 = arith.constant 32 : i32
    %and3A_1335 = vector.broadcast %and3A_1334 : i32 to vector<256x512xi32>
    %and3A_1336 = arith.andi %iota3A, %and3A_1335 : vector<256x512xi32>
    %eq3A_1337 = arith.constant 0 : i32
    %eq3A_1338 = vector.broadcast %eq3A_1337 : i32 to vector<256x512xi32>
    %eq3A_1339 = arith.cmpi eq, %and3A_1336, %eq3A_1338 : vector<256x512xi32>
    %slice3A_1340 = vector.extract_strided_slice %select_n3A_1332 {offsets = [0, 32], sizes = [256, 480], strides = [1, 1]} : vector<256x512xf32> to vector<256x480xf32>
    %slice3A_1341 = vector.extract_strided_slice %select_n3A_1332 {offsets = [0, 0], sizes = [256, 32], strides = [1, 1]} : vector<256x512xf32> to vector<256x32xf32>
    %concatenate3A_1342 = tpu.concatenate %slice3A_1340, %slice3A_1341 in 1 : vector<256x480xf32>, vector<256x32xf32> -> vector<256x512xf32>
    %slice3A_1343 = vector.extract_strided_slice %select_n3A_1332 {offsets = [0, 480], sizes = [256, 32], strides = [1, 1]} : vector<256x512xf32> to vector<256x32xf32>
    %slice3A_1344 = vector.extract_strided_slice %select_n3A_1332 {offsets = [0, 0], sizes = [256, 480], strides = [1, 1]} : vector<256x512xf32> to vector<256x480xf32>
    %concatenate3A_1345 = tpu.concatenate %slice3A_1343, %slice3A_1344 in 1 : vector<256x32xf32>, vector<256x480xf32> -> vector<256x512xf32>
    %select_n3A_1346 = arith.select %eq3A_1339, %concatenate3A_1342, %concatenate3A_1345 : vector<256x512xi1>, vector<256x512xf32>
    %slice3A_1347 = vector.extract_strided_slice %select_n3A_1333 {offsets = [0, 32], sizes = [256, 480], strides = [1, 1]} : vector<256x512xi32> to vector<256x480xi32>
    %slice3A_1348 = vector.extract_strided_slice %select_n3A_1333 {offsets = [0, 0], sizes = [256, 32], strides = [1, 1]} : vector<256x512xi32> to vector<256x32xi32>
    %concatenate3A_1349 = tpu.concatenate %slice3A_1347, %slice3A_1348 in 1 : vector<256x480xi32>, vector<256x32xi32> -> vector<256x512xi32>
    %slice3A_1350 = vector.extract_strided_slice %select_n3A_1333 {offsets = [0, 480], sizes = [256, 32], strides = [1, 1]} : vector<256x512xi32> to vector<256x32xi32>
    %slice3A_1351 = vector.extract_strided_slice %select_n3A_1333 {offsets = [0, 0], sizes = [256, 480], strides = [1, 1]} : vector<256x512xi32> to vector<256x480xi32>
    %concatenate3A_1352 = tpu.concatenate %slice3A_1350, %slice3A_1351 in 1 : vector<256x32xi32>, vector<256x480xi32> -> vector<256x512xi32>
    %select_n3A_1353 = arith.select %eq3A_1339, %concatenate3A_1349, %concatenate3A_1352 : vector<256x512xi1>, vector<256x512xi32>
    %gt3A_1354 = arith.cmpf ogt, %select_n3A_1332, %select_n3A_1346 : vector<256x512xf32>
    %eq3A_1355 = arith.cmpf oeq, %select_n3A_1332, %select_n3A_1346 : vector<256x512xf32>
    %lt3A_1356 = arith.cmpi slt, %select_n3A_1333, %select_n3A_1353 : vector<256x512xi32>
    %and3A_1357 = arith.andi %eq3A_1355, %lt3A_1356 : vector<256x512xi1>
    %or3A_1358 = arith.ori %gt3A_1354, %and3A_1357 : vector<256x512xi1>
    %eq3A_1359 = arith.xori %eq3A_1339, %ge3A_1234 : vector<256x512xi1>
    %eq3A_1360 = arith.constant dense<true> : vector<256x512xi1>
    %eq3A_1361 = arith.xori %eq3A_1359, %eq3A_1360 : vector<256x512xi1>
    %eq3A_1362 = arith.xori %or3A_1358, %eq3A_1361 : vector<256x512xi1>
    %eq3A_1363 = arith.constant dense<true> : vector<256x512xi1>
    %eq3A_1364 = arith.xori %eq3A_1362, %eq3A_1363 : vector<256x512xi1>
    %select_n3A_1365 = arith.select %eq3A_1364, %select_n3A_1332, %select_n3A_1346 : vector<256x512xi1>, vector<256x512xf32>
    %select_n3A_1366 = arith.select %eq3A_1364, %select_n3A_1333, %select_n3A_1353 : vector<256x512xi1>, vector<256x512xi32>
    %and3A_1367 = arith.constant 16 : i32
    %and3A_1368 = vector.broadcast %and3A_1367 : i32 to vector<256x512xi32>
    %and3A_1369 = arith.andi %iota3A, %and3A_1368 : vector<256x512xi32>
    %eq3A_1370 = arith.constant 0 : i32
    %eq3A_1371 = vector.broadcast %eq3A_1370 : i32 to vector<256x512xi32>
    %eq3A_1372 = arith.cmpi eq, %and3A_1369, %eq3A_1371 : vector<256x512xi32>
    %slice3A_1373 = vector.extract_strided_slice %select_n3A_1365 {offsets = [0, 16], sizes = [256, 496], strides = [1, 1]} : vector<256x512xf32> to vector<256x496xf32>
    %slice3A_1374 = vector.extract_strided_slice %select_n3A_1365 {offsets = [0, 0], sizes = [256, 16], strides = [1, 1]} : vector<256x512xf32> to vector<256x16xf32>
    %concatenate3A_1375 = tpu.concatenate %slice3A_1373, %slice3A_1374 in 1 : vector<256x496xf32>, vector<256x16xf32> -> vector<256x512xf32>
    %slice3A_1376 = vector.extract_strided_slice %select_n3A_1365 {offsets = [0, 496], sizes = [256, 16], strides = [1, 1]} : vector<256x512xf32> to vector<256x16xf32>
    %slice3A_1377 = vector.extract_strided_slice %select_n3A_1365 {offsets = [0, 0], sizes = [256, 496], strides = [1, 1]} : vector<256x512xf32> to vector<256x496xf32>
    %concatenate3A_1378 = tpu.concatenate %slice3A_1376, %slice3A_1377 in 1 : vector<256x16xf32>, vector<256x496xf32> -> vector<256x512xf32>
    %select_n3A_1379 = arith.select %eq3A_1372, %concatenate3A_1375, %concatenate3A_1378 : vector<256x512xi1>, vector<256x512xf32>
    %slice3A_1380 = vector.extract_strided_slice %select_n3A_1366 {offsets = [0, 16], sizes = [256, 496], strides = [1, 1]} : vector<256x512xi32> to vector<256x496xi32>
    %slice3A_1381 = vector.extract_strided_slice %select_n3A_1366 {offsets = [0, 0], sizes = [256, 16], strides = [1, 1]} : vector<256x512xi32> to vector<256x16xi32>
    %concatenate3A_1382 = tpu.concatenate %slice3A_1380, %slice3A_1381 in 1 : vector<256x496xi32>, vector<256x16xi32> -> vector<256x512xi32>
    %slice3A_1383 = vector.extract_strided_slice %select_n3A_1366 {offsets = [0, 496], sizes = [256, 16], strides = [1, 1]} : vector<256x512xi32> to vector<256x16xi32>
    %slice3A_1384 = vector.extract_strided_slice %select_n3A_1366 {offsets = [0, 0], sizes = [256, 496], strides = [1, 1]} : vector<256x512xi32> to vector<256x496xi32>
    %concatenate3A_1385 = tpu.concatenate %slice3A_1383, %slice3A_1384 in 1 : vector<256x16xi32>, vector<256x496xi32> -> vector<256x512xi32>
    %select_n3A_1386 = arith.select %eq3A_1372, %concatenate3A_1382, %concatenate3A_1385 : vector<256x512xi1>, vector<256x512xi32>
    %gt3A_1387 = arith.cmpf ogt, %select_n3A_1365, %select_n3A_1379 : vector<256x512xf32>
    %eq3A_1388 = arith.cmpf oeq, %select_n3A_1365, %select_n3A_1379 : vector<256x512xf32>
    %lt3A_1389 = arith.cmpi slt, %select_n3A_1366, %select_n3A_1386 : vector<256x512xi32>
    %and3A_1390 = arith.andi %eq3A_1388, %lt3A_1389 : vector<256x512xi1>
    %or3A_1391 = arith.ori %gt3A_1387, %and3A_1390 : vector<256x512xi1>
    %eq3A_1392 = arith.xori %eq3A_1372, %ge3A_1234 : vector<256x512xi1>
    %eq3A_1393 = arith.constant dense<true> : vector<256x512xi1>
    %eq3A_1394 = arith.xori %eq3A_1392, %eq3A_1393 : vector<256x512xi1>
    %eq3A_1395 = arith.xori %or3A_1391, %eq3A_1394 : vector<256x512xi1>
    %eq3A_1396 = arith.constant dense<true> : vector<256x512xi1>
    %eq3A_1397 = arith.xori %eq3A_1395, %eq3A_1396 : vector<256x512xi1>
    %select_n3A_1398 = arith.select %eq3A_1397, %select_n3A_1365, %select_n3A_1379 : vector<256x512xi1>, vector<256x512xf32>
    %select_n3A_1399 = arith.select %eq3A_1397, %select_n3A_1366, %select_n3A_1386 : vector<256x512xi1>, vector<256x512xi32>
    %and3A_1400 = arith.constant 8 : i32
    %and3A_1401 = vector.broadcast %and3A_1400 : i32 to vector<256x512xi32>
    %and3A_1402 = arith.andi %iota3A, %and3A_1401 : vector<256x512xi32>
    %eq3A_1403 = arith.constant 0 : i32
    %eq3A_1404 = vector.broadcast %eq3A_1403 : i32 to vector<256x512xi32>
    %eq3A_1405 = arith.cmpi eq, %and3A_1402, %eq3A_1404 : vector<256x512xi32>
    %slice3A_1406 = vector.extract_strided_slice %select_n3A_1398 {offsets = [0, 8], sizes = [256, 504], strides = [1, 1]} : vector<256x512xf32> to vector<256x504xf32>
    %slice3A_1407 = vector.extract_strided_slice %select_n3A_1398 {offsets = [0, 0], sizes = [256, 8], strides = [1, 1]} : vector<256x512xf32> to vector<256x8xf32>
    %concatenate3A_1408 = tpu.concatenate %slice3A_1406, %slice3A_1407 in 1 : vector<256x504xf32>, vector<256x8xf32> -> vector<256x512xf32>
    %slice3A_1409 = vector.extract_strided_slice %select_n3A_1398 {offsets = [0, 504], sizes = [256, 8], strides = [1, 1]} : vector<256x512xf32> to vector<256x8xf32>
    %slice3A_1410 = vector.extract_strided_slice %select_n3A_1398 {offsets = [0, 0], sizes = [256, 504], strides = [1, 1]} : vector<256x512xf32> to vector<256x504xf32>
    %concatenate3A_1411 = tpu.concatenate %slice3A_1409, %slice3A_1410 in 1 : vector<256x8xf32>, vector<256x504xf32> -> vector<256x512xf32>
    %select_n3A_1412 = arith.select %eq3A_1405, %concatenate3A_1408, %concatenate3A_1411 : vector<256x512xi1>, vector<256x512xf32>
    %slice3A_1413 = vector.extract_strided_slice %select_n3A_1399 {offsets = [0, 8], sizes = [256, 504], strides = [1, 1]} : vector<256x512xi32> to vector<256x504xi32>
    %slice3A_1414 = vector.extract_strided_slice %select_n3A_1399 {offsets = [0, 0], sizes = [256, 8], strides = [1, 1]} : vector<256x512xi32> to vector<256x8xi32>
    %concatenate3A_1415 = tpu.concatenate %slice3A_1413, %slice3A_1414 in 1 : vector<256x504xi32>, vector<256x8xi32> -> vector<256x512xi32>
    %slice3A_1416 = vector.extract_strided_slice %select_n3A_1399 {offsets = [0, 504], sizes = [256, 8], strides = [1, 1]} : vector<256x512xi32> to vector<256x8xi32>
    %slice3A_1417 = vector.extract_strided_slice %select_n3A_1399 {offsets = [0, 0], sizes = [256, 504], strides = [1, 1]} : vector<256x512xi32> to vector<256x504xi32>
    %concatenate3A_1418 = tpu.concatenate %slice3A_1416, %slice3A_1417 in 1 : vector<256x8xi32>, vector<256x504xi32> -> vector<256x512xi32>
    %select_n3A_1419 = arith.select %eq3A_1405, %concatenate3A_1415, %concatenate3A_1418 : vector<256x512xi1>, vector<256x512xi32>
    %gt3A_1420 = arith.cmpf ogt, %select_n3A_1398, %select_n3A_1412 : vector<256x512xf32>
    %eq3A_1421 = arith.cmpf oeq, %select_n3A_1398, %select_n3A_1412 : vector<256x512xf32>
    %lt3A_1422 = arith.cmpi slt, %select_n3A_1399, %select_n3A_1419 : vector<256x512xi32>
    %and3A_1423 = arith.andi %eq3A_1421, %lt3A_1422 : vector<256x512xi1>
    %or3A_1424 = arith.ori %gt3A_1420, %and3A_1423 : vector<256x512xi1>
    %eq3A_1425 = arith.xori %eq3A_1405, %ge3A_1234 : vector<256x512xi1>
    %eq3A_1426 = arith.constant dense<true> : vector<256x512xi1>
    %eq3A_1427 = arith.xori %eq3A_1425, %eq3A_1426 : vector<256x512xi1>
    %eq3A_1428 = arith.xori %or3A_1424, %eq3A_1427 : vector<256x512xi1>
    %eq3A_1429 = arith.constant dense<true> : vector<256x512xi1>
    %eq3A_1430 = arith.xori %eq3A_1428, %eq3A_1429 : vector<256x512xi1>
    %select_n3A_1431 = arith.select %eq3A_1430, %select_n3A_1398, %select_n3A_1412 : vector<256x512xi1>, vector<256x512xf32>
    %select_n3A_1432 = arith.select %eq3A_1430, %select_n3A_1399, %select_n3A_1419 : vector<256x512xi1>, vector<256x512xi32>
    %and3A_1433 = arith.constant 4 : i32
    %and3A_1434 = vector.broadcast %and3A_1433 : i32 to vector<256x512xi32>
    %and3A_1435 = arith.andi %iota3A, %and3A_1434 : vector<256x512xi32>
    %eq3A_1436 = arith.constant 0 : i32
    %eq3A_1437 = vector.broadcast %eq3A_1436 : i32 to vector<256x512xi32>
    %eq3A_1438 = arith.cmpi eq, %and3A_1435, %eq3A_1437 : vector<256x512xi32>
    %slice3A_1439 = vector.extract_strided_slice %select_n3A_1431 {offsets = [0, 4], sizes = [256, 508], strides = [1, 1]} : vector<256x512xf32> to vector<256x508xf32>
    %slice3A_1440 = vector.extract_strided_slice %select_n3A_1431 {offsets = [0, 0], sizes = [256, 4], strides = [1, 1]} : vector<256x512xf32> to vector<256x4xf32>
    %concatenate3A_1441 = tpu.concatenate %slice3A_1439, %slice3A_1440 in 1 : vector<256x508xf32>, vector<256x4xf32> -> vector<256x512xf32>
    %slice3A_1442 = vector.extract_strided_slice %select_n3A_1431 {offsets = [0, 508], sizes = [256, 4], strides = [1, 1]} : vector<256x512xf32> to vector<256x4xf32>
    %slice3A_1443 = vector.extract_strided_slice %select_n3A_1431 {offsets = [0, 0], sizes = [256, 508], strides = [1, 1]} : vector<256x512xf32> to vector<256x508xf32>
    %concatenate3A_1444 = tpu.concatenate %slice3A_1442, %slice3A_1443 in 1 : vector<256x4xf32>, vector<256x508xf32> -> vector<256x512xf32>
    %select_n3A_1445 = arith.select %eq3A_1438, %concatenate3A_1441, %concatenate3A_1444 : vector<256x512xi1>, vector<256x512xf32>
    %slice3A_1446 = vector.extract_strided_slice %select_n3A_1432 {offsets = [0, 4], sizes = [256, 508], strides = [1, 1]} : vector<256x512xi32> to vector<256x508xi32>
    %slice3A_1447 = vector.extract_strided_slice %select_n3A_1432 {offsets = [0, 0], sizes = [256, 4], strides = [1, 1]} : vector<256x512xi32> to vector<256x4xi32>
    %concatenate3A_1448 = tpu.concatenate %slice3A_1446, %slice3A_1447 in 1 : vector<256x508xi32>, vector<256x4xi32> -> vector<256x512xi32>
    %slice3A_1449 = vector.extract_strided_slice %select_n3A_1432 {offsets = [0, 508], sizes = [256, 4], strides = [1, 1]} : vector<256x512xi32> to vector<256x4xi32>
    %slice3A_1450 = vector.extract_strided_slice %select_n3A_1432 {offsets = [0, 0], sizes = [256, 508], strides = [1, 1]} : vector<256x512xi32> to vector<256x508xi32>
    %concatenate3A_1451 = tpu.concatenate %slice3A_1449, %slice3A_1450 in 1 : vector<256x4xi32>, vector<256x508xi32> -> vector<256x512xi32>
    %select_n3A_1452 = arith.select %eq3A_1438, %concatenate3A_1448, %concatenate3A_1451 : vector<256x512xi1>, vector<256x512xi32>
    %gt3A_1453 = arith.cmpf ogt, %select_n3A_1431, %select_n3A_1445 : vector<256x512xf32>
    %eq3A_1454 = arith.cmpf oeq, %select_n3A_1431, %select_n3A_1445 : vector<256x512xf32>
    %lt3A_1455 = arith.cmpi slt, %select_n3A_1432, %select_n3A_1452 : vector<256x512xi32>
    %and3A_1456 = arith.andi %eq3A_1454, %lt3A_1455 : vector<256x512xi1>
    %or3A_1457 = arith.ori %gt3A_1453, %and3A_1456 : vector<256x512xi1>
    %eq3A_1458 = arith.xori %eq3A_1438, %ge3A_1234 : vector<256x512xi1>
    %eq3A_1459 = arith.constant dense<true> : vector<256x512xi1>
    %eq3A_1460 = arith.xori %eq3A_1458, %eq3A_1459 : vector<256x512xi1>
    %eq3A_1461 = arith.xori %or3A_1457, %eq3A_1460 : vector<256x512xi1>
    %eq3A_1462 = arith.constant dense<true> : vector<256x512xi1>
    %eq3A_1463 = arith.xori %eq3A_1461, %eq3A_1462 : vector<256x512xi1>
    %select_n3A_1464 = arith.select %eq3A_1463, %select_n3A_1431, %select_n3A_1445 : vector<256x512xi1>, vector<256x512xf32>
    %select_n3A_1465 = arith.select %eq3A_1463, %select_n3A_1432, %select_n3A_1452 : vector<256x512xi1>, vector<256x512xi32>
    %and3A_1466 = arith.constant 2 : i32
    %and3A_1467 = vector.broadcast %and3A_1466 : i32 to vector<256x512xi32>
    %and3A_1468 = arith.andi %iota3A, %and3A_1467 : vector<256x512xi32>
    %eq3A_1469 = arith.constant 0 : i32
    %eq3A_1470 = vector.broadcast %eq3A_1469 : i32 to vector<256x512xi32>
    %eq3A_1471 = arith.cmpi eq, %and3A_1468, %eq3A_1470 : vector<256x512xi32>
    %slice3A_1472 = vector.extract_strided_slice %select_n3A_1464 {offsets = [0, 2], sizes = [256, 510], strides = [1, 1]} : vector<256x512xf32> to vector<256x510xf32>
    %slice3A_1473 = vector.extract_strided_slice %select_n3A_1464 {offsets = [0, 0], sizes = [256, 2], strides = [1, 1]} : vector<256x512xf32> to vector<256x2xf32>
    %concatenate3A_1474 = tpu.concatenate %slice3A_1472, %slice3A_1473 in 1 : vector<256x510xf32>, vector<256x2xf32> -> vector<256x512xf32>
    %slice3A_1475 = vector.extract_strided_slice %select_n3A_1464 {offsets = [0, 510], sizes = [256, 2], strides = [1, 1]} : vector<256x512xf32> to vector<256x2xf32>
    %slice3A_1476 = vector.extract_strided_slice %select_n3A_1464 {offsets = [0, 0], sizes = [256, 510], strides = [1, 1]} : vector<256x512xf32> to vector<256x510xf32>
    %concatenate3A_1477 = tpu.concatenate %slice3A_1475, %slice3A_1476 in 1 : vector<256x2xf32>, vector<256x510xf32> -> vector<256x512xf32>
    %select_n3A_1478 = arith.select %eq3A_1471, %concatenate3A_1474, %concatenate3A_1477 : vector<256x512xi1>, vector<256x512xf32>
    %slice3A_1479 = vector.extract_strided_slice %select_n3A_1465 {offsets = [0, 2], sizes = [256, 510], strides = [1, 1]} : vector<256x512xi32> to vector<256x510xi32>
    %slice3A_1480 = vector.extract_strided_slice %select_n3A_1465 {offsets = [0, 0], sizes = [256, 2], strides = [1, 1]} : vector<256x512xi32> to vector<256x2xi32>
    %concatenate3A_1481 = tpu.concatenate %slice3A_1479, %slice3A_1480 in 1 : vector<256x510xi32>, vector<256x2xi32> -> vector<256x512xi32>
    %slice3A_1482 = vector.extract_strided_slice %select_n3A_1465 {offsets = [0, 510], sizes = [256, 2], strides = [1, 1]} : vector<256x512xi32> to vector<256x2xi32>
    %slice3A_1483 = vector.extract_strided_slice %select_n3A_1465 {offsets = [0, 0], sizes = [256, 510], strides = [1, 1]} : vector<256x512xi32> to vector<256x510xi32>
    %concatenate3A_1484 = tpu.concatenate %slice3A_1482, %slice3A_1483 in 1 : vector<256x2xi32>, vector<256x510xi32> -> vector<256x512xi32>
    %select_n3A_1485 = arith.select %eq3A_1471, %concatenate3A_1481, %concatenate3A_1484 : vector<256x512xi1>, vector<256x512xi32>
    %gt3A_1486 = arith.cmpf ogt, %select_n3A_1464, %select_n3A_1478 : vector<256x512xf32>
    %eq3A_1487 = arith.cmpf oeq, %select_n3A_1464, %select_n3A_1478 : vector<256x512xf32>
    %lt3A_1488 = arith.cmpi slt, %select_n3A_1465, %select_n3A_1485 : vector<256x512xi32>
    %and3A_1489 = arith.andi %eq3A_1487, %lt3A_1488 : vector<256x512xi1>
    %or3A_1490 = arith.ori %gt3A_1486, %and3A_1489 : vector<256x512xi1>
    %eq3A_1491 = arith.xori %eq3A_1471, %ge3A_1234 : vector<256x512xi1>
    %eq3A_1492 = arith.constant dense<true> : vector<256x512xi1>
    %eq3A_1493 = arith.xori %eq3A_1491, %eq3A_1492 : vector<256x512xi1>
    %eq3A_1494 = arith.xori %or3A_1490, %eq3A_1493 : vector<256x512xi1>
    %eq3A_1495 = arith.constant dense<true> : vector<256x512xi1>
    %eq3A_1496 = arith.xori %eq3A_1494, %eq3A_1495 : vector<256x512xi1>
    %select_n3A_1497 = arith.select %eq3A_1496, %select_n3A_1464, %select_n3A_1478 : vector<256x512xi1>, vector<256x512xf32>
    %select_n3A_1498 = arith.select %eq3A_1496, %select_n3A_1465, %select_n3A_1485 : vector<256x512xi1>, vector<256x512xi32>
    %and3A_1499 = arith.constant 1 : i32
    %and3A_1500 = vector.broadcast %and3A_1499 : i32 to vector<256x512xi32>
    %and3A_1501 = arith.andi %iota3A, %and3A_1500 : vector<256x512xi32>
    %eq3A_1502 = arith.constant 0 : i32
    %eq3A_1503 = vector.broadcast %eq3A_1502 : i32 to vector<256x512xi32>
    %eq3A_1504 = arith.cmpi eq, %and3A_1501, %eq3A_1503 : vector<256x512xi32>
    %slice3A_1505 = vector.extract_strided_slice %select_n3A_1497 {offsets = [0, 1], sizes = [256, 511], strides = [1, 1]} : vector<256x512xf32> to vector<256x511xf32>
    %slice3A_1506 = vector.extract_strided_slice %select_n3A_1497 {offsets = [0, 0], sizes = [256, 1], strides = [1, 1]} : vector<256x512xf32> to vector<256x1xf32>
    %concatenate3A_1507 = tpu.concatenate %slice3A_1505, %slice3A_1506 in 1 : vector<256x511xf32>, vector<256x1xf32> -> vector<256x512xf32>
    %slice3A_1508 = vector.extract_strided_slice %select_n3A_1497 {offsets = [0, 511], sizes = [256, 1], strides = [1, 1]} : vector<256x512xf32> to vector<256x1xf32>
    %slice3A_1509 = vector.extract_strided_slice %select_n3A_1497 {offsets = [0, 0], sizes = [256, 511], strides = [1, 1]} : vector<256x512xf32> to vector<256x511xf32>
    %concatenate3A_1510 = tpu.concatenate %slice3A_1508, %slice3A_1509 in 1 : vector<256x1xf32>, vector<256x511xf32> -> vector<256x512xf32>
    %select_n3A_1511 = arith.select %eq3A_1504, %concatenate3A_1507, %concatenate3A_1510 : vector<256x512xi1>, vector<256x512xf32>
    %slice3A_1512 = vector.extract_strided_slice %select_n3A_1498 {offsets = [0, 1], sizes = [256, 511], strides = [1, 1]} : vector<256x512xi32> to vector<256x511xi32>
    %slice3A_1513 = vector.extract_strided_slice %select_n3A_1498 {offsets = [0, 0], sizes = [256, 1], strides = [1, 1]} : vector<256x512xi32> to vector<256x1xi32>
    %concatenate3A_1514 = tpu.concatenate %slice3A_1512, %slice3A_1513 in 1 : vector<256x511xi32>, vector<256x1xi32> -> vector<256x512xi32>
    %slice3A_1515 = vector.extract_strided_slice %select_n3A_1498 {offsets = [0, 511], sizes = [256, 1], strides = [1, 1]} : vector<256x512xi32> to vector<256x1xi32>
    %slice3A_1516 = vector.extract_strided_slice %select_n3A_1498 {offsets = [0, 0], sizes = [256, 511], strides = [1, 1]} : vector<256x512xi32> to vector<256x511xi32>
    %concatenate3A_1517 = tpu.concatenate %slice3A_1515, %slice3A_1516 in 1 : vector<256x1xi32>, vector<256x511xi32> -> vector<256x512xi32>
    %select_n3A_1518 = arith.select %eq3A_1504, %concatenate3A_1514, %concatenate3A_1517 : vector<256x512xi1>, vector<256x512xi32>
    %gt3A_1519 = arith.cmpf ogt, %select_n3A_1497, %select_n3A_1511 : vector<256x512xf32>
    %eq3A_1520 = arith.cmpf oeq, %select_n3A_1497, %select_n3A_1511 : vector<256x512xf32>
    %lt3A_1521 = arith.cmpi slt, %select_n3A_1498, %select_n3A_1518 : vector<256x512xi32>
    %and3A_1522 = arith.andi %eq3A_1520, %lt3A_1521 : vector<256x512xi1>
    %or3A_1523 = arith.ori %gt3A_1519, %and3A_1522 : vector<256x512xi1>
    %eq3A_1524 = arith.xori %eq3A_1504, %ge3A_1234 : vector<256x512xi1>
    %eq3A_1525 = arith.constant dense<true> : vector<256x512xi1>
    %eq3A_1526 = arith.xori %eq3A_1524, %eq3A_1525 : vector<256x512xi1>
    %eq3A_1527 = arith.xori %or3A_1523, %eq3A_1526 : vector<256x512xi1>
    %eq3A_1528 = arith.constant dense<true> : vector<256x512xi1>
    %eq3A_1529 = arith.xori %eq3A_1527, %eq3A_1528 : vector<256x512xi1>
    %select_n3A_1530 = arith.select %eq3A_1529, %select_n3A_1497, %select_n3A_1511 : vector<256x512xi1>, vector<256x512xf32>
    %select_n3A_1531 = arith.select %eq3A_1529, %select_n3A_1498, %select_n3A_1518 : vector<256x512xi1>, vector<256x512xi32>
    %swap3A = arith.constant 0 : index
    %swap3A_1532 = arith.constant 0 : index
    %swap3A_1533 = vector.load %arg3[%swap3A, %swap3A_1532] : memref<256x512xf32, #tpu.memory_space<vmem>>, vector<256x512xf32>
    tpu.vector_store %arg3[%swap3A, %swap3A_1532], %select_n3A_1530 {strides = array<i32>} : memref<256x512xf32, #tpu.memory_space<vmem>>, vector<256x512xf32>,
    %swap3A_1534 = arith.constant 0 : index
    %swap3A_1535 = arith.constant 0 : index
    %swap3A_1536 = vector.load %arg4[%swap3A_1534, %swap3A_1535] : memref<256x512xi32, #tpu.memory_space<vmem>>, vector<256x512xi32>
    tpu.vector_store %arg4[%swap3A_1534, %swap3A_1535], %select_n3A_1531 {strides = array<i32>} : memref<256x512xi32, #tpu.memory_space<vmem>>, vector<256x512xi32>,
    return
  }
  func.func @transform_0(%arg0: i32) -> (i32, i32) {
    %c0_i32 = arith.constant 0 : i32
    %c0_i32_0 = arith.constant 0 : i32
    return %arg0, %c0_i32 : i32, i32
  }
  func.func @transform_1(%arg0: i32) -> (i32, i32) {
    %c0_i32 = arith.constant 0 : i32
    %c0_i32_0 = arith.constant 0 : i32
    return %arg0, %c0_i32 : i32, i32
  }
  func.func @transform_2(%arg0: i32) -> (i32, i32) {
    %c0_i32 = arith.constant 0 : i32
    %c0_i32_0 = arith.constant 0 : i32
    return %arg0, %c0_i32 : i32, i32
  }
  func.func @transform_3(%arg0: i32) -> (i32, i32) {
    %c0_i32 = arith.constant 0 : i32
    %c0_i32_0 = arith.constant 0 : i32
    return %arg0, %c0_i32 : i32, i32
  }
}

</mosaic_0001>

<sc_bundles>
// kernel: gather_offload_async_start.1
scs
__scs_entry_jumppad:
0x0: {  	(pc) =	sbr.rel $0x88, $3  }
0x1: {  	(tag) =	ssettag $0x0;
	lr =	simm.s32 $0x1  }
0x2: {  	[smem:$0x3F97] =	sst lr;
	_ =	strace $0xD0000000  }
0x3: {  	_ = 	snop  }
0x4: {  	_ = 	snop  }
0x5: {  	_ = 	snop  }
0x6: {  	_ = 	snop  }
0x7: {  	_ = 	snop  }
__scs_overlays_trampoline_lowered:
0x8: {  	[smem:$0x3FA6] =	sst s0  }
0x9: {  	[smem:$0x3FA7] =	sst s1  }
0xa: {  	[smem:$0x3FA8] =	sst s2  }
0xb: {  	[smem:$0x3FA9] =	sst s3  }
0xc: {  	[smem:$0x3FAA] =	sst s4  }
0xd: {  	[smem:$0x3FAB] =	sst s5  }
0xe: {  	[smem:$0x3FAC] =	sst s6  }
0xf: {  	[smem:$0x3FAD] =	sst s7  }
0x10: {  	[smem:$0x3FAE] =	sst s8  }
0x11: {  	[smem:$0x3FAF] =	sst s9;
	s0 =	simm.s32 @!p0 $0x0  }
0x12: {  	s1 =	sld [smem:$0x3F95];
	s0 =	simm.s32 @p0 $0x1  }
0x13: {  	[smem:$0x3FB0] =	sst s0;
	s0 =	simm.s32 @!p1 $0x0  }
0x14: {  	s2 =	sld [smem:$0x3F94];
	s0 =	simm.s32 @p1 $0x1  }
0x15: {  	[smem:$0x3FB1] =	sst s0;
	s0 =	simm.s32 @!p2 $0x0  }
0x16: {  	s3 =	sld [smem:$0x3FDB];
	s0 =	simm.s32 @p2 $0x1  }
0x17: {  	s4 =	simm.s32 $0x1BF5;
	[smem:$0x3FB3] =	sst s0  }
0x18: {  	s0 =	sld [smem:$0x3F96];
	_ =	swait.ge [sflag:s4], $0x0  }
0x19: {  	s7 =	sld [smem:$0x3F97]  }
0x1a: {  	s8 =	sadd.s32 $0xFFFFE003, lr  }
0x1b: {  	s9 =	sadd.s32 $0xFFFFFEF7, lr;
	s5 =	simm.s32 $0xFFFFFFFF;
	p2 =	slt.u32 s8, $0xFFFFF086  }
0x1c: {  	p1 =	slt.u32 s9, $0xF7A;
	s5 =	simm.s32 @!p2 $0x0  }
0x1d: {  	s5 =	simm.s32 @p1 $0x1;
	p0 =	seq.s32 s7, s2  }
0x1e: {  	s7 =	smul.u32 @!p0 $0xF7A, s2;
	p2 =	seq.s32 @!p0 s5, $0x0  }
0x1f: {  	s9 =	smul.u32 $0xF7A, s1;
	s8 =	simm.s32 @!p0 $0x1BF5;
	p2 =	por !p2, p0  }
0x20: {  	[sflag:s8] =	ssyncset.s32 @!p0 $0xFFFFF086;
	s6 =	sadd.s32 @!p0 s3, s7;
	s7 =	simm.s32 @!p0 $0x108  }
0x21: {  	s3 =	sadd.s32 s3, s9;
	s6 =	sadd.s32 @!p0 $0x88, s6;
	s7 =	simm.s32 @p2 $0x1082  }
0x22: {  	[simem:s7], [sflag:s8] =	dma.local @!p0 [hbm:s6], $0xF7A  }
0x23: {  	s9 =	sor.u32 $0xD0000000, s2;
	s6 =	simm.s32 $0x108;
	_ =	swait.ge @!p0 [sflag:s8], $0x0  }
0x24: {  	s3 =	sadd.s32 $0x88, s3;
	s6 =	simm.s32 @!p1 $0x1082;
	[sflag:s4] =	ssyncset.s32 $0xFFFFF086  }
0x25: {  	[simem:s6], [sflag:s4] =	dma.local [hbm:s3], $0xF7A  }
0x26: {  	[smem:$0x3F97] =	sst s1;
	(tag) =	ssettag s2;
	_ =	strace s9  }
0x27: {  	s1 =	sld [smem:$0x3FA7]  }
0x28: {  	s2 =	sld [smem:$0x3FA8]  }
0x29: {  	s4 =	sld [smem:$0x3FAA]  }
0x2a: {  	p0 =	seq.s32 s5, $0x0;
	s5 =	sld [smem:$0x3FAB]  }
0x2b: {  	s6 =	sld [smem:$0x3FAC]  }
0x2c: {  	s7 =	sld [smem:$0x3FAD]  }
0x2d: {  	s3 =	simm.s32 $0x108;
	s8 =	sld [smem:$0x3FAE]  }
0x2e: {  	s3 =	simm.s32 @!p0 $0x1082;
	s9 =	sld [smem:$0x3FAF]  }
0x2f: {  	lr =	sadd.s32 s0, s3;
	s0 =	sld [smem:$0x3FA6]  }
0x30: {  	s3 =	sld [smem:$0x3FA9]  }
0x31: {  	[smem:$0x3FB2] =	sst s10  }
0x32: {  	s10 =	sld [smem:$0x3FB0];
	_ =	sdelay $0x3  }
0x33: {  	p0 =	seq.s32 s10, $0x1;
	s10 =	sld [smem:$0x3FB2];
	_ =	sdelay $0x3  }
0x34: {  	[smem:$0x3FB2] =	sst s10  }
0x35: {  	s10 =	sld [smem:$0x3FB1];
	_ =	sdelay $0x3  }
0x36: {  	p1 =	seq.s32 s10, $0x1;
	s10 =	sld [smem:$0x3FB2];
	_ =	sdelay $0x3  }
0x37: {  	[smem:$0x3FB2] =	sst s10  }
0x38: {  	s10 =	sld [smem:$0x3FB3]  }
0x39: {  	_ = 	snop;
	(pc) =	sbr.ind lr, $3  }
0x3a: {  	_ = 	snop  }
0x3b: {  	_ = 	snop  }
0x3c: {  	p2 =	seq.s32 s10, $0x1;
	s10 =	sld [smem:$0x3FB2]  }
0x3d: {  	_ =	shalt  }
0x3e: {  	_ =	shalt  }
0x3f: {  	_ =	shalt  }
0x40: {  	_ =	shalt  }
0x41: {  	_ =	shalt  }
0x42: {  	_ =	shalt  }
0x43: {  	_ =	shalt  }
0x44: {  	_ =	shalt  }
0x45: {  	_ =	shalt  }
0x46: {  	_ =	shalt  }
0x47: {  	_ =	shalt  }
0x48: {  	_ =	shalt  }
0x49: {  	_ =	shalt  }
0x4a: {  	_ =	shalt  }
0x4b: {  	_ =	shalt  }
0x4c: {  	_ =	shalt  }
0x4d: {  	_ =	shalt  }
0x4e: {  	_ =	shalt  }
0x4f: {  	_ =	shalt  }
0x50: {  	_ =	shalt  }
0x51: {  	_ =	shalt  }
0x52: {  	_ =	shalt  }
0x53: {  	_ =	shalt  }
0x54: {  	_ =	shalt  }
0x55: {  	_ =	shalt  }
0x56: {  	_ =	shalt  }
0x57: {  	_ =	shalt  }
0x58: {  	_ =	shalt  }
0x59: {  	_ =	shalt  }
0x5a: {  	_ =	shalt  }
0x5b: {  	_ =	shalt  }
0x5c: {  	_ =	shalt  }
0x5d: {  	_ =	shalt  }
0x5e: {  	_ =	shalt  }
0x5f: {  	_ =	shalt  }
0x60: {  	_ =	shalt  }
0x61: {  	_ =	shalt  }
0x62: {  	_ =	shalt  }
0x63: {  	_ =	shalt  }
0x64: {  	_ =	shalt  }
0x65: {  	_ =	shalt  }
0x66: {  	_ =	shalt  }
0x67: {  	_ =	shalt  }
0x68: {  	_ =	shalt  }
0x69: {  	_ =	shalt  }
0x6a: {  	_ =	shalt  }
0x6b: {  	_ =	shalt  }
0x6c: {  	_ =	shalt  }
0x6d: {  	_ =	shalt  }
0x6e: {  	_ =	shalt  }
0x6f: {  	_ =	shalt  }
0x70: {  	_ =	shalt  }
0x71: {  	_ =	shalt  }
0x72: {  	_ =	shalt  }
0x73: {  	_ =	shalt  }
0x74: {  	_ =	shalt  }
0x75: {  	_ =	shalt  }
0x76: {  	_ =	shalt  }
0x77: {  	_ =	shalt  }
0x78: {  	_ =	shalt  }
0x79: {  	_ =	shalt  }
0x7a: {  	_ =	shalt  }
0x7b: {  	_ =	shalt  }
0x7c: {  	_ =	shalt  }
0x7d: {  	_ =	shalt  }
0x7e: {  	_ =	shalt  }
0x7f: {  	_ =	shalt  }
0x80: {  	_ =	shalt  }
0x81: {  	_ =	shalt  }
0x82: {  	_ =	shalt  }
0x83: {  	_ =	shalt  }
0x84: {  	_ =	shalt  }
0x85: {  	_ =	shalt  }
0x86: {  	_ =	shalt  }
0x87: {  	_ =	shalt  }
.Lfunc_end0:
.L_simem_size_0:
called_computation.1_lowered:
.L_overlay_start_0:
0x88: {  	s2 =	sld [smem:$0x3FD9]  }
0x89: {  	s3 =	sld [smem:$0x3FFE];
	_ =	sdelay $0x1  }
0x8a: {  	s1 =	srdreg.scid  }
0x8b: {  	s0 =	sand.u32 $0x1, s1  }
0x8c: {  	s16 =	sshll.u32 s0, $0xA;
	s2 =	sadd.s32 s3, s2  }
0x8d: {  	s2 =	sadd.s32 s2, s16  }
0x8e: {  	[smem:$0x3FBE] =	sst s2  }
0x8f: {  	_ = 	snop  }
0x90: {  	(tm) =	ssettm $0x1  }
0x91: {  	s17 =	sld [smem:$0x3FFB];
	_ =	sdelay $0x3  }
0x92: {  	_ =	strace s17  }
0x93: {  	s2 =	sld [smem:$0x3FFC];
	_ =	sdelay $0x3  }
0x94: {  	_ =	strace s2  }
0x95: {  	s2 =	sld [smem:$0x3FFD];
	_ =	sdelay $0x3  }
0x96: {  	_ =	strace s2  }
0x97: {  	_ =	strace $0x8FFFFFFF  }
0x98: {  	s18 =	sld [smem:$0x3FDB];
	_ =	sdelay $0x1  }
0x99: {  	s19 =	simm.s32 $_scs_section_size  }
0x9a: {  	s4 =	simm.s32 $_size__tile_overlayer_lowered;
	s5 =	simm.s32 $_tile_overlayer_lowered  }
0x9b: {  	s22 =	simm.s32 $0x1BFF;
	s21 =	sshll.u32 s5, $0x1;
	s2 =	sadd.s32 s19, s18  }
0x9c: {  	s6 =	simm.s32 $0x0;
	s20 =	sshll.u32 s4, $0x1;
	s4 =	sadd.s32 s21, s2  }
0x9d: {  	[timem:s6], [sflag:s22] =	dma.local [hbm:s4], s20  }
0x9e: {  	_ =	swait.ge [sflag:s22], s20  }
0x9f: {  	s3 =	ssub.s32 $0x0, s20;
	[sflag:s22] =	ssyncset.done $0x0  }
0xa0: {  	[sflag:s22] =	ssyncadd.s32 s3;
	_ =	sdelay $0x1  }
0xa1: {  	s23 =	simm.s32 $0x1B8B  }
0xa2: {  	_ =	swait.ge [sflag:s23], $0x1  }
0xa3: {  	[sflag:s23] =	ssyncset.done $0x0  }
0xa4: {  	s25 =	simm.s32 $0x1B8E;
	s24 =	sld [smem:$0x3FFE];
	[sflag:s23] =	ssyncadd.s32 $0xFFFFFFFF  }
0xa5: {  	s26 =	simm.s32 $execute0_lowered;
	[smem:$0x3FD2] =	sst s25  }
0xa6: {  	s4 =	sshll.u32 s26, $0x1;
	_ =	strace $0x80000046;
	[dreg:$0x1] =	wrdreg $0xFFFFFFFF  }
0xa7: {  	s28 =	simm.s32 $_size_execute0_lowered;
	s2 =	sadd.s32 s2, s4;
	[dreg:$0x0] =	wrdreg $0x0  }
0xa8: {  	s4 =	sshll.u32 s28, $0x1;
	[dreg:$0x2] =	wrdreg s2  }
0xa9: {  	[dreg:$0x3] =	wrdreg s4  }
0xaa: {  	[dreg:$0x4] =	wrdreg $0xC0  }
0xab: {  	_ =	task [dreg:s6], $0x5FFFF  }
0xac: {  	[dreg:$0x1] =	wrdreg $0xFFFFFFFF  }
0xad: {  	[dreg:$0x0] =	wrdreg $0x60  }
0xae: {  	[dreg:$0x2] =	wrdreg s24  }
0xaf: {  	[dreg:$0x3] =	wrdreg $0xA  }
0xb0: {  	_ =	task.clear_ibuf [dreg:s6], $0x4FFFF;
	_ =	strace $0x90000046  }
0xb1: {  	s29 =	simm.s32 $0xA;
	_ =	strace $0x80000048  }
0xb2: {  	_ =	swait.ge [sflag:s29], $0x1  }
0xb3: {  	[sflag:s29] =	ssyncadd.s32 $0xFFFFFFFF  }
0xb4: {  	_ =	strace $0x90000048  }
0xb5: {  	_ =	sfence  }
0xb6: {  	s30 =	sld [smem:$0x0];
	_ =	sdelay $0x2  }
0xb7: {  	s31 =	sshll.u32 s1, $0xD;
	s1 =	sshrl.u32 s1, $0x2  }
0xb8: {  	s3 =	sand.u32 $0x4000, s31;
	s1 =	sadd.s32 s1, s30  }
0xb9: {  	s0 =	sor.u32 s3, s0;
	s1 =	sshll.u32 s1, $0x11  }
0xba: {  	s0 =	sor.u32 s1, s0  }
0xbb: {  	s0 =	sadd.s32 $0x8F2B, s0  }
0xbc: {  	[sflag:s0] =	ssyncadd.remote.s32 $0x1  }
0xbd: {  	_ =	sfence.sel $0xFFFF  }
0xbe: {  	[dreg:$0x0] =	wrdreg $0xFFFFFFFF;
	(pc) =	sbr.abs _section_cstart, $3  }
0xbf: {  	[dreg:$0x1] =	wrdreg $0xFFFFFFFF  }
0xc0: {  	_ =	task.clear_ibuf [dreg:s6], $0x2FFFF;
	_ =	strace $0x9FFFFFFF  }
0xc1: {  	(tm) =	ssettm $0x7FFFFFFF  }
tec
execute0_lowered:
.L_overlay_start_1:
0x0: {  	(tag) =	ssettag $0x1  }
0x1: {  	s7 =	rddreg [dreg:$0x0]  }
0x2: {  	s0 =	rddreg [dreg:$0x1];
	_ =	strace $0x80000047  }
0x3: {  	s1 =	srdreg.scid;
	s4 =	simm.s32 $0x1;
	s9 =	simm.s32 $0x3  }
0x4: {  	s12 =	simm.s32 $0x0;
	s10 =	simm.s32 $0x0;
	s5 =	sshll.u32 s1, $0x4  }
.Ltmp0:
0x5: {  	s1 =	stileid.u32;
	s5 =	sand.u32 $0x10, s5;
	(pc) =	sbr.rel .LBB2_1-.Ltmp0, $4  }
0x6: {  	s2 =	sadd.s32 $0x1800, s7;
	s3 =	sadd.s32 $0x1600, s7;
	s6 =	sor.u32 s1, s5  }
0x7: {  	[sflag:s4] =	ssyncpa.u1 $0x0;
	s5 =	simm.s32 $0x2;
	s6 =	sshll.u32 s6, $0x6  }
0x8: {  	s7 =	sadd.s32 $0x9800, s7;
	[sflag:s5] =	ssyncpa.u1 $0x0;
	s8 =	sadd.s32 $0x40, s6  }
0x9: {  	vm0 =	vmmov $0xff;
	vm1 =	vcmask $0x3F20;
	[sflag:s9] =	ssyncpa.u1 $0x0;
	s9 =	simm.s32 $0x40;
	s11 =	smov.u32 s6  }
.LBB2_9:
0xa: {  	p0 =	seq.s32 s10, $0x2  }
.Ltmp1:
0xb: {  	_ = 	snop;
	(pc) =	sbr.rel @p0 .LBB2_11-.Ltmp1, $1  }
0xc: {  	_ =	sdelay $0x3  }
.LBB2_10:
0xd: {  	s12 =	sadd.s32 $0x40, s11  }
0xe: {  	s13 =	smov.u32 s6;
	p0 =	slt.s32 s12, s8  }
0xf: {  	s13 =	smov.u32 @p0 s12  }
0x10: {  	s10 =	sadd.s32 $0x1, s10;
	s12 =	smov.u32 s11;
	s11 =	smov.u32 s13  }
.LBB2_1:
0x11: {  	p0 =	sne.s32 s10, $0x0  }
.Ltmp2:
0x12: {  	_ = 	snop;
	(pc) =	sbr.rel @!p0 .LBB2_2-.Ltmp2, $1  }
0x13: {  	_ =	sdelay $0x3  }
0x14: {  	s13 =	sand.u32 $0x1, s10  }
0x15: {  	p0 =	seq.s32 s13, $0x0  }
.Ltmp3:
0x16: {  	_ = 	snop;
	(pc) =	sbr.rel @p0 .LBB2_9-.Ltmp3, $1  }
0x17: {  	_ =	sdelay $0x3  }
0x18: {  	_ =	swait.ge [sflag:s5], $0x40  }
0x19: {  	[sflag:s5] =	ssyncset.done $0x0  }
0x1a: {  	s13 =	simm.s32 $0x0;
	[sflag:s5] =	ssyncadd.s32 $0xFFFFFFC0  }
0x1b: {  	v0 =	vld.msk [tilespmem:s13+$0x40 ss:$0x1], $0xffff;
	_ =	sdelay $0x4  }
0x1c: {  	vm2 =	vgt.s32 v0, $0x0  }
0x1d: {  	v0 =	vnsel vm2, $0x0, v0  }
0x1e: {  	v0 =	vmin.u32 v0, $0x7FF  }
0x1f: {  	v0 =	vshll.u32 v0, $0x4;
	_ =	sdelay $0x3  }
0x20: {  	s13 =	simm.s32 $0x2080  }
0x21: {  	[tilespmem:s13], [sflag:$0x1] =	stream.indirect_vreg.gather [hbm:s2], $0x80, v0, vm0, $0x38;
	[tilespmem:$0x4080] =	vst v63  }
0x22: {  	s14 =	simm.s32 $0x2480;
	s31 =	simm.s32 $0x10  }
0x23: {  	[tilespmem:s14], [sflag:$0x1] =	stream.indirect_vreg.gather [hbm:s2], $0x80, v0, vm1, $0x38;
	[tilespmem:$0x4080] =	vst v63  }
0x24: {  	s14 =	simm.s32 $0x80;
	v0 =	vld.msk [tilespmem:s31+$0x40 ss:$0x1], $0xffff  }
.LBB2_5:
0x25: {  	p0 =	sne.s32 s14, $0xC0;
	_ =	sdelay $0x4  }
0x26: {  	vm2 =	vgt.s32 v0, $0x0  }
0x27: {  	v0 =	vnsel vm2, $0x0, v0  }
0x28: {  	v0 =	vmin.u32 v0, $0x7FF  }
0x29: {  	v0 =	vshll.u32 v0, $0x4;
	_ =	sdelay $0x3  }
.Ltmp4:
0x2a: {  	s13 =	sadd.s32 $0x800, s13;
	(pc) =	sbr.rel @p0 .LBB2_5-.Ltmp4, $4  }
0x2b: {  	[tilespmem:s13], [sflag:$0x1] =	stream.indirect_vreg.gather [hbm:s2], $0x80, v0, vm0, $0x38;
	[tilespmem:$0x4080] =	vst v63  }
0x2c: {  	s15 =	sshra.s32 s14, $0x2;
	s16 =	sadd.s32 $0x400, s13  }
0x2d: {  	[tilespmem:s16], [sflag:$0x1] =	stream.indirect_vreg.gather [hbm:s2], $0x80, v0, vm1, $0x38;
	[tilespmem:$0x4080] =	vst v63  }
0x2e: {  	s14 =	sadd.s32 $0x40, s14;
	v0 =	vld.msk [tilespmem:s15+$0x40 ss:$0x1], $0xffff  }
0x2f: {  	_ =	sdelay $0x3  }
0x30: {  	vm2 =	vgt.s32 v0, $0x0  }
0x31: {  	v0 =	vnsel vm2, $0x0, v0  }
0x32: {  	v0 =	vmin.u32 v0, $0x7FF  }
0x33: {  	v0 =	vshll.u32 v0, $0x4;
	_ =	sdelay $0x3  }
0x34: {  	s13 =	sadd.s32 $0x800, s13  }
0x35: {  	[tilespmem:s13], [sflag:$0x1] =	stream.indirect_vreg.gather [hbm:s2], $0x80, v0, vm0, $0x38;
	[tilespmem:$0x4080] =	vst v63  }
0x36: {  	s13 =	sadd.s32 $0x400, s13  }
0x37: {  	[tilespmem:s13], [sflag:$0x1] =	stream.indirect_vreg.gather [hbm:s2], $0x80, v0, vm1, $0x38;
	[tilespmem:$0x4080] =	vst v63  }
0x38: {  	s12 =	sshll.u32 s12, $0x4;
	s14 =	simm.s32 $0x80;
	_ =	swait.ge [sflag:s4], $0x2000  }
0x39: {  	s15 =	simm.s32 $0x2480;
	s12 =	sadd.s32 s12, s7;
	[sflag:s4] =	ssyncset.done $0x0  }
0x3a: {  	s16 =	sadd.s32 $0x0, s12;
	s13 =	simm.s32 $0x2080;
	[sflag:s4] =	ssyncadd.s32 $0xFFFFE000  }
.LBB2_7:
0x3b: {  	[hbm:s16] =	stream.linear.scatter [tilespmem:s13], [sflag:$0x3], $0x400, $0x38;
	[tilespmem:$0x4080] =	vst v63  }
0x3c: {  	s16 =	smov.u32 s14;
	s13 =	smov.u32 s15;
	p0 =	sne.s32 s14, $0x380  }
.Ltmp5:
0x3d: {  	s14 =	sadd.s32 $0x80, s14;
	(pc) =	sbr.rel @p0 .LBB2_7-.Ltmp5, $2  }
0x3e: {  	_ =	sdelay $0x2  }
0x3f: {  	s15 =	sadd.s32 $0x400, s15;
	s16 =	sadd.s32 s16, s12  }
.Ltmp6:
0x40: {  	(pc) =	sbr.rel .LBB2_9-.Ltmp6, $2  }
0x41: {  	_ =	sdelay $0x2  }
0x42: {  	[hbm:s16] =	stream.linear.scatter [tilespmem:s13], [sflag:$0x3], $0x400, $0x38;
	[tilespmem:$0x4080] =	vst v63  }
.LBB2_2:
.Ltmp7:
0x43: {  	(pc) =	sbr.rel .LBB2_10-.Ltmp7, $4  }
0x44: {  	_ = 	snop  }
0x45: {  	s12 =	sshrl.u32 s11, $0x3  }
0x46: {  	s13 =	sand.u32 $0x7, s11;
	s12 =	sadd.s32 s3, s12  }
0x47: {  	[tilespmem:s9], [sflag:$0x2] =	stream.linear.gather [hbm4b:s12+s13], $0x40, $0x38;
	[tilespmem:$0x4080] =	vst v63  }
.LBB2_11:
0x48: {  	s2 =	simm.s32 $0x3  }
0x49: {  	_ =	swait.ge [sflag:s2], $0x2000  }
0x4a: {  	[sflag:s2] =	ssyncset.done $0x0  }
0x4b: {  	[sflag:s2] =	ssyncadd.s32 $0xFFFFE000  }
0x4c: {  	_ =	sfence.sel $0x180000  }
0x4d: {  	s3 =	simm.s32 $0x2;
	[bflag:$0x0] =	sbarrier.arrive $0xFFFF  }
0x4e: {  	[sflag:s3] =	ssyncpa.u1 $0x1  }
0x4f: {  	s31 =	simm.s32 $0x1;
	[sflag:s2] =	ssyncpa.u1 $0x1  }
0x50: {  	[sflag:s31] =	ssyncpa.u1 $0x1  }
0x51: {  	p0 =	sne.s32 s1, $0x0;
	_ =	strace $0x90000047  }
0x52: {  	s0 =	sadd.s32 @!p0 $0x100000, s0;
	[bflag:$0x2] =	sbarrier.arrive $0xFFFF  }
0x53: {  	[sflag:s0] =	ssyncadd.tile.s32 @!p0 $0x1;
	_ =	shalt  }
.Lfunc_end2:
_tile_overlayer_lowered:
.L_overlay_start_2:
0x54: {  	(tag) =	ssettag $0x2  }
0x55: {  	s0 =	rddreg [dreg:$0x0];
	s2 =	stileid.u32  }
0x56: {  	s1 =	rddreg [dreg:$0x1];
	p0 =	sne.s32 s2, $0x0  }
0x57: {  	s3 =	rddreg [dreg:$0x2];
	[bflag:$0x3] =	sbarrier.arrive $0xFFFF;
	s2 =	simm.s32 @!p0 $0x1C01  }
0x58: {  	[timem:s3], [sflag:s2] =	dma.local @!p0 [hbm:s0], s1  }
0x59: {  	s0 =	simm.s32 @!p0 $0x1  }
0x5a: {  	_ =	swait.ge @!p0 [sflag:s0], s1  }
0x5b: {  	s1 =	ssub.s32 @!p0 $0x0, s1;
	[sflag:s0] =	ssyncset.done @!p0 $0x0  }
0x5c: {  	[sflag:s0] =	ssyncadd.s32 @!p0 s1  }
0x5d: {  	[bflag:$0x3] =	sbarrier.arrive $0xFFFF  }
0x5e: {  	_ =	shalt  }

// kernel: gather_offload_async_start
scs
__scs_entry_jumppad:
0x0: {  	(pc) =	sbr.rel $0x88, $3  }
0x1: {  	(tag) =	ssettag $0x0;
	lr =	simm.s32 $0x1  }
0x2: {  	[smem:$0x3F97] =	sst lr;
	_ =	strace $0xD0000000  }
0x3: {  	_ = 	snop  }
0x4: {  	_ = 	snop  }
0x5: {  	_ = 	snop  }
0x6: {  	_ = 	snop  }
0x7: {  	_ = 	snop  }
__scs_overlays_trampoline_lowered:
0x8: {  	[smem:$0x3FA6] =	sst s0  }
0x9: {  	[smem:$0x3FA7] =	sst s1  }
0xa: {  	[smem:$0x3FA8] =	sst s2  }
0xb: {  	[smem:$0x3FA9] =	sst s3  }
0xc: {  	[smem:$0x3FAA] =	sst s4  }
0xd: {  	[smem:$0x3FAB] =	sst s5  }
0xe: {  	[smem:$0x3FAC] =	sst s6  }
0xf: {  	[smem:$0x3FAD] =	sst s7  }
0x10: {  	[smem:$0x3FAE] =	sst s8  }
0x11: {  	[smem:$0x3FAF] =	sst s9;
	s0 =	simm.s32 @!p0 $0x0  }
0x12: {  	s1 =	sld [smem:$0x3F95];
	s0 =	simm.s32 @p0 $0x1  }
0x13: {  	[smem:$0x3FB0] =	sst s0;
	s0 =	simm.s32 @!p1 $0x0  }
0x14: {  	s2 =	sld [smem:$0x3F94];
	s0 =	simm.s32 @p1 $0x1  }
0x15: {  	[smem:$0x3FB1] =	sst s0;
	s0 =	simm.s32 @!p2 $0x0  }
0x16: {  	s3 =	sld [smem:$0x3FDB];
	s0 =	simm.s32 @p2 $0x1  }
0x17: {  	s4 =	simm.s32 $0x1BF5;
	[smem:$0x3FB3] =	sst s0  }
0x18: {  	s0 =	sld [smem:$0x3F96];
	_ =	swait.ge [sflag:s4], $0x0  }
0x19: {  	s7 =	sld [smem:$0x3F97]  }
0x1a: {  	s8 =	sadd.s32 $0xFFFFE003, lr  }
0x1b: {  	s9 =	sadd.s32 $0xFFFFFEF7, lr;
	s5 =	simm.s32 $0xFFFFFFFF;
	p2 =	slt.u32 s8, $0xFFFFF086  }
0x1c: {  	p1 =	slt.u32 s9, $0xF7A;
	s5 =	simm.s32 @!p2 $0x0  }
0x1d: {  	s5 =	simm.s32 @p1 $0x1;
	p0 =	seq.s32 s7, s2  }
0x1e: {  	s7 =	smul.u32 @!p0 $0xF7A, s2;
	p2 =	seq.s32 @!p0 s5, $0x0  }
0x1f: {  	s9 =	smul.u32 $0xF7A, s1;
	s8 =	simm.s32 @!p0 $0x1BF5;
	p2 =	por !p2, p0  }
0x20: {  	[sflag:s8] =	ssyncset.s32 @!p0 $0xFFFFF086;
	s6 =	sadd.s32 @!p0 s3, s7;
	s7 =	simm.s32 @!p0 $0x108  }
0x21: {  	s3 =	sadd.s32 s3, s9;
	s6 =	sadd.s32 @!p0 $0x88, s6;
	s7 =	simm.s32 @p2 $0x1082  }
0x22: {  	[simem:s7], [sflag:s8] =	dma.local @!p0 [hbm:s6], $0xF7A  }
0x23: {  	s9 =	sor.u32 $0xD0000000, s2;
	s6 =	simm.s32 $0x108;
	_ =	swait.ge @!p0 [sflag:s8], $0x0  }
0x24: {  	s3 =	sadd.s32 $0x88, s3;
	s6 =	simm.s32 @!p1 $0x1082;
	[sflag:s4] =	ssyncset.s32 $0xFFFFF086  }
0x25: {  	[simem:s6], [sflag:s4] =	dma.local [hbm:s3], $0xF7A  }
0x26: {  	[smem:$0x3F97] =	sst s1;
	(tag) =	ssettag s2;
	_ =	strace s9  }
0x27: {  	s1 =	sld [smem:$0x3FA7]  }
0x28: {  	s2 =	sld [smem:$0x3FA8]  }
0x29: {  	s4 =	sld [smem:$0x3FAA]  }
0x2a: {  	p0 =	seq.s32 s5, $0x0;
	s5 =	sld [smem:$0x3FAB]  }
0x2b: {  	s6 =	sld [smem:$0x3FAC]  }
0x2c: {  	s7 =	sld [smem:$0x3FAD]  }
0x2d: {  	s3 =	simm.s32 $0x108;
	s8 =	sld [smem:$0x3FAE]  }
0x2e: {  	s3 =	simm.s32 @!p0 $0x1082;
	s9 =	sld [smem:$0x3FAF]  }
0x2f: {  	lr =	sadd.s32 s0, s3;
	s0 =	sld [smem:$0x3FA6]  }
0x30: {  	s3 =	sld [smem:$0x3FA9]  }
0x31: {  	[smem:$0x3FB2] =	sst s10  }
0x32: {  	s10 =	sld [smem:$0x3FB0];
	_ =	sdelay $0x3  }
0x33: {  	p0 =	seq.s32 s10, $0x1;
	s10 =	sld [smem:$0x3FB2];
	_ =	sdelay $0x3  }
0x34: {  	[smem:$0x3FB2] =	sst s10  }
0x35: {  	s10 =	sld [smem:$0x3FB1];
	_ =	sdelay $0x3  }
0x36: {  	p1 =	seq.s32 s10, $0x1;
	s10 =	sld [smem:$0x3FB2];
	_ =	sdelay $0x3  }
0x37: {  	[smem:$0x3FB2] =	sst s10  }
0x38: {  	s10 =	sld [smem:$0x3FB3]  }
0x39: {  	_ = 	snop;
	(pc) =	sbr.ind lr, $3  }
0x3a: {  	_ = 	snop  }
0x3b: {  	_ = 	snop  }
0x3c: {  	p2 =	seq.s32 s10, $0x1;
	s10 =	sld [smem:$0x3FB2]  }
0x3d: {  	_ =	shalt  }
0x3e: {  	_ =	shalt  }
0x3f: {  	_ =	shalt  }
0x40: {  	_ =	shalt  }
0x41: {  	_ =	shalt  }
0x42: {  	_ =	shalt  }
0x43: {  	_ =	shalt  }
0x44: {  	_ =	shalt  }
0x45: {  	_ =	shalt  }
0x46: {  	_ =	shalt  }
0x47: {  	_ =	shalt  }
0x48: {  	_ =	shalt  }
0x49: {  	_ =	shalt  }
0x4a: {  	_ =	shalt  }
0x4b: {  	_ =	shalt  }
0x4c: {  	_ =	shalt  }
0x4d: {  	_ =	shalt  }
0x4e: {  	_ =	shalt  }
0x4f: {  	_ =	shalt  }
0x50: {  	_ =	shalt  }
0x51: {  	_ =	shalt  }
0x52: {  	_ =	shalt  }
0x53: {  	_ =	shalt  }
0x54: {  	_ =	shalt  }
0x55: {  	_ =	shalt  }
0x56: {  	_ =	shalt  }
0x57: {  	_ =	shalt  }
0x58: {  	_ =	shalt  }
0x59: {  	_ =	shalt  }
0x5a: {  	_ =	shalt  }
0x5b: {  	_ =	shalt  }
0x5c: {  	_ =	shalt  }
0x5d: {  	_ =	shalt  }
0x5e: {  	_ =	shalt  }
0x5f: {  	_ =	shalt  }
0x60: {  	_ =	shalt  }
0x61: {  	_ =	shalt  }
0x62: {  	_ =	shalt  }
0x63: {  	_ =	shalt  }
0x64: {  	_ =	shalt  }
0x65: {  	_ =	shalt  }
0x66: {  	_ =	shalt  }
0x67: {  	_ =	shalt  }
0x68: {  	_ =	shalt  }
0x69: {  	_ =	shalt  }
0x6a: {  	_ =	shalt  }
0x6b: {  	_ =	shalt  }
0x6c: {  	_ =	shalt  }
0x6d: {  	_ =	shalt  }
0x6e: {  	_ =	shalt  }
0x6f: {  	_ =	shalt  }
0x70: {  	_ =	shalt  }
0x71: {  	_ =	shalt  }
0x72: {  	_ =	shalt  }
0x73: {  	_ =	shalt  }
0x74: {  	_ =	shalt  }
0x75: {  	_ =	shalt  }
0x76: {  	_ =	shalt  }
0x77: {  	_ =	shalt  }
0x78: {  	_ =	shalt  }
0x79: {  	_ =	shalt  }
0x7a: {  	_ =	shalt  }
0x7b: {  	_ =	shalt  }
0x7c: {  	_ =	shalt  }
0x7d: {  	_ =	shalt  }
0x7e: {  	_ =	shalt  }
0x7f: {  	_ =	shalt  }
0x80: {  	_ =	shalt  }
0x81: {  	_ =	shalt  }
0x82: {  	_ =	shalt  }
0x83: {  	_ =	shalt  }
0x84: {  	_ =	shalt  }
0x85: {  	_ =	shalt  }
0x86: {  	_ =	shalt  }
0x87: {  	_ =	shalt  }
.Lfunc_end0:
.L_simem_size_0:
called_computation_lowered:
.L_overlay_start_0:
0x88: {  	s2 =	sld [smem:$0x3FD9]  }
0x89: {  	s3 =	sld [smem:$0x3FFE];
	_ =	sdelay $0x1  }
0x8a: {  	s1 =	srdreg.scid  }
0x8b: {  	s0 =	sand.u32 $0x1, s1  }
0x8c: {  	s17 =	sshll.u32 s0, $0xA;
	s2 =	sadd.s32 s3, s2  }
0x8d: {  	s2 =	sadd.s32 s2, s17  }
0x8e: {  	[smem:$0x3FBE] =	sst s2  }
0x8f: {  	_ = 	snop  }
0x90: {  	(tm) =	ssettm $0x1  }
0x91: {  	s18 =	sld [smem:$0x3FFB];
	_ =	sdelay $0x3  }
0x92: {  	_ =	strace s18  }
0x93: {  	s2 =	sld [smem:$0x3FFC];
	_ =	sdelay $0x3  }
0x94: {  	_ =	strace s2  }
0x95: {  	s2 =	sld [smem:$0x3FFD];
	_ =	sdelay $0x3  }
0x96: {  	_ =	strace s2  }
0x97: {  	_ =	strace $0x8FFFFFFF  }
0x98: {  	s19 =	sld [smem:$0x3FDB];
	_ =	sdelay $0x1  }
0x99: {  	s20 =	simm.s32 $_scs_section_size  }
0x9a: {  	s4 =	simm.s32 $_size__tile_overlayer_lowered;
	s5 =	simm.s32 $_tile_overlayer_lowered  }
0x9b: {  	s6 =	simm.s32 $0x1BFF;
	s21 =	sshll.u32 s5, $0x1;
	s3 =	sadd.s32 s20, s19  }
0x9c: {  	s22 =	simm.s32 $0x0;
	s4 =	sshll.u32 s4, $0x1;
	s5 =	sadd.s32 s21, s3  }
0x9d: {  	[timem:s22], [sflag:s6] =	dma.local [hbm:s5], s4  }
0x9e: {  	_ =	swait.ge [sflag:s6], s4  }
0x9f: {  	s4 =	ssub.s32 $0x0, s4;
	[sflag:s6] =	ssyncset.done $0x0  }
0xa0: {  	[sflag:s6] =	ssyncadd.s32 s4;
	_ =	sdelay $0x1  }
0xa1: {  	s23 =	simm.s32 $0x1B8B  }
0xa2: {  	_ =	swait.ge [sflag:s23], $0x1  }
0xa3: {  	[sflag:s23] =	ssyncset.done $0x0  }
0xa4: {  	[sflag:s23] =	ssyncadd.s32 $0xFFFFFFFF  }
0xa5: {  	s4 =	sld [smem:$0x0]  }
0xa6: {  	s5 =	sand.u32 $0xFFFFFFFE, s1  }
0xa7: {  	p0 =	sne.s32 s1, s5  }
0xa8: {  	s5 =	sshll.u32 @p0 s5, $0xE  }
0xa9: {  	s5 =	sadd.s32 @p0 $0x11B8D, s5;
	s6 =	sshll.u32 @p0 s4, $0x11  }
0xaa: {  	s5 =	sor.u32 @p0 s6, s5  }
0xab: {  	[sflag:s5] =	ssyncadd.remote.s32 @p0 $0x1;
	_ =	sdelay $0x1  }
0xac: {  	s5 =	simm.s32 @p0 $0x1B8D  }
0xad: {  	_ =	swait.eq @p0 [sflag:s5], $0x1  }
0xae: {  	[sflag:s5] =	ssyncadd.s32 @p0 $0xFFFFFFFF  }
0xaf: {  	s6 =	sshll.u32 @!p0 s1, $0xE  }
0xb0: {  	s6 =	sor.u32 @!p0 $0x4000, s6;
	s5 =	simm.s32 @!p0 $0x1B8D  }
0xb1: {  	s4 =	sshll.u32 @!p0 s4, $0x11;
	s6 =	sadd.s32 @!p0 $0x11B8D, s6;
	_ =	swait.eq @!p0 [sflag:s5], $0x1  }
0xb2: {  	s4 =	sor.u32 @!p0 s4, s6;
	[sflag:s5] =	ssyncadd.s32 @!p0 $0xFFFFFFFF  }
0xb3: {  	s25 =	simm.s32 $0x1B8E;
	s24 =	sld [smem:$0x3FFE];
	[sflag:s4] =	ssyncadd.remote.s32 @!p0 $0x1  }
0xb4: {  	s26 =	simm.s32 $execute0_lowered;
	[smem:$0x3FD2] =	sst s25  }
0xb5: {  	s5 =	sshll.u32 s26, $0x1;
	_ =	strace $0x80000049;
	[dreg:$0x1] =	wrdreg $0xFFFFFFFF  }
0xb6: {  	s28 =	simm.s32 $_size_execute0_lowered;
	s3 =	sadd.s32 s3, s5;
	[dreg:$0x0] =	wrdreg $0x0  }
0xb7: {  	s5 =	sshll.u32 s28, $0x1;
	[dreg:$0x2] =	wrdreg s3  }
0xb8: {  	[dreg:$0x3] =	wrdreg s5  }
0xb9: {  	[dreg:$0x4] =	wrdreg $0xC0  }
0xba: {  	_ =	task [dreg:s22], $0x5FFFF  }
0xbb: {  	[dreg:$0x1] =	wrdreg $0xFFFFFFFF  }
0xbc: {  	[dreg:$0x0] =	wrdreg $0x60  }
0xbd: {  	[dreg:$0x2] =	wrdreg s24  }
0xbe: {  	[dreg:$0x3] =	wrdreg $0x9  }
0xbf: {  	_ =	task.clear_ibuf [dreg:s22], $0x4FFFF;
	_ =	strace $0x90000049  }
0xc0: {  	s29 =	simm.s32 $0x9;
	_ =	strace $0x8000004B  }
0xc1: {  	_ =	swait.ge [sflag:s29], $0x1  }
0xc2: {  	[sflag:s29] =	ssyncadd.s32 $0xFFFFFFFF  }
0xc3: {  	_ =	strace $0x9000004B  }
0xc4: {  	_ =	sfence  }
0xc5: {  	s30 =	sld [smem:$0x0];
	_ =	sdelay $0x2  }
0xc6: {  	s31 =	sshll.u32 s1, $0xD;
	s1 =	sshrl.u32 s1, $0x2  }
0xc7: {  	s4 =	sand.u32 $0x4000, s31;
	s1 =	sadd.s32 s1, s30  }
0xc8: {  	s0 =	sor.u32 s4, s0;
	s1 =	sshll.u32 s1, $0x11  }
0xc9: {  	s0 =	sor.u32 s1, s0  }
0xca: {  	s0 =	sadd.s32 $0x8F2B, s0  }
0xcb: {  	[sflag:s0] =	ssyncadd.remote.s32 $0x1  }
0xcc: {  	_ =	sfence.sel $0xFFFF  }
0xcd: {  	[dreg:$0x0] =	wrdreg $0xFFFFFFFF;
	(pc) =	sbr.abs _section_cstart, $3  }
0xce: {  	[dreg:$0x1] =	wrdreg $0xFFFFFFFF  }
0xcf: {  	_ =	task.clear_ibuf [dreg:s22], $0x2FFFF;
	_ =	strace $0x9FFFFFFF  }
0xd0: {  	(tm) =	ssettm $0x7FFFFFFF  }
0xd1: {  	_ =	shalt  }
tec
execute0_lowered:
.L_overlay_start_1:
0x0: {  	(tag) =	ssettag $0x1  }
0x1: {  	s7 =	rddreg [dreg:$0x0]  }
0x2: {  	s0 =	rddreg [dreg:$0x1];
	_ =	strace $0x8000004A  }
0x3: {  	s1 =	srdreg.scid;
	s4 =	simm.s32 $0x1;
	s9 =	simm.s32 $0x3  }
0x4: {  	s12 =	simm.s32 $0x0;
	s10 =	simm.s32 $0x0;
	s5 =	sshll.u32 s1, $0x4  }
.Ltmp0:
0x5: {  	s1 =	stileid.u32;
	s5 =	sand.u32 $0x10, s5;
	(pc) =	sbr.rel .LBB2_1-.Ltmp0, $4  }
0x6: {  	s2 =	sadd.s32 $0x11800, s7;
	s3 =	sadd.s32 $0x1600, s7;
	s6 =	sor.u32 s1, s5  }
0x7: {  	[sflag:s4] =	ssyncpa.u1 $0x0;
	s5 =	simm.s32 $0x2;
	s6 =	sshll.u32 s6, $0x6  }
0x8: {  	s7 =	sadd.s32 $0x19800, s7;
	[sflag:s5] =	ssyncpa.u1 $0x0;
	s8 =	sadd.s32 $0x40, s6  }
0x9: {  	vm0 =	vmmov $0xff;
	vm1 =	vcmask $0x3F20;
	[sflag:s9] =	ssyncpa.u1 $0x0;
	s9 =	simm.s32 $0x40;
	s11 =	smov.u32 s6  }
.LBB2_9:
0xa: {  	p0 =	seq.s32 s10, $0x2  }
.Ltmp1:
0xb: {  	_ = 	snop;
	(pc) =	sbr.rel @p0 .LBB2_11-.Ltmp1, $1  }
0xc: {  	_ =	sdelay $0x3  }
.LBB2_10:
0xd: {  	s12 =	sadd.s32 $0x40, s11  }
0xe: {  	s13 =	smov.u32 s6;
	p0 =	slt.s32 s12, s8  }
0xf: {  	s13 =	smov.u32 @p0 s12  }
0x10: {  	s10 =	sadd.s32 $0x1, s10;
	s12 =	smov.u32 s11;
	s11 =	smov.u32 s13  }
.LBB2_1:
0x11: {  	p0 =	sne.s32 s10, $0x0  }
.Ltmp2:
0x12: {  	_ = 	snop;
	(pc) =	sbr.rel @!p0 .LBB2_2-.Ltmp2, $1  }
0x13: {  	_ =	sdelay $0x3  }
0x14: {  	s13 =	sand.u32 $0x1, s10  }
0x15: {  	p0 =	seq.s32 s13, $0x0  }
.Ltmp3:
0x16: {  	_ = 	snop;
	(pc) =	sbr.rel @p0 .LBB2_9-.Ltmp3, $1  }
0x17: {  	_ =	sdelay $0x3  }
0x18: {  	_ =	swait.ge [sflag:s5], $0x40  }
0x19: {  	[sflag:s5] =	ssyncset.done $0x0  }
0x1a: {  	s13 =	simm.s32 $0x0;
	[sflag:s5] =	ssyncadd.s32 $0xFFFFFFC0  }
0x1b: {  	v0 =	vld.msk [tilespmem:s13+$0x40 ss:$0x1], $0xffff;
	_ =	sdelay $0x4  }
0x1c: {  	vm2 =	vgt.s32 v0, $0x0  }
0x1d: {  	v0 =	vnsel vm2, $0x0, v0  }
0x1e: {  	v0 =	vmin.u32 v0, $0x7FF  }
0x1f: {  	v0 =	vshll.u32 v0, $0x4;
	_ =	sdelay $0x3  }
0x20: {  	s13 =	simm.s32 $0x2080  }
0x21: {  	[tilespmem:s13], [sflag:$0x1] =	stream.indirect_vreg.gather [hbm:s2], $0x80, v0, vm0, $0x38;
	[tilespmem:$0x4080] =	vst v63  }
0x22: {  	s14 =	simm.s32 $0x2480;
	s31 =	simm.s32 $0x10  }
0x23: {  	[tilespmem:s14], [sflag:$0x1] =	stream.indirect_vreg.gather [hbm:s2], $0x80, v0, vm1, $0x38;
	[tilespmem:$0x4080] =	vst v63  }
0x24: {  	s14 =	simm.s32 $0x80;
	v0 =	vld.msk [tilespmem:s31+$0x40 ss:$0x1], $0xffff  }
.LBB2_5:
0x25: {  	p0 =	sne.s32 s14, $0xC0;
	_ =	sdelay $0x4  }
0x26: {  	vm2 =	vgt.s32 v0, $0x0  }
0x27: {  	v0 =	vnsel vm2, $0x0, v0  }
0x28: {  	v0 =	vmin.u32 v0, $0x7FF  }
0x29: {  	v0 =	vshll.u32 v0, $0x4;
	_ =	sdelay $0x3  }
.Ltmp4:
0x2a: {  	s13 =	sadd.s32 $0x800, s13;
	(pc) =	sbr.rel @p0 .LBB2_5-.Ltmp4, $4  }
0x2b: {  	[tilespmem:s13], [sflag:$0x1] =	stream.indirect_vreg.gather [hbm:s2], $0x80, v0, vm0, $0x38;
	[tilespmem:$0x4080] =	vst v63  }
0x2c: {  	s15 =	sshra.s32 s14, $0x2;
	s16 =	sadd.s32 $0x400, s13  }
0x2d: {  	[tilespmem:s16], [sflag:$0x1] =	stream.indirect_vreg.gather [hbm:s2], $0x80, v0, vm1, $0x38;
	[tilespmem:$0x4080] =	vst v63  }
0x2e: {  	s14 =	sadd.s32 $0x40, s14;
	v0 =	vld.msk [tilespmem:s15+$0x40 ss:$0x1], $0xffff  }
0x2f: {  	_ =	sdelay $0x3  }
0x30: {  	vm2 =	vgt.s32 v0, $0x0  }
0x31: {  	v0 =	vnsel vm2, $0x0, v0  }
0x32: {  	v0 =	vmin.u32 v0, $0x7FF  }
0x33: {  	v0 =	vshll.u32 v0, $0x4;
	_ =	sdelay $0x3  }
0x34: {  	s13 =	sadd.s32 $0x800, s13  }
0x35: {  	[tilespmem:s13], [sflag:$0x1] =	stream.indirect_vreg.gather [hbm:s2], $0x80, v0, vm0, $0x38;
	[tilespmem:$0x4080] =	vst v63  }
0x36: {  	s13 =	sadd.s32 $0x400, s13  }
0x37: {  	[tilespmem:s13], [sflag:$0x1] =	stream.indirect_vreg.gather [hbm:s2], $0x80, v0, vm1, $0x38;
	[tilespmem:$0x4080] =	vst v63  }
0x38: {  	s12 =	sshll.u32 s12, $0x4;
	s14 =	simm.s32 $0x80;
	_ =	swait.ge [sflag:s4], $0x2000  }
0x39: {  	s15 =	simm.s32 $0x2480;
	s12 =	sadd.s32 s12, s7;
	[sflag:s4] =	ssyncset.done $0x0  }
0x3a: {  	s16 =	sadd.s32 $0x0, s12;
	s13 =	simm.s32 $0x2080;
	[sflag:s4] =	ssyncadd.s32 $0xFFFFE000  }
.LBB2_7:
0x3b: {  	[hbm:s16] =	stream.linear.scatter [tilespmem:s13], [sflag:$0x3], $0x400, $0x38;
	[tilespmem:$0x4080] =	vst v63  }
0x3c: {  	s16 =	smov.u32 s14;
	s13 =	smov.u32 s15;
	p0 =	sne.s32 s14, $0x380  }
.Ltmp5:
0x3d: {  	s14 =	sadd.s32 $0x80, s14;
	(pc) =	sbr.rel @p0 .LBB2_7-.Ltmp5, $2  }
0x3e: {  	_ =	sdelay $0x2  }
0x3f: {  	s15 =	sadd.s32 $0x400, s15;
	s16 =	sadd.s32 s16, s12  }
.Ltmp6:
0x40: {  	(pc) =	sbr.rel .LBB2_9-.Ltmp6, $2  }
0x41: {  	_ =	sdelay $0x2  }
0x42: {  	[hbm:s16] =	stream.linear.scatter [tilespmem:s13], [sflag:$0x3], $0x400, $0x38;
	[tilespmem:$0x4080] =	vst v63  }
.LBB2_2:
.Ltmp7:
0x43: {  	(pc) =	sbr.rel .LBB2_10-.Ltmp7, $4  }
0x44: {  	_ = 	snop  }
0x45: {  	s12 =	sshrl.u32 s11, $0x3  }
0x46: {  	s13 =	sand.u32 $0x7, s11;
	s12 =	sadd.s32 s3, s12  }
0x47: {  	[tilespmem:s9], [sflag:$0x2] =	stream.linear.gather [hbm4b:s12+s13], $0x40, $0x38;
	[tilespmem:$0x4080] =	vst v63  }
.LBB2_11:
0x48: {  	s2 =	simm.s32 $0x3  }
0x49: {  	_ =	swait.ge [sflag:s2], $0x2000  }
0x4a: {  	[sflag:s2] =	ssyncset.done $0x0  }
0x4b: {  	[sflag:s2] =	ssyncadd.s32 $0xFFFFE000  }
0x4c: {  	_ =	sfence.sel $0x180000  }
0x4d: {  	s3 =	simm.s32 $0x2;
	[bflag:$0x0] =	sbarrier.arrive $0xFFFF  }
0x4e: {  	[sflag:s3] =	ssyncpa.u1 $0x1  }
0x4f: {  	s31 =	simm.s32 $0x1;
	[sflag:s2] =	ssyncpa.u1 $0x1  }
0x50: {  	[sflag:s31] =	ssyncpa.u1 $0x1  }
0x51: {  	p0 =	sne.s32 s1, $0x0;
	_ =	strace $0x9000004A  }
0x52: {  	s0 =	sadd.s32 @!p0 $0x100000, s0;
	[bflag:$0x2] =	sbarrier.arrive $0xFFFF  }
0x53: {  	[sflag:s0] =	ssyncadd.tile.s32 @!p0 $0x1;
	_ =	shalt  }
.Lfunc_end2:
_tile_overlayer_lowered:
.L_overlay_start_2:
0x54: {  	(tag) =	ssettag $0x2  }
0x55: {  	s0 =	rddreg [dreg:$0x0];
	s2 =	stileid.u32  }
0x56: {  	s1 =	rddreg [dreg:$0x1];
	p0 =	sne.s32 s2, $0x0  }
0x57: {  	s3 =	rddreg [dreg:$0x2];
	[bflag:$0x3] =	sbarrier.arrive $0xFFFF;
	s2 =	simm.s32 @!p0 $0x1C01  }
0x58: {  	[timem:s3], [sflag:s2] =	dma.local @!p0 [hbm:s0], s1  }
0x59: {  	s0 =	simm.s32 @!p0 $0x1  }
0x5a: {  	_ =	swait.ge @!p0 [sflag:s0], s1  }
0x5b: {  	s1 =	ssub.s32 @!p0 $0x0, s1;
	[sflag:s0] =	ssyncset.done @!p0 $0x0  }
0x5c: {  	[sflag:s0] =	ssyncadd.s32 @!p0 s1  }
0x5d: {  	[bflag:$0x3] =	sbarrier.arrive $0xFFFF  }
0x5e: {  	_ =	shalt  }

// kernel: kernel.6.cloned.1.call-start
scs
__scs_entry_jumppad:
0x0: {  	(pc) =	sbr.rel $0x88, $3  }
0x1: {  	(tag) =	ssettag $0x0;
	lr =	simm.s32 $0x1  }
0x2: {  	[smem:$0x3F97] =	sst lr;
	_ =	strace $0xD0000000  }
0x3: {  	_ = 	snop  }
0x4: {  	_ = 	snop  }
0x5: {  	_ = 	snop  }
0x6: {  	_ = 	snop  }
0x7: {  	_ = 	snop  }
__scs_overlays_trampoline_lowered:
0x8: {  	[smem:$0x3FA6] =	sst s0  }
0x9: {  	[smem:$0x3FA7] =	sst s1  }
0xa: {  	[smem:$0x3FA8] =	sst s2  }
0xb: {  	[smem:$0x3FA9] =	sst s3  }
0xc: {  	[smem:$0x3FAA] =	sst s4  }
0xd: {  	[smem:$0x3FAB] =	sst s5  }
0xe: {  	[smem:$0x3FAC] =	sst s6  }
0xf: {  	[smem:$0x3FAD] =	sst s7  }
0x10: {  	[smem:$0x3FAE] =	sst s8  }
0x11: {  	[smem:$0x3FAF] =	sst s9;
	s0 =	simm.s32 @!p0 $0x0  }
0x12: {  	s1 =	sld [smem:$0x3F95];
	s0 =	simm.s32 @p0 $0x1  }
0x13: {  	[smem:$0x3FB0] =	sst s0;
	s0 =	simm.s32 @!p1 $0x0  }
0x14: {  	s2 =	sld [smem:$0x3F94];
	s0 =	simm.s32 @p1 $0x1  }
0x15: {  	[smem:$0x3FB1] =	sst s0;
	s0 =	simm.s32 @!p2 $0x0  }
0x16: {  	s3 =	sld [smem:$0x3FDB];
	s0 =	simm.s32 @p2 $0x1  }
0x17: {  	s4 =	simm.s32 $0x1BF5;
	[smem:$0x3FB3] =	sst s0  }
0x18: {  	s0 =	sld [smem:$0x3F96];
	_ =	swait.ge [sflag:s4], $0x0  }
0x19: {  	s7 =	sld [smem:$0x3F97]  }
0x1a: {  	s8 =	sadd.s32 $0xFFFFE003, lr  }
0x1b: {  	s9 =	sadd.s32 $0xFFFFFEF7, lr;
	s5 =	simm.s32 $0xFFFFFFFF;
	p2 =	slt.u32 s8, $0xFFFFF086  }
0x1c: {  	p1 =	slt.u32 s9, $0xF7A;
	s5 =	simm.s32 @!p2 $0x0  }
0x1d: {  	s5 =	simm.s32 @p1 $0x1;
	p0 =	seq.s32 s7, s2  }
0x1e: {  	s7 =	smul.u32 @!p0 $0xF7A, s2;
	p2 =	seq.s32 @!p0 s5, $0x0  }
0x1f: {  	s9 =	smul.u32 $0xF7A, s1;
	s8 =	simm.s32 @!p0 $0x1BF5;
	p2 =	por !p2, p0  }
0x20: {  	[sflag:s8] =	ssyncset.s32 @!p0 $0xFFFFF086;
	s6 =	sadd.s32 @!p0 s3, s7;
	s7 =	simm.s32 @!p0 $0x108  }
0x21: {  	s3 =	sadd.s32 s3, s9;
	s6 =	sadd.s32 @!p0 $0x88, s6;
	s7 =	simm.s32 @p2 $0x1082  }
0x22: {  	[simem:s7], [sflag:s8] =	dma.local @!p0 [hbm:s6], $0xF7A  }
0x23: {  	s9 =	sor.u32 $0xD0000000, s2;
	s6 =	simm.s32 $0x108;
	_ =	swait.ge @!p0 [sflag:s8], $0x0  }
0x24: {  	s3 =	sadd.s32 $0x88, s3;
	s6 =	simm.s32 @!p1 $0x1082;
	[sflag:s4] =	ssyncset.s32 $0xFFFFF086  }
0x25: {  	[simem:s6], [sflag:s4] =	dma.local [hbm:s3], $0xF7A  }
0x26: {  	[smem:$0x3F97] =	sst s1;
	(tag) =	ssettag s2;
	_ =	strace s9  }
0x27: {  	s1 =	sld [smem:$0x3FA7]  }
0x28: {  	s2 =	sld [smem:$0x3FA8]  }
0x29: {  	s4 =	sld [smem:$0x3FAA]  }
0x2a: {  	p0 =	seq.s32 s5, $0x0;
	s5 =	sld [smem:$0x3FAB]  }
0x2b: {  	s6 =	sld [smem:$0x3FAC]  }
0x2c: {  	s7 =	sld [smem:$0x3FAD]  }
0x2d: {  	s3 =	simm.s32 $0x108;
	s8 =	sld [smem:$0x3FAE]  }
0x2e: {  	s3 =	simm.s32 @!p0 $0x1082;
	s9 =	sld [smem:$0x3FAF]  }
0x2f: {  	lr =	sadd.s32 s0, s3;
	s0 =	sld [smem:$0x3FA6]  }
0x30: {  	s3 =	sld [smem:$0x3FA9]  }
0x31: {  	[smem:$0x3FB2] =	sst s10  }
0x32: {  	s10 =	sld [smem:$0x3FB0];
	_ =	sdelay $0x3  }
0x33: {  	p0 =	seq.s32 s10, $0x1;
	s10 =	sld [smem:$0x3FB2];
	_ =	sdelay $0x3  }
0x34: {  	[smem:$0x3FB2] =	sst s10  }
0x35: {  	s10 =	sld [smem:$0x3FB1];
	_ =	sdelay $0x3  }
0x36: {  	p1 =	seq.s32 s10, $0x1;
	s10 =	sld [smem:$0x3FB2];
	_ =	sdelay $0x3  }
0x37: {  	[smem:$0x3FB2] =	sst s10  }
0x38: {  	s10 =	sld [smem:$0x3FB3]  }
0x39: {  	_ = 	snop;
	(pc) =	sbr.ind lr, $3  }
0x3a: {  	_ = 	snop  }
0x3b: {  	_ = 	snop  }
0x3c: {  	p2 =	seq.s32 s10, $0x1;
	s10 =	sld [smem:$0x3FB2]  }
0x3d: {  	_ =	shalt  }
0x3e: {  	_ =	shalt  }
0x3f: {  	_ =	shalt  }
0x40: {  	_ =	shalt  }
0x41: {  	_ =	shalt  }
0x42: {  	_ =	shalt  }
0x43: {  	_ =	shalt  }
0x44: {  	_ =	shalt  }
0x45: {  	_ =	shalt  }
0x46: {  	_ =	shalt  }
0x47: {  	_ =	shalt  }
0x48: {  	_ =	shalt  }
0x49: {  	_ =	shalt  }
0x4a: {  	_ =	shalt  }
0x4b: {  	_ =	shalt  }
0x4c: {  	_ =	shalt  }
0x4d: {  	_ =	shalt  }
0x4e: {  	_ =	shalt  }
0x4f: {  	_ =	shalt  }
0x50: {  	_ =	shalt  }
0x51: {  	_ =	shalt  }
0x52: {  	_ =	shalt  }
0x53: {  	_ =	shalt  }
0x54: {  	_ =	shalt  }
0x55: {  	_ =	shalt  }
0x56: {  	_ =	shalt  }
0x57: {  	_ =	shalt  }
0x58: {  	_ =	shalt  }
0x59: {  	_ =	shalt  }
0x5a: {  	_ =	shalt  }
0x5b: {  	_ =	shalt  }
0x5c: {  	_ =	shalt  }
0x5d: {  	_ =	shalt  }
0x5e: {  	_ =	shalt  }
0x5f: {  	_ =	shalt  }
0x60: {  	_ =	shalt  }
0x61: {  	_ =	shalt  }
0x62: {  	_ =	shalt  }
0x63: {  	_ =	shalt  }
0x64: {  	_ =	shalt  }
0x65: {  	_ =	shalt  }
0x66: {  	_ =	shalt  }
0x67: {  	_ =	shalt  }
0x68: {  	_ =	shalt  }
0x69: {  	_ =	shalt  }
0x6a: {  	_ =	shalt  }
0x6b: {  	_ =	shalt  }
0x6c: {  	_ =	shalt  }
0x6d: {  	_ =	shalt  }
0x6e: {  	_ =	shalt  }
0x6f: {  	_ =	shalt  }
0x70: {  	_ =	shalt  }
0x71: {  	_ =	shalt  }
0x72: {  	_ =	shalt  }
0x73: {  	_ =	shalt  }
0x74: {  	_ =	shalt  }
0x75: {  	_ =	shalt  }
0x76: {  	_ =	shalt  }
0x77: {  	_ =	shalt  }
0x78: {  	_ =	shalt  }
0x79: {  	_ =	shalt  }
0x7a: {  	_ =	shalt  }
0x7b: {  	_ =	shalt  }
0x7c: {  	_ =	shalt  }
0x7d: {  	_ =	shalt  }
0x7e: {  	_ =	shalt  }
0x7f: {  	_ =	shalt  }
0x80: {  	_ =	shalt  }
0x81: {  	_ =	shalt  }
0x82: {  	_ =	shalt  }
0x83: {  	_ =	shalt  }
0x84: {  	_ =	shalt  }
0x85: {  	_ =	shalt  }
0x86: {  	_ =	shalt  }
0x87: {  	_ =	shalt  }
.Lfunc_end0:
.L_simem_size_0:
called_computation.2_lowered:
.L_overlay_start_0:
0x88: {  	s2 =	sld [smem:$0x3FD9]  }
0x89: {  	s3 =	sld [smem:$0x3FFE];
	_ =	sdelay $0x1  }
0x8a: {  	s1 =	srdreg.scid  }
0x8b: {  	s0 =	sand.u32 $0x1, s1  }
0x8c: {  	s14 =	sshll.u32 s0, $0xA;
	s2 =	sadd.s32 s3, s2  }
0x8d: {  	s2 =	sadd.s32 s2, s14  }
0x8e: {  	[smem:$0x3FBE] =	sst s2  }
0x8f: {  	_ = 	snop  }
0x90: {  	s2 =	sld [smem:$0x3FD0];
	_ =	sdelay $0x2  }
0x91: {  	s15 =	simm.s32 $0xB;
	s4 =	simm.s32 $0x10  }
0x92: {  	[smem:s4], [sflag:s15] =	dma.local [hbm:s2], $0x1  }
0x93: {  	_ =	swait.eq [sflag:s15], $0x1  }
0x94: {  	[sflag:s15] =	ssyncset.done $0x0  }
0x95: {  	s16 =	sld [smem:$0x10];
	[sflag:s15] =	ssyncadd.s32 $0xFFFFFFFF  }
0x96: {  	s17 =	sld [smem:$0x11];
	(tm) =	ssettm $0x1  }
0x97: {  	s18 =	sld [smem:$0x3FFB];
	_ =	sdelay $0x3  }
0x98: {  	_ =	strace s18  }
0x99: {  	s4 =	sld [smem:$0x3FFC];
	_ =	sdelay $0x3  }
0x9a: {  	_ =	strace s4  }
0x9b: {  	s4 =	sld [smem:$0x3FFD];
	_ =	sdelay $0x3  }
0x9c: {  	_ =	strace s4  }
0x9d: {  	_ =	strace $0x8FFFFFFF  }
0x9e: {  	s19 =	sld [smem:$0x3FDB];
	_ =	sdelay $0x1  }
0x9f: {  	s5 =	simm.s32 $_scs_section_size  }
0xa0: {  	s6 =	simm.s32 $_size__tile_overlayer_lowered;
	s7 =	simm.s32 $_tile_overlayer_lowered  }
0xa1: {  	s22 =	simm.s32 $0x1BFF;
	s21 =	sshll.u32 s7, $0x1;
	s4 =	sadd.s32 s5, s19  }
0xa2: {  	s8 =	simm.s32 $0x0;
	s20 =	sshll.u32 s6, $0x1;
	s6 =	sadd.s32 s21, s4  }
0xa3: {  	[timem:s8], [sflag:s22] =	dma.local [hbm:s6], s20  }
0xa4: {  	_ =	swait.ge [sflag:s22], s20  }
0xa5: {  	s5 =	ssub.s32 $0x0, s20;
	[sflag:s22] =	ssyncset.done $0x0  }
0xa6: {  	[sflag:s22] =	ssyncadd.s32 s5;
	_ =	sdelay $0x1  }
0xa7: {  	s23 =	simm.s32 $0x1B8B  }
0xa8: {  	_ =	swait.ge [sflag:s23], $0x1  }
0xa9: {  	[sflag:s23] =	ssyncset.done $0x0  }
0xaa: {  	s25 =	simm.s32 $0x1B8E;
	s24 =	sld [smem:$0x3FFE];
	[sflag:s23] =	ssyncadd.s32 $0xFFFFFFFF  }
0xab: {  	s26 =	simm.s32 $execute0_lowered;
	[smem:$0x3FD2] =	sst s25  }
0xac: {  	s6 =	sshll.u32 s26, $0x1;
	_ =	strace $0x8000004C;
	[dreg:$0x1] =	wrdreg $0xFFFFFFFF  }
0xad: {  	s28 =	simm.s32 $_size_execute0_lowered;
	s4 =	sadd.s32 s4, s6;
	[dreg:$0x0] =	wrdreg $0x0  }
0xae: {  	s6 =	sshll.u32 s28, $0x1;
	[dreg:$0x2] =	wrdreg s4  }
0xaf: {  	[dreg:$0x3] =	wrdreg s6  }
0xb0: {  	[dreg:$0x4] =	wrdreg $0xC0  }
0xb1: {  	_ =	task [dreg:s8], $0x5FFFF  }
0xb2: {  	[dreg:$0x1] =	wrdreg $0xFFFFFFFF  }
0xb3: {  	[dreg:$0x0] =	wrdreg $0x60  }
0xb4: {  	[dreg:$0x2] =	wrdreg s24  }
0xb5: {  	[dreg:$0x3] =	wrdreg s17  }
0xb6: {  	[dreg:$0x4] =	wrdreg s16  }
0xb7: {  	[dreg:$0x5] =	wrdreg $0x9  }
0xb8: {  	_ =	task.clear_ibuf [dreg:s8], $0x6FFFF;
	_ =	strace $0x9000004C  }
0xb9: {  	s29 =	simm.s32 $0x9;
	_ =	strace $0x8000004E  }
0xba: {  	_ =	swait.ge [sflag:s29], $0x1  }
0xbb: {  	[sflag:s29] =	ssyncadd.s32 $0xFFFFFFFF  }
0xbc: {  	_ =	strace $0x9000004E  }
0xbd: {  	_ =	sfence  }
0xbe: {  	s30 =	sld [smem:$0x0];
	_ =	sdelay $0x2  }
0xbf: {  	s31 =	sshll.u32 s1, $0xD;
	s1 =	sshrl.u32 s1, $0x2  }
0xc0: {  	s3 =	sand.u32 $0x4000, s31;
	s1 =	sadd.s32 s1, s30  }
0xc1: {  	s0 =	sor.u32 s3, s0;
	s1 =	sshll.u32 s1, $0x11  }
0xc2: {  	s0 =	sor.u32 s1, s0  }
0xc3: {  	s0 =	sadd.s32 $0x8F2B, s0  }
0xc4: {  	[sflag:s0] =	ssyncadd.remote.s32 $0x1  }
0xc5: {  	_ =	sfence.sel $0xFFFF  }
0xc6: {  	[dreg:$0x0] =	wrdreg $0xFFFFFFFF;
	(pc) =	sbr.abs _section_cstart, $3  }
0xc7: {  	[dreg:$0x1] =	wrdreg $0xFFFFFFFF  }
0xc8: {  	_ =	task.clear_ibuf [dreg:s8], $0x2FFFF;
	_ =	strace $0x9FFFFFFF  }
0xc9: {  	(tm) =	ssettm $0x7FFFFFFF  }
tec
execute0_lowered:
.L_overlay_start_1:
0x0: {  	(tag) =	ssettag $0x1  }
0x1: {  	s7 =	rddreg [dreg:$0x0]  }
0x2: {  	s2 =	rddreg [dreg:$0x1]  }
0x3: {  	s3 =	rddreg [dreg:$0x2];
	s4 =	srdreg.scid  }
0x4: {  	s0 =	rddreg [dreg:$0x3];
	s1 =	stileid.u32  }
0x5: {  	s10 =	simm.s32 $0x800;
	s11 =	simm.s32 $0x1;
	s12 =	simm.s32 $0x880  }
0x6: {  	s13 =	simm.s32 $0x80;
	s14 =	simm.s32 $0x400;
	s15 =	simm.s32 $0xB00  }
0x7: {  	s16 =	simm.s32 $0x900;
	s17 =	simm.s32 $0x0;
	s6 =	sand.u32 $0x1, s4  }
0x8: {  	s4 =	simm.s32 $0x0;
	s5 =	sshll.u32 s1, $0x7;
	s8 =	sshll.u32 s6, $0x6  }
0x9: {  	[smem:$0x7FF] =	sst s4;
	s9 =	ssub.s32 $0x2, s6;
	s5 =	sor.u32 s8, s5  }
0xa: {  	s6 =	sadd.s32 $0x1600, s7;
	s31 =	sshrl.u32 s9, $0x1;
	s8 =	sshrl.u32 s5, $0x3  }
0xb: {  	_ =	strace $0x8000004D;
	s9 =	ssub.s32 s9, s31;
	s8 =	sadd.s32 s8, s7  }
0xc: {  	v0 =	vlaneseq.u32;
	v1 =	vimm.s32 $0x0;
	s9 =	smax.u32 s9, $0x1;
	s7 =	sadd.s32 $0x81800, s8;
	s8 =	sadd.s32 $0x81600, s8  }
.LBB2_1:
0xd: {  	[tilespmem:s10], [sflag:$0x1] =	stream.linear.gather [hbm4b:s7+s4], $0x40, $0x38;
	[tilespmem:$0xD00] =	vst v63  }
0xe: {  	_ =	swait.ge [sflag:s11], $0x40  }
0xf: {  	[sflag:s11] =	ssyncset.done $0x0  }
0x10: {  	[sflag:s11] =	ssyncadd.s32 $0xFFFFFFC0  }
0x11: {  	[tilespmem:s12], [sflag:$0x1] =	stream.linear.gather [hbm4b:s8+s4], $0x40, $0x38;
	[tilespmem:$0xD00] =	vst v63  }
0x12: {  	_ =	swait.ge [sflag:s11], $0x40  }
0x13: {  	[sflag:s11] =	ssyncset.done $0x0  }
0x14: {  	s18 =	simm.s32 $0x0;
	[sflag:s11] =	ssyncadd.s32 $0xFFFFFFC0  }
.LBB2_2:
0x15: {  	s19 =	sor.u32 s5, s18  }
0x16: {  	s20 =	sshll.u32 s18, $0x7;
	s19 =	sshrl.u32 s19, $0x3  }
0x17: {  	s20 =	sand.u32 $0x380, s20;
	s21 =	sshll.u32 s19, $0xE  }
0x18: {  	s21 =	sor.u32 s20, s21  }
0x19: {  	s21 =	sshrl.u32 s21, $0x3  }
0x1a: {  	v2 =	vmov s18;
	s22 =	sadd.s32 s6, s21;
	s21 =	simm.s32 $0x0  }
0x1b: {  	[tilespmem:s21], [sflag:$0x1] =	stream.strided.gather [hbm4b:s22+s13], $0x800, s14, s13, $0x38;
	[tilespmem:$0xD00] =	vst v63  }
0x1c: {  	_ =	swait.ge [sflag:s11], $0x800  }
0x1d: {  	[sflag:s11] =	ssyncset.done $0x0  }
0x1e: {  	[sflag:s11] =	ssyncadd.s32 $0xFFFFF800  }
0x1f: {  	v3 =	vld.idx.msk [tilespmem:v2+s12+$0x0], $0xffff;
	_ =	sdelay $0x4  }
0x20: {  	v5 =	vimm.s32 $0x0;
	v4 =	vimm.s32 $0x0;
	v2 =	vld.idx.msk [tilespmem:v2+s10+$0x0], $0xffff;
	v3 =	vsub.s32 $0x200, v3  }
.LBB2_3:
0x21: {  	v6 =	vor.u32 s21, v0;
	_ =	sdelay $0x4  }
0x22: {  	v7 =	vld.idx.msk [tilespmem:v6+s4+$0x0], $0xffff;
	_ =	sdelay $0x4  }
0x23: {  	v8 =	vxor.u32 $0x7FFFFFFF, v7;
	vm0 =	vlt.s32 v7, $0x0  }
0x24: {  	v8 =	vsel vm0, v8, v7  }
0x25: {  	vm0 =	veq.s32 v8, v2  }
0x26: {  	v9 =	vsel vm0, $0x1, v1  }
0x27: {  	(xrf0) =	vadd.scan.msk.s32 $0xffff, v9;
	_ =	sdelay $0x4  }
0x28: {  	v38 =	vsel vm0, $0xFFFFFFFF, v1  }
0x29: {  	v9 =	vadd.s32 v38, v5;
	v10, _, _ =	vpop (xrf0)  }
0x2a: {  	v9 =	vadd.s32 v10, v9  }
0x2b: {  	vm1 =	vlt.s32 v9, v3  }
0x2c: {  	vm2 =	vgt.s32 v8, v2;
	vm1 =	vmand vm0, vm1  }
0x2d: {  	vm1 =	vmor vm2, vm1  }
0x2e: {  	v39 =	vsel vm1, $0x1, v1  }
0x2f: {  	(xrf0) =	vadd.scan.msk.s32 $0xffff, v39;
	_ =	sdelay $0x5  }
0x30: {  	v40, _, _ =	vpop (xrf0)  }
0x31: {  	v8 =	vsub.s32 v40, v39  }
0x32: {  	v8 =	vadd.s32 v4, v8  }
0x33: {  	s22 =	sadd.s32 $0x10, s21  }
0x34: {  	v41 =	vor.u32 s22, v0;
	_ =	sdelay $0x2  }
0x35: {  	[tilespmem:v8+s15+$0x0] =	vst.idx.msk vm1, v7  }
0x36: {  	[tilespmem:v8+s16+$0x0] =	vst.idx.msk vm1, v6  }
0x37: {  	v6 =	vld.idx.msk [tilespmem:v41+s4+$0x0], $0xffff;
	_ =	sdelay $0x4  }
0x38: {  	v7 =	vxor.u32 $0x7FFFFFFF, v6;
	vm8 =	vlt.s32 v6, $0x0  }
0x39: {  	v7 =	vsel vm8, v7, v6  }
0x3a: {  	vm2 =	veq.s32 v7, v2  }
0x3b: {  	v42 =	vsel vm2, $0x1, v1  }
0x3c: {  	(xrf0) =	vadd.scan.msk.s32 $0xffff, v42;
	_ =	sdelay $0x2  }
0x3d: {  	v43 =	vmpcnt.ones.xlane vm0;
	_ =	sdelay $0x1  }
0x3e: {  	v5 =	vadd.s32 v5, v43;
	v44 =	vsel vm2, $0xFFFFFFFF, v1  }
0x3f: {  	v8 =	vadd.s32 v44, v5;
	v45, _, _ =	vpop (xrf0)  }
0x40: {  	v8 =	vadd.s32 v45, v8  }
0x41: {  	vm9 =	vlt.s32 v8, v3  }
0x42: {  	vm3 =	vgt.s32 v7, v2;
	vm0 =	vmand vm2, vm9  }
0x43: {  	vm0 =	vmor vm3, vm0  }
0x44: {  	v7 =	vsel vm0, $0x1, v1  }
0x45: {  	(xrf0) =	vadd.scan.msk.s32 $0xffff, v7;
	_ =	sdelay $0x4  }
0x46: {  	v46 =	vmpcnt.ones.xlane vm1  }
0x47: {  	v47, _, _ =	vpop (xrf0)  }
0x48: {  	v4 =	vadd.s32 v4, v46;
	v7 =	vsub.s32 v47, v7  }
0x49: {  	v7 =	vadd.s32 v4, v7  }
0x4a: {  	s30 =	sadd.s32 $0x20, s21  }
0x4b: {  	v48 =	vor.u32 s30, v0;
	_ =	sdelay $0x2  }
0x4c: {  	[tilespmem:v7+s15+$0x0] =	vst.idx.msk vm0, v6  }
0x4d: {  	[tilespmem:v7+s16+$0x0] =	vst.idx.msk vm0, v41  }
0x4e: {  	v6 =	vld.idx.msk [tilespmem:v48+s4+$0x0], $0xffff;
	_ =	sdelay $0x4  }
0x4f: {  	v7 =	vxor.u32 $0x7FFFFFFF, v6;
	vm10 =	vlt.s32 v6, $0x0  }
0x50: {  	v7 =	vsel vm10, v7, v6  }
0x51: {  	vm1 =	veq.s32 v7, v2  }
0x52: {  	v49 =	vsel vm1, $0x1, v1  }
0x53: {  	(xrf0) =	vadd.scan.msk.s32 $0xffff, v49;
	_ =	sdelay $0x2  }
0x54: {  	v50 =	vmpcnt.ones.xlane vm2;
	_ =	sdelay $0x1  }
0x55: {  	v5 =	vadd.s32 v5, v50;
	v51 =	vsel vm1, $0xFFFFFFFF, v1  }
0x56: {  	v9 =	vadd.s32 v51, v5;
	v52, _, _ =	vpop (xrf0)  }
0x57: {  	v9 =	vadd.s32 v52, v9  }
0x58: {  	vm11 =	vlt.s32 v9, v3  }
0x59: {  	vm12 =	vgt.s32 v7, v2;
	vm2 =	vmand vm1, vm11  }
0x5a: {  	vm2 =	vmor vm12, vm2  }
0x5b: {  	v7 =	vsel vm2, $0x1, v1  }
0x5c: {  	(xrf0) =	vadd.scan.msk.s32 $0xffff, v7;
	_ =	sdelay $0x4  }
0x5d: {  	v53 =	vmpcnt.ones.xlane vm0  }
0x5e: {  	v54, _, _ =	vpop (xrf0)  }
0x5f: {  	v4 =	vadd.s32 v4, v53;
	v7 =	vsub.s32 v54, v7  }
0x60: {  	v7 =	vadd.s32 v4, v7  }
0x61: {  	s31 =	sadd.s32 $0x30, s21  }
0x62: {  	v55 =	vor.u32 s31, v0;
	_ =	sdelay $0x2  }
0x63: {  	[tilespmem:v7+s15+$0x0] =	vst.idx.msk vm2, v6  }
0x64: {  	[tilespmem:v7+s16+$0x0] =	vst.idx.msk vm2, v48  }
0x65: {  	v6 =	vld.idx.msk [tilespmem:v55+s4+$0x0], $0xffff;
	_ =	sdelay $0x4  }
0x66: {  	v7 =	vxor.u32 $0x7FFFFFFF, v6;
	vm13 =	vlt.s32 v6, $0x0  }
0x67: {  	v7 =	vsel vm13, v7, v6  }
0x68: {  	vm0 =	veq.s32 v7, v2  }
0x69: {  	v56 =	vsel vm0, $0x1, v1  }
0x6a: {  	(xrf0) =	vadd.scan.msk.s32 $0xffff, v56;
	_ =	sdelay $0x2  }
0x6b: {  	v57 =	vmpcnt.ones.xlane vm1;
	_ =	sdelay $0x1  }
0x6c: {  	v5 =	vadd.s32 v5, v57;
	v58 =	vsel vm0, $0xFFFFFFFF, v1  }
0x6d: {  	v8 =	vadd.s32 v58, v5;
	v59, _, _ =	vpop (xrf0)  }
0x6e: {  	v8 =	vadd.s32 v59, v8  }
0x6f: {  	vm14 =	vlt.s32 v8, v3  }
0x70: {  	vm15 =	vgt.s32 v7, v2;
	vm1 =	vmand vm0, vm14  }
0x71: {  	vm1 =	vmor vm15, vm1  }
0x72: {  	v7 =	vsel vm1, $0x1, v1  }
0x73: {  	(xrf0) =	vadd.scan.msk.s32 $0xffff, v7;
	_ =	sdelay $0x4  }
0x74: {  	v60 =	vmpcnt.ones.xlane vm2  }
0x75: {  	v61, _, _ =	vpop (xrf0)  }
0x76: {  	v4 =	vadd.s32 v4, v60;
	v7 =	vsub.s32 v61, v7  }
0x77: {  	v7 =	vadd.s32 v4, v7  }
0x78: {  	p0 =	sne.s32 s21, $0x7C0  }
.Ltmp0:
0x79: {  	_ = 	snop;
	(pc) =	sbr.rel @p0 .LBB2_3-.Ltmp0, $4  }
0x7a: {  	_ = 	snop  }
0x7b: {  	v63 =	vmpcnt.ones.xlane vm0;
	v62 =	vmpcnt.ones.xlane vm1  }
0x7c: {  	[tilespmem:v7+s15+$0x0] =	vst.idx.msk vm1, v6  }
0x7d: {  	s21 =	sadd.s32 $0x40, s21;
	v5 =	vadd.s32 v5, v63;
	v4 =	vadd.s32 v4, v62;
	[tilespmem:v7+s16+$0x0] =	vst.idx.msk vm1, v55  }
0x7e: {  	s19 =	sshll.u32 s19, $0xC  }
0x7f: {  	s19 =	sor.u32 s20, s19  }
0x80: {  	s19 =	sshrl.u32 s19, $0x3  }
0x81: {  	s31 =	sadd.s32 s2, s19  }
0x82: {  	[hbm4b:s31+s13] =	stream.strided.scatter [tilespmem:s15], [sflag:$0x1], $0x200, s14, s13, $0x38;
	[tilespmem:$0xD00] =	vst v63  }
0x83: {  	s18 =	sadd.s32 $0x1, s18;
	_ =	swait.ge [sflag:s11], $0x200  }
0x84: {  	p0 =	sne.s32 s18, $0x40;
	[sflag:s11] =	ssyncset.done $0x0  }
.Ltmp1:
0x85: {  	s19 =	sadd.s32 s3, s19;
	[sflag:s11] =	ssyncadd.s32 $0xFFFFFE00;
	(pc) =	sbr.rel @p0 .LBB2_2-.Ltmp1, $4  }
0x86: {  	[hbm4b:s19+s13] =	stream.strided.scatter [tilespmem:s16], [sflag:$0x1], $0x200, s14, s13, $0x38;
	[tilespmem:$0xD00] =	vst v63  }
0x87: {  	_ =	swait.ge [sflag:s11], $0x200  }
0x88: {  	[sflag:s11] =	ssyncset.done $0x0  }
0x89: {  	[sflag:s11] =	ssyncadd.s32 $0xFFFFFE00  }
0x8a: {  	s17 =	sadd.s32 $0x1, s17  }
0x8b: {  	p0 =	sne.s32 s17, s9  }
.Ltmp2:
0x8c: {  	_ = 	snop;
	(pc) =	sbr.rel @p0 .LBB2_1-.Ltmp2, $1  }
0x8d: {  	_ =	sdelay $0x3  }
0x8e: {  	_ =	sfence.sel $0x180000  }
0x8f: {  	[bflag:$0x0] =	sbarrier.arrive $0xFFFF  }
0x90: {  	p0 =	sne.s32 s1, $0x0;
	_ =	strace $0x9000004D  }
0x91: {  	s0 =	sadd.s32 @!p0 $0x100000, s0;
	[bflag:$0x2] =	sbarrier.arrive $0xFFFF  }
0x92: {  	[sflag:s0] =	ssyncadd.tile.s32 @!p0 $0x1;
	_ =	shalt  }
.Lfunc_end2:
_tile_overlayer_lowered:
.L_overlay_start_2:
0x93: {  	(tag) =	ssettag $0x2  }
0x94: {  	s0 =	rddreg [dreg:$0x0];
	s2 =	stileid.u32  }
0x95: {  	s1 =	rddreg [dreg:$0x1];
	p0 =	sne.s32 s2, $0x0  }
0x96: {  	s3 =	rddreg [dreg:$0x2];
	[bflag:$0x3] =	sbarrier.arrive $0xFFFF;
	s2 =	simm.s32 @!p0 $0x1C01  }
0x97: {  	[timem:s3], [sflag:s2] =	dma.local @!p0 [hbm:s0], s1  }
0x98: {  	s0 =	simm.s32 @!p0 $0x1  }
0x99: {  	_ =	swait.ge @!p0 [sflag:s0], s1  }
0x9a: {  	s1 =	ssub.s32 @!p0 $0x0, s1;
	[sflag:s0] =	ssyncset.done @!p0 $0x0  }
0x9b: {  	[sflag:s0] =	ssyncadd.s32 @!p0 s1  }
0x9c: {  	[bflag:$0x3] =	sbarrier.arrive $0xFFFF  }
0x9d: {  	_ =	shalt  }

</sc_bundles>
